<compile_context>
chip_gen: v7x
topology: tpu7x:2x2x1
jax: 0.10.2.dev20260603
libtpu: 0.0.44.dev20260713+nightly
codegen_flags: <defaults>
</compile_context>

<pallas_src>
import jax
import jax.numpy as jnp
from jax import lax
from jax.experimental import pallas as pl
from jax.experimental.pallas import tpu as pltpu
from jax.experimental.pallas import tpu_sc as plsc

_THR = 0.5
_EPS = 1e-7
_BIG = 1e9
_BIG_TEST = 1e8

_NW = 32
_ROWS = 160
_D = 5
_MPAD = 1024
_CHUNKS = _MPAD // 16
_KBLK = 8
_NSC = _NW * _ROWS
_TCB = 256


def _body(pred_hbm, dpt_hbm, out_hbm, pred_v, dpt_v, der_v, out_v, fmin_s):
    cid = lax.axis_index("c")
    sid = lax.axis_index("s")
    wid = sid * 2 + cid

    pltpu.sync_copy(pred_hbm.at[wid], pred_v)
    pltpu.sync_copy(dpt_hbm, dpt_v)

    def pre(i, carry):
        d = i // _CHUNKS
        cc = (i % _CHUNKS) * 16
        base = d * (4 * _MPAD) + cc
        cx = dpt_v[pl.ds(base, 16)]
        cy = dpt_v[pl.ds(base + _MPAD, 16)]
        w = dpt_v[pl.ds(base + 2 * _MPAD, 16)]
        h = dpt_v[pl.ds(base + 3 * _MPAD, 16)]
        x1 = cx - w * 0.5
        x2 = cx + w * 0.5
        y1 = cy - h * 0.5
        y2 = cy + h * 0.5
        a2 = (x2 - x1) * (y2 - y1)
        ob = d * _MPAD + cc
        der_v[pl.ds(ob, 16)] = x1
        der_v[pl.ds(_D * _MPAD + ob, 16)] = x2
        der_v[pl.ds(2 * _D * _MPAD + ob, 16)] = y1
        der_v[pl.ds(3 * _D * _MPAD + ob, 16)] = y2
        der_v[pl.ds(4 * _D * _MPAD + ob, 16)] = a2
        return carry

    lax.fori_loop(0, _D * _CHUNKS, pre, 0)

    iota = lax.iota(jnp.int32, 16)
    two_iota = iota.astype(jnp.float32) * 2.0
    bigv = jnp.full((16,), _BIG, jnp.float32)
    shuf_idx = [(iota + s) % 16 for s in (8, 4, 2, 1)]

    def _lane_min(v):
        for idx in shuf_idx:
            v = jnp.minimum(v, v.at[idx].get(mode="promise_in_bounds"))
        return v[0]

    def row(i, out_vec):
        rowv = pred_v[pl.ds(i * 16, 16)]
        cx = rowv[0]
        cy = rowv[1]
        w = rowv[2]
        h = rowv[3]
        x1 = cx - w * 0.5
        x2 = cx + w * 0.5
        y1 = cy - h * 0.5
        y2 = cy + h * 0.5
        a1 = (x2 - x1) * (y2 - y1)

        if True:
            px1 = jnp.full((16,), x1, jnp.float32)
            px2 = jnp.full((16,), x2, jnp.float32)
            py1 = jnp.full((16,), y1, jnp.float32)
            py2 = jnp.full((16,), y2, jnp.float32)
            va1 = jnp.full((16,), a1, jnp.float32)
            sum_s = jnp.float32(0.0)
            cnt_s = jnp.float32(0.0)
            skip0 = jnp.where(a1 > 0.0, _BIG, 0.0)
            for d in range(_D):
                dbase = d * _MPAD
                fmin_s[0] = skip0

                def blk(b, carry):
                    @pl.when(fmin_s[0] > _BIG_TEST)
                    def _():
                        acc = bigv
                        c0 = b * _KBLK
                        jv2 = (jnp.full((16,), (c0 * 32 + 2).astype(
                            jnp.float32), jnp.float32) + two_iota)
                        for k in range(_KBLK):
                            o = dbase + (c0 + k) * 16
                            dx1 = der_v[pl.ds(o, 16)]
                            dx2 = der_v[pl.ds(_D * _MPAD + o, 16)]
                            dy1 = der_v[pl.ds(2 * _D * _MPAD + o, 16)]
                            dy2 = der_v[pl.ds(3 * _D * _MPAD + o, 16)]
                            da2 = der_v[pl.ds(4 * _D * _MPAD + o, 16)]
                            iw = jnp.maximum(
                                jnp.minimum(px2, dx2) - jnp.maximum(px1, dx1),
                                0.0)
                            ih = jnp.maximum(
                                jnp.minimum(py2, dy2) - jnp.maximum(py1, dy1),
                                0.0)
                            inter = iw * ih
                            union = (va1 + da2) - inter + _EPS
                            iou = inter / union
                            comb = jnp.where(iou > _THR, jv2 - iou, bigv)
                            acc = jnp.minimum(acc, comb)
                            if k + 1 < _KBLK:
                                jv2 = jv2 + 32.0
                        fmin_s[0] = _lane_min(acc)
                    return carry

                lax.fori_loop(0, _CHUNKS // _KBLK, blk, 0)
                fmin = fmin_s[0]
                valid = (fmin < _BIG_TEST) & (fmin > 0.0)
                tr = ((fmin - 1.0) * 0.5).astype(jnp.int32)
                iou_val = (tr * 2 + 2).astype(jnp.float32) - fmin
                sum_s = sum_s + jnp.where(valid, iou_val, 0.0)
                cnt_s = cnt_s + jnp.where(valid, 1.0, 0.0)
            rcp = jnp.where(
                cnt_s < 1.5, 1.0,
                jnp.where(cnt_s < 2.5, 0.5,
                          jnp.where(cnt_s < 3.5, jnp.float32(1.0 / 3.0),
                                    jnp.where(cnt_s < 4.5, 0.25, 0.2))))
            mean = jnp.where(cnt_s > 0.0, sum_s * rcp, 0.0)
            out_s = (mean - _THR) * 2.0

        lane = lax.rem(i, 16)
        out_vec = jnp.where(iota == lane, jnp.full((16,), out_s, jnp.float32),
                            out_vec)

        @pl.when(lane == 15)
        def _():
            out_v[pl.ds(i - 15, 16)] = out_vec

        return out_vec

    lax.fori_loop(0, _ROWS, row, jnp.zeros((16,), jnp.float32))
    pltpu.sync_copy(out_v, out_hbm.at[wid])


def _tc_body(pred_ref, dpt_ref, out_ref):
    pr = pred_ref[...]
    cx = pr[:, 0:1]
    cy = pr[:, 1:2]
    w = pr[:, 2:3]
    h = pr[:, 3:4]
    px1 = cx - w * 0.5
    px2 = cx + w * 0.5
    py1 = cy - h * 0.5
    py2 = cy + h * 0.5
    a1 = (px2 - px1) * (py2 - py1)
    key = lax.broadcasted_iota(jnp.int32, (1, _MPAD), 1).astype(
        jnp.float32) * 2.0 + 2.0
    sums = jnp.zeros((_TCB,), jnp.float32)
    cnts = jnp.zeros((_TCB,), jnp.float32)
    for d in range(_D):
        dp = dpt_ref[d]
        dcx = dp[0:1, :]
        dcy = dp[1:2, :]
        dw = dp[2:3, :]
        dh = dp[3:4, :]
        dx1 = dcx - dw * 0.5
        dx2 = dcx + dw * 0.5
        dy1 = dcy - dh * 0.5
        dy2 = dcy + dh * 0.5
        da2 = (dx2 - dx1) * (dy2 - dy1)
        iw = jnp.maximum(jnp.minimum(px2, dx2) - jnp.maximum(px1, dx1), 0.0)
        ih = jnp.maximum(jnp.minimum(py2, dy2) - jnp.maximum(py1, dy1), 0.0)
        inter = iw * ih
        union = (a1 + da2) - inter + _EPS
        iou = inter / union
        comb = jnp.where(iou > _THR, key - iou, _BIG)
        fmin = jnp.min(comb, axis=1)
        valid = (fmin < _BIG_TEST) & (fmin > 0.0)
        tr = ((fmin - 1.0) * 0.5).astype(jnp.int32)
        iou_val = (tr * 2 + 2).astype(jnp.float32) - fmin
        sums = sums + jnp.where(valid, iou_val, 0.0)
        cnts = cnts + jnp.where(valid, 1.0, 0.0)
    mean = jnp.where(cnts > 0.0, sums / jnp.maximum(cnts, 1.0), 0.0)
    out_ref[...] = (mean - _THR) * 2.0


def _tc_run(pred_tc, dpt3):
    nt = pred_tc.shape[0]
    return pl.pallas_call(
        _tc_body,
        grid=(nt // _TCB,),
        in_specs=[
            pl.BlockSpec((_TCB, 8), lambda i: (i, 0)),
            pl.BlockSpec((_D, 4, _MPAD), lambda i: (0, 0, 0)),
        ],
        out_specs=pl.BlockSpec((_TCB,), lambda i: (i,)),
        out_shape=jax.ShapeDtypeStruct((nt,), jnp.float32),
    )(pred_tc, dpt3)


@jax.jit
def _run(pred32, dpt_flat):
    mesh = plsc.VectorSubcoreMesh(core_axis_name="c", subcore_axis_name="s")
    return pl.kernel(
        _body,
        out_type=jax.ShapeDtypeStruct((_NW, _ROWS), jnp.float32),
        mesh=mesh,
        scratch_types=[
            pltpu.VMEM((_ROWS * 16,), jnp.float32),
            pltpu.VMEM((_D * 4 * _MPAD,), jnp.float32),
            pltpu.VMEM((5 * _D * _MPAD,), jnp.float32),
            pltpu.VMEM((_ROWS,), jnp.float32),
            pltpu.SMEM((1,), jnp.float32),
        ],
    )(pred32, dpt_flat)


@jax.jit
def _hybrid(pred, dpt):
    pred_sc = jnp.pad(pred[:_NSC], ((0, 0), (0, 10))).reshape(
        _NW, _ROWS * 16)
    out_sc = _run(pred_sc, dpt.reshape(-1))
    ptc = pred[_NSC:]
    nt = ptc.shape[0]
    ntp = -(-nt // _TCB) * _TCB
    ptc = jnp.pad(ptc, ((0, ntp - nt), (0, 2)))
    out_tc = _tc_run(ptc, dpt)
    return jnp.concatenate([out_sc.reshape(-1), out_tc[:nt]])


def kernel(pred, dropout_preds, dropout_cls_confs):
    del dropout_cls_confs
    n = pred.shape[0]
    dpt = jnp.transpose(dropout_preds[:, :, :4], (0, 2, 1))
    dpt = jnp.pad(dpt, ((0, 0), (0, 0), (0, _MPAD - dpt.shape[2])))
    return _hybrid(pred[:, :6], dpt)[:n]

# --- scband reference (transcript-rebuilt; emitter-appended) ---
"""Pipeline reference for scband-uncertainty-estimator-iou-34600256537503 (READ-ONLY COPY).

The authoritative reference and input builder live on the scoring server;
editing this copy changes nothing except your own understanding.
"""

import jax, jax.numpy as jnp
import numpy as np

IOU_THRESHOLD = 0.5


def _pairwise_iou_xywh(b1, b2, eps=1e-7):
    # b1: [N,4], b2: [M,4], boxes in (cx, cy, w, h) format (ultralytics bbox_iou default)
    b1x1 = b1[:, 0] - b1[:, 2] / 2
    b1x2 = b1[:, 0] + b1[:, 2] / 2
    b1y1 = b1[:, 1] - b1[:, 3] / 2
    b1y2 = b1[:, 1] + b1[:, 3] / 2
    b2x1 = b2[:, 0] - b2[:, 2] / 2
    b2x2 = b2[:, 0] + b2[:, 2] / 2
    b2y1 = b2[:, 1] - b2[:, 3] / 2
    b2y2 = b2[:, 1] + b2[:, 3] / 2
    iw = jnp.clip(jnp.minimum(b1x2[:, None], b2x2[None, :]) - jnp.maximum(b1x1[:, None], b2x1[None, :]), 0.0)
    ih = jnp.clip(jnp.minimum(b1y2[:, None], b2y2[None, :]) - jnp.maximum(b1y1[:, None], b2y1[None, :]), 0.0)
    inter = iw * ih
    area1 = (b1x2 - b1x1) * (b1y2 - b1y1)
    area2 = (b2x2 - b2x1) * (b2y2 - b2y1)
    union = area1[:, None] + area2[None, :] - inter + eps
    return inter / union


def setup_inputs(seed: int = 0) -> dict:
    key = jax.random.key(seed)
    k1, k2, k3 = jax.random.split(key, 3)
    pred = jax.random.uniform(k1, (20000, 6), dtype=jnp.float32)
    dropout_preds = jax.random.uniform(k2, (5, 1000, 6), dtype=jnp.float32)
    dropout_cls_confs = jax.random.uniform(k3, (5, 1000), dtype=jnp.float32)
    return {"pred": pred, "dropout_preds": dropout_preds, "dropout_cls_confs": dropout_cls_confs}


def reference(pred, dropout_preds, dropout_cls_confs):
    thr = IOU_THRESHOLD
    D = dropout_preds.shape[0]
    N = pred.shape[0]
    sums = jnp.zeros(N, dtype=jnp.float32)
    cnts = jnp.zeros(N, dtype=jnp.float32)
    for d in range(D):
        iou = _pairwise_iou_xywh(pred[:, :4], dropout_preds[d][:, :4])  # [N, M]
        mask = iou > thr
        # 'break' on the first j with iou > thr: argmax of boolean mask = first True index
        valid = jnp.any(mask, axis=1)
        first_j = jnp.argmax(mask, axis=1)
        first_iou = jnp.take_along_axis(iou, first_j[:, None], axis=1)[:, 0]
        sums = sums + jnp.where(valid, first_iou, 0.0)
        cnts = cnts + valid.astype(jnp.float32)
    # if no match across all dropout passes, uncertainty_i = mean of a single zero = 0
    mean = jnp.where(cnts > 0, sums / jnp.maximum(cnts, 1.0), 0.0)
    return (mean - thr) / (1.0 - thr)

if __name__ == "__main__":
    import jax
    _d = setup_inputs()
    print(jax.jit(kernel)(*tuple(_d.values())))

</pallas_src>

<mosaic_0001>
#map = affine_map<(d0, d1) -> (0, 0)>
#map1 = affine_map<(d0, d1) -> (0)>
module attributes {stable_mosaic.version = 14 : i64} {
  func.func @_body(%arg0: i32, %arg1: i32, %arg2: memref<32x2560xf32, #tpu.memory_space<hbm>>, %arg3: memref<20480xf32, #tpu.memory_space<hbm>>, %arg4: memref<32x160xf32, #tpu.memory_space<hbm>>, %arg5: memref<2560xf32, #tpu.memory_space<vmem>>, %arg6: memref<20480xf32, #tpu.memory_space<vmem>>, %arg7: memref<25600xf32, #tpu.memory_space<vmem>>, %arg8: memref<160xf32, #tpu.memory_space<vmem>>, %arg9: memref<1xf32, #tpu.memory_space<smem>>) attributes {dimension_semantics = [#tpu.dimension_semantics<core_parallel>, #tpu.dimension_semantics<subcore_parallel>], iteration_bounds = array<i64: 2, 16>, scalar_prefetch = 0 : i64, scratch_operands = 5 : i64, tpu.core_type = #tpu.core_type<sc_vector_subcore>, window_params = [{transform_indices = #map}, {transform_indices = #map1}, {transform_indices = #map}]} {
    %mul3A = arith.constant 2 : i32
    %mul3A_0 = arith.muli %arg1, %mul3A : i32
    %add3A = arith.addi %mul3A_0, %arg0 : i32
    "tpu.region"() ({
      %run_scoped3A = tpu.sem_alloc : memref<!tpu.dma_semaphore, #tpu.memory_space<semaphore_mem>>
      %dma_start3A = arith.constant 0 : i32
      %dma_start3A_111 = tpu.memref_slice %arg2[%add3A, %dma_start3A] : memref<32x2560xf32, #tpu.memory_space<hbm>> -> memref<1x2560xf32, #tpu.memory_space<hbm>>
      %dma_start3A_112 = tpu.memref_squeeze %dma_start3A_111 : memref<1x2560xf32, #tpu.memory_space<hbm>> -> memref<2560xf32, #tpu.memory_space<hbm>>
      %dma_start3A_113 = arith.constant 0 : i32
      %dma_start3A_114 = tpu.memref_slice %arg2[%add3A, %dma_start3A_113] : memref<32x2560xf32, #tpu.memory_space<hbm>> -> memref<1x2560xf32, #tpu.memory_space<hbm>>
      %dma_start3A_115 = tpu.memref_squeeze %dma_start3A_114 : memref<1x2560xf32, #tpu.memory_space<hbm>> -> memref<2560xf32, #tpu.memory_space<hbm>>
      tpu.enqueue_dma source(%dma_start3A_115 : memref<2560xf32, #tpu.memory_space<hbm>>) target(%arg5 : memref<2560xf32, #tpu.memory_space<vmem>>) target_semaphore(%run_scoped3A : memref<!tpu.dma_semaphore, #tpu.memory_space<semaphore_mem>>)
      %dma_wait3A = arith.constant 0 : i32
      %dma_wait3A_116 = tpu.memref_slice %arg2[%add3A, %dma_wait3A] : memref<32x2560xf32, #tpu.memory_space<hbm>> -> memref<1x2560xf32, #tpu.memory_space<hbm>>
      %dma_wait3A_117 = tpu.memref_squeeze %dma_wait3A_116 : memref<1x2560xf32, #tpu.memory_space<hbm>> -> memref<2560xf32, #tpu.memory_space<hbm>>
      %dma_wait3A_118 = arith.constant 0 : i32
      %dma_wait3A_119 = tpu.memref_slice %arg2[%add3A, %dma_wait3A_118] : memref<32x2560xf32, #tpu.memory_space<hbm>> -> memref<1x2560xf32, #tpu.memory_space<hbm>>
      %dma_wait3A_120 = tpu.memref_squeeze %dma_wait3A_119 : memref<1x2560xf32, #tpu.memory_space<hbm>> -> memref<2560xf32, #tpu.memory_space<hbm>>
      tpu.wait_dma2 semaphore(%run_scoped3A : memref<!tpu.dma_semaphore, #tpu.memory_space<semaphore_mem>>) src(%dma_wait3A_120 : memref<2560xf32, #tpu.memory_space<hbm>>) dst(%arg5 : memref<2560xf32, #tpu.memory_space<vmem>>)
      tpu.yield
    }) : () -> ()
    "tpu.region"() ({
      %run_scoped3A = tpu.sem_alloc : memref<!tpu.dma_semaphore, #tpu.memory_space<semaphore_mem>>
      tpu.enqueue_dma source(%arg3 : memref<20480xf32, #tpu.memory_space<hbm>>) target(%arg6 : memref<20480xf32, #tpu.memory_space<vmem>>) target_semaphore(%run_scoped3A : memref<!tpu.dma_semaphore, #tpu.memory_space<semaphore_mem>>)
      tpu.wait_dma2 semaphore(%run_scoped3A : memref<!tpu.dma_semaphore, #tpu.memory_space<semaphore_mem>>) src(%arg3 : memref<20480xf32, #tpu.memory_space<hbm>>) dst(%arg6 : memref<20480xf32, #tpu.memory_space<vmem>>)
      tpu.yield
    }) : () -> ()
    %scan3A = arith.constant 0 : i32
    %scan3A_1 = arith.constant 0 : i32
    %scan3A_2 = arith.constant 320 : i32
    %scan3A_3 = arith.addi %scan3A_1, %scan3A_2 : i32
    %scan3A_4 = arith.constant 1 : i32
    scf.for %scan3A_111 = %scan3A_1 to %scan3A_3 step %scan3A_4  : i32 {
      %jit3A_112 = arith.constant 64 : i32
      %div3A = arith.divsi %scan3A_111, %jit3A_112 : i32
      %sign3A = arith.constant 0 : i32
      %sign3A_113 = arith.cmpi sgt, %scan3A_111, %sign3A : i32
      %sign3A_114 = arith.extui %sign3A_113 : i1 to i32
      %sign3A_115 = arith.constant 0 : i32
      %sign3A_116 = arith.cmpi slt, %scan3A_111, %sign3A_115 : i32
      %sign3A_117 = arith.extui %sign3A_116 : i1 to i32
      %sign3A_118 = arith.subi %sign3A_114, %sign3A_117 : i32
      %sign3A_119 = arith.constant 0 : i32
      %sign3A_120 = arith.cmpi sgt, %jit3A_112, %sign3A_119 : i32
      %sign3A_121 = arith.extui %sign3A_120 : i1 to i32
      %sign3A_122 = arith.constant 0 : i32
      %sign3A_123 = arith.cmpi slt, %jit3A_112, %sign3A_122 : i32
      %sign3A_124 = arith.extui %sign3A_123 : i1 to i32
      %sign3A_125 = arith.subi %sign3A_121, %sign3A_124 : i32
      %ne3A_126 = arith.cmpi ne, %sign3A_118, %sign3A_125 : i32
      %rem3A_127 = arith.remsi %scan3A_111, %jit3A_112 : i32
      %ne3A_128 = arith.constant 0 : i32
      %ne3A_129 = arith.cmpi ne, %rem3A_127, %ne3A_128 : i32
      %and3A_130 = arith.andi %ne3A_126, %ne3A_129 : i1
      %sub3A = arith.constant 1 : i32
      %sub3A_131 = arith.subi %div3A, %sub3A : i32
      %select_n3A_132 = arith.select %and3A_130, %sub3A_131, %div3A : i32
      %jit3A_133 = arith.constant 64 : i32
      %eq3A_134 = arith.constant 0 : i32
      %eq3A_135 = arith.cmpi eq, %jit3A_133, %eq3A_134 : i32
      %jit3A_136 = arith.constant 1 : i32
      %select_n3A_137 = arith.select %eq3A_135, %jit3A_136, %jit3A_133 : i32
      %rem3A_138 = arith.remsi %scan3A_111, %select_n3A_137 : i32
      %ne3A_139 = arith.constant 0 : i32
      %ne3A_140 = arith.cmpi ne, %rem3A_138, %ne3A_139 : i32
      %lt3A_141 = arith.constant 0 : i32
      %lt3A_142 = arith.cmpi slt, %rem3A_138, %lt3A_141 : i32
      %lt3A_143 = arith.constant 0 : i32
      %lt3A_144 = arith.cmpi slt, %select_n3A_137, %lt3A_143 : i32
      %ne3A_145 = arith.xori %lt3A_142, %lt3A_144 : i1
      %and3A_146 = arith.andi %ne3A_145, %ne3A_140 : i1
      %add3A_147 = arith.addi %rem3A_138, %select_n3A_137 : i32
      %select_n3A_148 = arith.select %and3A_146, %add3A_147, %rem3A_138 : i32
      %mul3A_149 = arith.constant 16 : i32
      %mul3A_150 = arith.muli %select_n3A_148, %mul3A_149 : i32
      %mul3A_151 = arith.constant 4096 : i32
      %mul3A_152 = arith.muli %select_n3A_132, %mul3A_151 : i32
      %add3A_153 = arith.addi %mul3A_152, %mul3A_150 : i32
      %get3A = arith.index_cast %add3A_153 : i32 to index
      %get3A_154 = tpu.vector_load %arg6[%get3A] {strides = array<i32>} : memref<20480xf32, #tpu.memory_space<vmem>>, vector<16xf32>,
      %get3A_155 = vector.shape_cast %get3A_154 : vector<16xf32> to vector<16xf32>
      %add3A_156 = arith.constant 1024 : i32
      %add3A_157 = arith.addi %add3A_153, %add3A_156 : i32
      %get3A_158 = arith.index_cast %add3A_157 : i32 to index
      %get3A_159 = tpu.vector_load %arg6[%get3A_158] {strides = array<i32>} : memref<20480xf32, #tpu.memory_space<vmem>>, vector<16xf32>,
      %get3A_160 = vector.shape_cast %get3A_159 : vector<16xf32> to vector<16xf32>
      %add3A_161 = arith.constant 2048 : i32
      %add3A_162 = arith.addi %add3A_153, %add3A_161 : i32
      %get3A_163 = arith.index_cast %add3A_162 : i32 to index
      %get3A_164 = tpu.vector_load %arg6[%get3A_163] {strides = array<i32>} : memref<20480xf32, #tpu.memory_space<vmem>>, vector<16xf32>,
      %get3A_165 = vector.shape_cast %get3A_164 : vector<16xf32> to vector<16xf32>
      %add3A_166 = arith.constant 3072 : i32
      %add3A_167 = arith.addi %add3A_153, %add3A_166 : i32
      %get3A_168 = arith.index_cast %add3A_167 : i32 to index
      %get3A_169 = tpu.vector_load %arg6[%get3A_168] {strides = array<i32>} : memref<20480xf32, #tpu.memory_space<vmem>>, vector<16xf32>,
      %get3A_170 = vector.shape_cast %get3A_169 : vector<16xf32> to vector<16xf32>
      %mul3A_171 = arith.constant 5.000000e-01 : f32
      %mul3A_172 = vector.broadcast %mul3A_171 : f32 to vector<16xf32>
      %mul3A_173 = arith.mulf %get3A_165, %mul3A_172 : vector<16xf32>
      %sub3A_174 = arith.subf %get3A_155, %mul3A_173 : vector<16xf32>
      %mul3A_175 = arith.constant 5.000000e-01 : f32
      %mul3A_176 = vector.broadcast %mul3A_175 : f32 to vector<16xf32>
      %mul3A_177 = arith.mulf %get3A_165, %mul3A_176 : vector<16xf32>
      %add3A_178 = arith.addf %get3A_155, %mul3A_177 : vector<16xf32>
      %mul3A_179 = arith.constant 5.000000e-01 : f32
      %mul3A_180 = vector.broadcast %mul3A_179 : f32 to vector<16xf32>
      %mul3A_181 = arith.mulf %get3A_170, %mul3A_180 : vector<16xf32>
      %sub3A_182 = arith.subf %get3A_160, %mul3A_181 : vector<16xf32>
      %mul3A_183 = arith.constant 5.000000e-01 : f32
      %mul3A_184 = vector.broadcast %mul3A_183 : f32 to vector<16xf32>
      %mul3A_185 = arith.mulf %get3A_170, %mul3A_184 : vector<16xf32>
      %add3A_186 = arith.addf %get3A_160, %mul3A_185 : vector<16xf32>
      %sub3A_187 = arith.subf %add3A_178, %sub3A_174 : vector<16xf32>
      %sub3A_188 = arith.subf %add3A_186, %sub3A_182 : vector<16xf32>
      %mul3A_189 = arith.mulf %sub3A_187, %sub3A_188 : vector<16xf32>
      %mul3A_190 = arith.constant 1024 : i32
      %mul3A_191 = arith.muli %select_n3A_132, %mul3A_190 : i32
      %add3A_192 = arith.addi %mul3A_191, %mul3A_150 : i32
      %swap3A = arith.index_cast %add3A_192 : i32 to index
      %swap3A_193 = tpu.vector_load %arg7[%swap3A] {strides = array<i32>} : memref<25600xf32, #tpu.memory_space<vmem>>, vector<16xf32>,
      %swap3A_194 = vector.shape_cast %swap3A_193 : vector<16xf32> to vector<16xf32>
      %swap3A_195 = vector.shape_cast %sub3A_174 : vector<16xf32> to vector<16xf32>
      tpu.vector_store %arg7[%swap3A], %swap3A_195 {strides = array<i32>} : memref<25600xf32, #tpu.memory_space<vmem>>, vector<16xf32>,
      %add3A_196 = arith.constant 5120 : i32
      %add3A_197 = arith.addi %add3A_196, %add3A_192 : i32
      %swap3A_198 = arith.index_cast %add3A_197 : i32 to index
      %swap3A_199 = tpu.vector_load %arg7[%swap3A_198] {strides = array<i32>} : memref<25600xf32, #tpu.memory_space<vmem>>, vector<16xf32>,
      %swap3A_200 = vector.shape_cast %swap3A_199 : vector<16xf32> to vector<16xf32>
      %swap3A_201 = vector.shape_cast %add3A_178 : vector<16xf32> to vector<16xf32>
      tpu.vector_store %arg7[%swap3A_198], %swap3A_201 {strides = array<i32>} : memref<25600xf32, #tpu.memory_space<vmem>>, vector<16xf32>,
      %add3A_202 = arith.constant 10240 : i32
      %add3A_203 = arith.addi %add3A_202, %add3A_192 : i32
      %swap3A_204 = arith.index_cast %add3A_203 : i32 to index
      %swap3A_205 = tpu.vector_load %arg7[%swap3A_204] {strides = array<i32>} : memref<25600xf32, #tpu.memory_space<vmem>>, vector<16xf32>,
      %swap3A_206 = vector.shape_cast %swap3A_205 : vector<16xf32> to vector<16xf32>
      %swap3A_207 = vector.shape_cast %sub3A_182 : vector<16xf32> to vector<16xf32>
      tpu.vector_store %arg7[%swap3A_204], %swap3A_207 {strides = array<i32>} : memref<25600xf32, #tpu.memory_space<vmem>>, vector<16xf32>,
      %add3A_208 = arith.constant 15360 : i32
      %add3A_209 = arith.addi %add3A_208, %add3A_192 : i32
      %swap3A_210 = arith.index_cast %add3A_209 : i32 to index
      %swap3A_211 = tpu.vector_load %arg7[%swap3A_210] {strides = array<i32>} : memref<25600xf32, #tpu.memory_space<vmem>>, vector<16xf32>,
      %swap3A_212 = vector.shape_cast %swap3A_211 : vector<16xf32> to vector<16xf32>
      %swap3A_213 = vector.shape_cast %add3A_186 : vector<16xf32> to vector<16xf32>
      tpu.vector_store %arg7[%swap3A_210], %swap3A_213 {strides = array<i32>} : memref<25600xf32, #tpu.memory_space<vmem>>, vector<16xf32>,
      %add3A_214 = arith.constant 20480 : i32
      %add3A_215 = arith.addi %add3A_214, %add3A_192 : i32
      %swap3A_216 = arith.index_cast %add3A_215 : i32 to index
      %swap3A_217 = tpu.vector_load %arg7[%swap3A_216] {strides = array<i32>} : memref<25600xf32, #tpu.memory_space<vmem>>, vector<16xf32>,
      %swap3A_218 = vector.shape_cast %swap3A_217 : vector<16xf32> to vector<16xf32>
      %swap3A_219 = vector.shape_cast %mul3A_189 : vector<16xf32> to vector<16xf32>
      tpu.vector_store %arg7[%swap3A_216], %swap3A_219 {strides = array<i32>} : memref<25600xf32, #tpu.memory_space<vmem>>, vector<16xf32>,
    }
    %scan3A_5 = arith.constant 320 : i32
    %iota3A = tpu.iota {dimensions = array<i32: 0>} : vector<16xi32>
    %convert_element_type3A = arith.sitofp %iota3A : vector<16xi32> to vector<16xf32>
    %mul3A_6 = arith.constant 2.000000e+00 : f32
    %mul3A_7 = vector.broadcast %mul3A_6 : f32 to vector<16xf32>
    %mul3A_8 = arith.mulf %convert_element_type3A, %mul3A_7 : vector<16xf32>
    %broadcast_in_dim3A = arith.constant 1.000000e+09 : f32
    %broadcast_in_dim3A_9 = vector.broadcast %broadcast_in_dim3A : f32 to vector<16xf32>
    %add3A_10 = arith.constant 8 : i32
    %add3A_11 = vector.broadcast %add3A_10 : i32 to vector<16xi32>
    %add3A_12 = arith.addi %iota3A, %add3A_11 : vector<16xi32>
    %jit3A = arith.constant 16 : i32
    %eq3A = arith.constant 0 : i32
    %eq3A_13 = arith.cmpi eq, %jit3A, %eq3A : i32
    %jit3A_14 = arith.constant 1 : i32
    %select_n3A = arith.select %eq3A_13, %jit3A_14, %jit3A : i32
    %rem3A = vector.broadcast %select_n3A : i32 to vector<16xi32>
    %rem3A_15 = arith.remsi %add3A_12, %rem3A : vector<16xi32>
    %ne3A = arith.constant 0 : i32
    %ne3A_16 = vector.broadcast %ne3A : i32 to vector<16xi32>
    %ne3A_17 = arith.cmpi ne, %rem3A_15, %ne3A_16 : vector<16xi32>
    %lt3A = arith.constant 0 : i32
    %lt3A_18 = vector.broadcast %lt3A : i32 to vector<16xi32>
    %lt3A_19 = arith.cmpi slt, %rem3A_15, %lt3A_18 : vector<16xi32>
    %lt3A_20 = arith.constant 0 : i32
    %lt3A_21 = arith.cmpi slt, %select_n3A, %lt3A_20 : i32
    %ne3A_22 = vector.broadcast %lt3A_21 : i1 to vector<16xi1>
    %ne3A_23 = vector.broadcast %ne3A_22 : vector<16xi1> to vector<16xi1>
    %ne3A_24 = arith.xori %lt3A_19, %ne3A_23 : vector<16xi1>
    %and3A = arith.andi %ne3A_24, %ne3A_17 : vector<16xi1>
    %add3A_25 = vector.broadcast %select_n3A : i32 to vector<16xi32>
    %add3A_26 = arith.addi %rem3A_15, %add3A_25 : vector<16xi32>
    %select_n3A_27 = arith.select %and3A, %add3A_26, %rem3A_15 : vector<16xi1>, vector<16xi32>
    %add3A_28 = arith.constant 4 : i32
    %add3A_29 = vector.broadcast %add3A_28 : i32 to vector<16xi32>
    %add3A_30 = arith.addi %iota3A, %add3A_29 : vector<16xi32>
    %jit3A_31 = arith.constant 16 : i32
    %eq3A_32 = arith.constant 0 : i32
    %eq3A_33 = arith.cmpi eq, %jit3A_31, %eq3A_32 : i32
    %jit3A_34 = arith.constant 1 : i32
    %select_n3A_35 = arith.select %eq3A_33, %jit3A_34, %jit3A_31 : i32
    %rem3A_36 = vector.broadcast %select_n3A_35 : i32 to vector<16xi32>
    %rem3A_37 = arith.remsi %add3A_30, %rem3A_36 : vector<16xi32>
    %ne3A_38 = arith.constant 0 : i32
    %ne3A_39 = vector.broadcast %ne3A_38 : i32 to vector<16xi32>
    %ne3A_40 = arith.cmpi ne, %rem3A_37, %ne3A_39 : vector<16xi32>
    %lt3A_41 = arith.constant 0 : i32
    %lt3A_42 = vector.broadcast %lt3A_41 : i32 to vector<16xi32>
    %lt3A_43 = arith.cmpi slt, %rem3A_37, %lt3A_42 : vector<16xi32>
    %lt3A_44 = arith.constant 0 : i32
    %lt3A_45 = arith.cmpi slt, %select_n3A_35, %lt3A_44 : i32
    %ne3A_46 = vector.broadcast %lt3A_45 : i1 to vector<16xi1>
    %ne3A_47 = vector.broadcast %ne3A_46 : vector<16xi1> to vector<16xi1>
    %ne3A_48 = arith.xori %lt3A_43, %ne3A_47 : vector<16xi1>
    %and3A_49 = arith.andi %ne3A_48, %ne3A_40 : vector<16xi1>
    %add3A_50 = vector.broadcast %select_n3A_35 : i32 to vector<16xi32>
    %add3A_51 = arith.addi %rem3A_37, %add3A_50 : vector<16xi32>
    %select_n3A_52 = arith.select %and3A_49, %add3A_51, %rem3A_37 : vector<16xi1>, vector<16xi32>
    %add3A_53 = arith.constant 2 : i32
    %add3A_54 = vector.broadcast %add3A_53 : i32 to vector<16xi32>
    %add3A_55 = arith.addi %iota3A, %add3A_54 : vector<16xi32>
    %jit3A_56 = arith.constant 16 : i32
    %eq3A_57 = arith.constant 0 : i32
    %eq3A_58 = arith.cmpi eq, %jit3A_56, %eq3A_57 : i32
    %jit3A_59 = arith.constant 1 : i32
    %select_n3A_60 = arith.select %eq3A_58, %jit3A_59, %jit3A_56 : i32
    %rem3A_61 = vector.broadcast %select_n3A_60 : i32 to vector<16xi32>
    %rem3A_62 = arith.remsi %add3A_55, %rem3A_61 : vector<16xi32>
    %ne3A_63 = arith.constant 0 : i32
    %ne3A_64 = vector.broadcast %ne3A_63 : i32 to vector<16xi32>
    %ne3A_65 = arith.cmpi ne, %rem3A_62, %ne3A_64 : vector<16xi32>
    %lt3A_66 = arith.constant 0 : i32
    %lt3A_67 = vector.broadcast %lt3A_66 : i32 to vector<16xi32>
    %lt3A_68 = arith.cmpi slt, %rem3A_62, %lt3A_67 : vector<16xi32>
    %lt3A_69 = arith.constant 0 : i32
    %lt3A_70 = arith.cmpi slt, %select_n3A_60, %lt3A_69 : i32
    %ne3A_71 = vector.broadcast %lt3A_70 : i1 to vector<16xi1>
    %ne3A_72 = vector.broadcast %ne3A_71 : vector<16xi1> to vector<16xi1>
    %ne3A_73 = arith.xori %lt3A_68, %ne3A_72 : vector<16xi1>
    %and3A_74 = arith.andi %ne3A_73, %ne3A_65 : vector<16xi1>
    %add3A_75 = vector.broadcast %select_n3A_60 : i32 to vector<16xi32>
    %add3A_76 = arith.addi %rem3A_62, %add3A_75 : vector<16xi32>
    %select_n3A_77 = arith.select %and3A_74, %add3A_76, %rem3A_62 : vector<16xi1>, vector<16xi32>
    %add3A_78 = arith.constant 1 : i32
    %add3A_79 = vector.broadcast %add3A_78 : i32 to vector<16xi32>
    %add3A_80 = arith.addi %iota3A, %add3A_79 : vector<16xi32>
    %jit3A_81 = arith.constant 16 : i32
    %eq3A_82 = arith.constant 0 : i32
    %eq3A_83 = arith.cmpi eq, %jit3A_81, %eq3A_82 : i32
    %jit3A_84 = arith.constant 1 : i32
    %select_n3A_85 = arith.select %eq3A_83, %jit3A_84, %jit3A_81 : i32
    %rem3A_86 = vector.broadcast %select_n3A_85 : i32 to vector<16xi32>
    %rem3A_87 = arith.remsi %add3A_80, %rem3A_86 : vector<16xi32>
    %ne3A_88 = arith.constant 0 : i32
    %ne3A_89 = vector.broadcast %ne3A_88 : i32 to vector<16xi32>
    %ne3A_90 = arith.cmpi ne, %rem3A_87, %ne3A_89 : vector<16xi32>
    %lt3A_91 = arith.constant 0 : i32
    %lt3A_92 = vector.broadcast %lt3A_91 : i32 to vector<16xi32>
    %lt3A_93 = arith.cmpi slt, %rem3A_87, %lt3A_92 : vector<16xi32>
    %lt3A_94 = arith.constant 0 : i32
    %lt3A_95 = arith.cmpi slt, %select_n3A_85, %lt3A_94 : i32
    %ne3A_96 = vector.broadcast %lt3A_95 : i1 to vector<16xi1>
    %ne3A_97 = vector.broadcast %ne3A_96 : vector<16xi1> to vector<16xi1>
    %ne3A_98 = arith.xori %lt3A_93, %ne3A_97 : vector<16xi1>
    %and3A_99 = arith.andi %ne3A_98, %ne3A_90 : vector<16xi1>
    %add3A_100 = vector.broadcast %select_n3A_85 : i32 to vector<16xi32>
    %add3A_101 = arith.addi %rem3A_87, %add3A_100 : vector<16xi32>
    %select_n3A_102 = arith.select %and3A_99, %add3A_101, %rem3A_87 : vector<16xi1>, vector<16xi32>
    %broadcast_in_dim3A_103 = arith.constant 0.000000e+00 : f32
    %broadcast_in_dim3A_104 = vector.broadcast %broadcast_in_dim3A_103 : f32 to vector<16xf32>
    %scan3A_105 = arith.constant 0 : i32
    %scan3A_106 = arith.constant 160 : i32
    %scan3A_107 = arith.addi %scan3A_105, %scan3A_106 : i32
    %scan3A_108 = arith.constant 1 : i32
    %scan3A_109 = scf.for %scan3A_111 = %scan3A_105 to %scan3A_107 step %scan3A_108 iter_args(%scan3A_112 = %broadcast_in_dim3A_104) -> (vector<16xf32>)  : i32 {
      %mul3A_113 = arith.constant 16 : i32
      %mul3A_114 = arith.muli %scan3A_111, %mul3A_113 : i32
      %get3A = arith.index_cast %mul3A_114 : i32 to index
      %get3A_115 = tpu.vector_load %arg5[%get3A] {strides = array<i32>} : memref<2560xf32, #tpu.memory_space<vmem>>, vector<16xf32>,
      %get3A_116 = vector.shape_cast %get3A_115 : vector<16xf32> to vector<16xf32>
      %slice3A = vector.extract_strided_slice %get3A_116 {offsets = [0], sizes = [1], strides = [1]} : vector<16xf32> to vector<1xf32>
      %squeeze3A = vector.extract %slice3A[0] : f32 from vector<1xf32>
      %slice3A_117 = vector.extract_strided_slice %get3A_116 {offsets = [1], sizes = [1], strides = [1]} : vector<16xf32> to vector<1xf32>
      %squeeze3A_118 = vector.extract %slice3A_117[0] : f32 from vector<1xf32>
      %slice3A_119 = vector.extract_strided_slice %get3A_116 {offsets = [2], sizes = [1], strides = [1]} : vector<16xf32> to vector<1xf32>
      %squeeze3A_120 = vector.extract %slice3A_119[0] : f32 from vector<1xf32>
      %slice3A_121 = vector.extract_strided_slice %get3A_116 {offsets = [3], sizes = [1], strides = [1]} : vector<16xf32> to vector<1xf32>
      %squeeze3A_122 = vector.extract %slice3A_121[0] : f32 from vector<1xf32>
      %mul3A_123 = arith.constant 5.000000e-01 : f32
      %mul3A_124 = arith.mulf %squeeze3A_120, %mul3A_123 : f32
      %sub3A = arith.subf %squeeze3A, %mul3A_124 : f32
      %mul3A_125 = arith.constant 5.000000e-01 : f32
      %mul3A_126 = arith.mulf %squeeze3A_120, %mul3A_125 : f32
      %add3A_127 = arith.addf %squeeze3A, %mul3A_126 : f32
      %mul3A_128 = arith.constant 5.000000e-01 : f32
      %mul3A_129 = arith.mulf %squeeze3A_122, %mul3A_128 : f32
      %sub3A_130 = arith.subf %squeeze3A_118, %mul3A_129 : f32
      %mul3A_131 = arith.constant 5.000000e-01 : f32
      %mul3A_132 = arith.mulf %squeeze3A_122, %mul3A_131 : f32
      %add3A_133 = arith.addf %squeeze3A_118, %mul3A_132 : f32
      %sub3A_134 = arith.subf %add3A_127, %sub3A : f32
      %sub3A_135 = arith.subf %add3A_133, %sub3A_130 : f32
      %mul3A_136 = arith.mulf %sub3A_134, %sub3A_135 : f32
      %broadcast_in_dim3A_137 = vector.broadcast %sub3A : f32 to vector<16xf32>
      %broadcast_in_dim3A_138 = vector.broadcast %add3A_127 : f32 to vector<16xf32>
      %broadcast_in_dim3A_139 = vector.broadcast %sub3A_130 : f32 to vector<16xf32>
      %broadcast_in_dim3A_140 = vector.broadcast %add3A_133 : f32 to vector<16xf32>
      %broadcast_in_dim3A_141 = vector.broadcast %mul3A_136 : f32 to vector<16xf32>
      %gt3A = arith.constant 0.000000e+00 : f32
      %gt3A_142 = arith.cmpf ogt, %mul3A_136, %gt3A : f32
      %jit3A_143 = arith.constant 1.000000e+09 : f32
      %jit3A_144 = arith.constant 0.000000e+00 : f32
      %select_n3A_145 = arith.select %gt3A_142, %jit3A_143, %jit3A_144 : f32
      %swap3A = arith.constant 0 : i32
      %swap3A_146 = arith.index_cast %swap3A : i32 to index
      %swap3A_147 = memref.load %arg9[%swap3A_146] : memref<1xf32, #tpu.memory_space<smem>>
      memref.store %select_n3A_145, %arg9[%swap3A_146] : memref<1xf32, #tpu.memory_space<smem>>
      %scan3A_148 = arith.constant 0 : i32
      %scan3A_149 = arith.constant 0 : i32
      %scan3A_150 = arith.constant 8 : i32
      %scan3A_151 = arith.addi %scan3A_149, %scan3A_150 : i32
      %scan3A_152 = arith.constant 1 : i32
      scf.for %scan3A_358 = %scan3A_149 to %scan3A_151 step %scan3A_152  : i32 {
        %get3A_359 = arith.constant 0 : i32
        %get3A_360 = arith.index_cast %get3A_359 : i32 to index
        %get3A_361 = memref.load %arg9[%get3A_360] : memref<1xf32, #tpu.memory_space<smem>>
        %gt3A_362 = arith.constant 1.000000e+08 : f32
        %gt3A_363 = arith.cmpf ogt, %get3A_361, %gt3A_362 : f32
        %convert_element_type3A_364 = arith.extui %gt3A_363 : i1 to i32
        %cond3A_365 = arith.constant 0 : i32
        %cond3A_366 = arith.cmpi ne, %convert_element_type3A_364, %cond3A_365 : i32
        scf.if %cond3A_366 {
          %mul3A_367 = arith.constant 8 : i32
          %mul3A_368 = arith.muli %scan3A_358, %mul3A_367 : i32
          %mul3A_369 = arith.constant 32 : i32
          %mul3A_370 = arith.muli %mul3A_368, %mul3A_369 : i32
          %add3A_371 = arith.constant 2 : i32
          %add3A_372 = arith.addi %mul3A_370, %add3A_371 : i32
          %convert_element_type3A_373 = arith.sitofp %add3A_372 : i32 to f32
          %broadcast_in_dim3A_374 = vector.broadcast %convert_element_type3A_373 : f32 to vector<16xf32>
          %add3A_375 = arith.addf %broadcast_in_dim3A_374, %mul3A_8 : vector<16xf32>
          %add3A_376 = arith.constant 0 : i32
          %add3A_377 = arith.addi %mul3A_368, %add3A_376 : i32
          %mul3A_378 = arith.constant 16 : i32
          %mul3A_379 = arith.muli %add3A_377, %mul3A_378 : i32
          %add3A_380 = arith.constant 0 : i32
          %add3A_381 = arith.addi %add3A_380, %mul3A_379 : i32
          %get3A_382 = arith.index_cast %add3A_381 : i32 to index
          %get3A_383 = tpu.vector_load %arg7[%get3A_382] {strides = array<i32>} : memref<25600xf32, #tpu.memory_space<vmem>>, vector<16xf32>,
          %get3A_384 = vector.shape_cast %get3A_383 : vector<16xf32> to vector<16xf32>
          %add3A_385 = arith.constant 5120 : i32
          %add3A_386 = arith.addi %add3A_385, %add3A_381 : i32
          %get3A_387 = arith.index_cast %add3A_386 : i32 to index
          %get3A_388 = tpu.vector_load %arg7[%get3A_387] {strides = array<i32>} : memref<25600xf32, #tpu.memory_space<vmem>>, vector<16xf32>,
          %get3A_389 = vector.shape_cast %get3A_388 : vector<16xf32> to vector<16xf32>
          %add3A_390 = arith.constant 10240 : i32
          %add3A_391 = arith.addi %add3A_390, %add3A_381 : i32
          %get3A_392 = arith.index_cast %add3A_391 : i32 to index
          %get3A_393 = tpu.vector_load %arg7[%get3A_392] {strides = array<i32>} : memref<25600xf32, #tpu.memory_space<vmem>>, vector<16xf32>,
          %get3A_394 = vector.shape_cast %get3A_393 : vector<16xf32> to vector<16xf32>
          %add3A_395 = arith.constant 15360 : i32
          %add3A_396 = arith.addi %add3A_395, %add3A_381 : i32
          %get3A_397 = arith.index_cast %add3A_396 : i32 to index
          %get3A_398 = tpu.vector_load %arg7[%get3A_397] {strides = array<i32>} : memref<25600xf32, #tpu.memory_space<vmem>>, vector<16xf32>,
          %get3A_399 = vector.shape_cast %get3A_398 : vector<16xf32> to vector<16xf32>
          %add3A_400 = arith.constant 20480 : i32
          %add3A_401 = arith.addi %add3A_400, %add3A_381 : i32
          %get3A_402 = arith.index_cast %add3A_401 : i32 to index
          %get3A_403 = tpu.vector_load %arg7[%get3A_402] {strides = array<i32>} : memref<25600xf32, #tpu.memory_space<vmem>>, vector<16xf32>,
          %get3A_404 = vector.shape_cast %get3A_403 : vector<16xf32> to vector<16xf32>
          %min3A = arith.minimumf %broadcast_in_dim3A_138, %get3A_389 : vector<16xf32>
          %max3A = arith.maximumf %broadcast_in_dim3A_137, %get3A_384 : vector<16xf32>
          %sub3A_405 = arith.subf %min3A, %max3A : vector<16xf32>
          %max3A_406 = arith.constant 0.000000e+00 : f32
          %max3A_407 = vector.broadcast %max3A_406 : f32 to vector<16xf32>
          %max3A_408 = arith.maximumf %sub3A_405, %max3A_407 : vector<16xf32>
          %min3A_409 = arith.minimumf %broadcast_in_dim3A_140, %get3A_399 : vector<16xf32>
          %max3A_410 = arith.maximumf %broadcast_in_dim3A_139, %get3A_394 : vector<16xf32>
          %sub3A_411 = arith.subf %min3A_409, %max3A_410 : vector<16xf32>
          %max3A_412 = arith.constant 0.000000e+00 : f32
          %max3A_413 = vector.broadcast %max3A_412 : f32 to vector<16xf32>
          %max3A_414 = arith.maximumf %sub3A_411, %max3A_413 : vector<16xf32>
          %mul3A_415 = arith.mulf %max3A_408, %max3A_414 : vector<16xf32>
          %add3A_416 = arith.addf %broadcast_in_dim3A_141, %get3A_404 : vector<16xf32>
          %sub3A_417 = arith.subf %add3A_416, %mul3A_415 : vector<16xf32>
          %add3A_418 = arith.constant 1.000000e-07 : f32
          %add3A_419 = vector.broadcast %add3A_418 : f32 to vector<16xf32>
          %add3A_420 = arith.addf %sub3A_417, %add3A_419 : vector<16xf32>
          %div3A = arith.divf %mul3A_415, %add3A_420 : vector<16xf32>
          %gt3A_421 = arith.constant 5.000000e-01 : f32
          %gt3A_422 = vector.broadcast %gt3A_421 : f32 to vector<16xf32>
          %gt3A_423 = arith.cmpf ogt, %div3A, %gt3A_422 : vector<16xf32>
          %sub3A_424 = arith.subf %add3A_375, %div3A : vector<16xf32>
          %select_n3A_425 = arith.select %gt3A_423, %sub3A_424, %broadcast_in_dim3A_9 : vector<16xi1>, vector<16xf32>
          %min3A_426 = arith.minimumf %broadcast_in_dim3A_9, %select_n3A_425 : vector<16xf32>
          %add3A_427 = arith.constant 3.200000e+01 : f32
          %add3A_428 = vector.broadcast %add3A_427 : f32 to vector<16xf32>
          %add3A_429 = arith.addf %add3A_375, %add3A_428 : vector<16xf32>
          %add3A_430 = arith.constant 1 : i32
          %add3A_431 = arith.addi %mul3A_368, %add3A_430 : i32
          %mul3A_432 = arith.constant 16 : i32
          %mul3A_433 = arith.muli %add3A_431, %mul3A_432 : i32
          %add3A_434 = arith.constant 0 : i32
          %add3A_435 = arith.addi %add3A_434, %mul3A_433 : i32
          %get3A_436 = arith.index_cast %add3A_435 : i32 to index
          %get3A_437 = tpu.vector_load %arg7[%get3A_436] {strides = array<i32>} : memref<25600xf32, #tpu.memory_space<vmem>>, vector<16xf32>,
          %get3A_438 = vector.shape_cast %get3A_437 : vector<16xf32> to vector<16xf32>
          %add3A_439 = arith.constant 5120 : i32
          %add3A_440 = arith.addi %add3A_439, %add3A_435 : i32
          %get3A_441 = arith.index_cast %add3A_440 : i32 to index
          %get3A_442 = tpu.vector_load %arg7[%get3A_441] {strides = array<i32>} : memref<25600xf32, #tpu.memory_space<vmem>>, vector<16xf32>,
          %get3A_443 = vector.shape_cast %get3A_442 : vector<16xf32> to vector<16xf32>
          %add3A_444 = arith.constant 10240 : i32
          %add3A_445 = arith.addi %add3A_444, %add3A_435 : i32
          %get3A_446 = arith.index_cast %add3A_445 : i32 to index
          %get3A_447 = tpu.vector_load %arg7[%get3A_446] {strides = array<i32>} : memref<25600xf32, #tpu.memory_space<vmem>>, vector<16xf32>,
          %get3A_448 = vector.shape_cast %get3A_447 : vector<16xf32> to vector<16xf32>
          %add3A_449 = arith.constant 15360 : i32
          %add3A_450 = arith.addi %add3A_449, %add3A_435 : i32
          %get3A_451 = arith.index_cast %add3A_450 : i32 to index
          %get3A_452 = tpu.vector_load %arg7[%get3A_451] {strides = array<i32>} : memref<25600xf32, #tpu.memory_space<vmem>>, vector<16xf32>,
          %get3A_453 = vector.shape_cast %get3A_452 : vector<16xf32> to vector<16xf32>
          %add3A_454 = arith.constant 20480 : i32
          %add3A_455 = arith.addi %add3A_454, %add3A_435 : i32
          %get3A_456 = arith.index_cast %add3A_455 : i32 to index
          %get3A_457 = tpu.vector_load %arg7[%get3A_456] {strides = array<i32>} : memref<25600xf32, #tpu.memory_space<vmem>>, vector<16xf32>,
          %get3A_458 = vector.shape_cast %get3A_457 : vector<16xf32> to vector<16xf32>
          %min3A_459 = arith.minimumf %broadcast_in_dim3A_138, %get3A_443 : vector<16xf32>
          %max3A_460 = arith.maximumf %broadcast_in_dim3A_137, %get3A_438 : vector<16xf32>
          %sub3A_461 = arith.subf %min3A_459, %max3A_460 : vector<16xf32>
          %max3A_462 = arith.constant 0.000000e+00 : f32
          %max3A_463 = vector.broadcast %max3A_462 : f32 to vector<16xf32>
          %max3A_464 = arith.maximumf %sub3A_461, %max3A_463 : vector<16xf32>
          %min3A_465 = arith.minimumf %broadcast_in_dim3A_140, %get3A_453 : vector<16xf32>
          %max3A_466 = arith.maximumf %broadcast_in_dim3A_139, %get3A_448 : vector<16xf32>
          %sub3A_467 = arith.subf %min3A_465, %max3A_466 : vector<16xf32>
          %max3A_468 = arith.constant 0.000000e+00 : f32
          %max3A_469 = vector.broadcast %max3A_468 : f32 to vector<16xf32>
          %max3A_470 = arith.maximumf %sub3A_467, %max3A_469 : vector<16xf32>
          %mul3A_471 = arith.mulf %max3A_464, %max3A_470 : vector<16xf32>
          %add3A_472 = arith.addf %broadcast_in_dim3A_141, %get3A_458 : vector<16xf32>
          %sub3A_473 = arith.subf %add3A_472, %mul3A_471 : vector<16xf32>
          %add3A_474 = arith.constant 1.000000e-07 : f32
          %add3A_475 = vector.broadcast %add3A_474 : f32 to vector<16xf32>
          %add3A_476 = arith.addf %sub3A_473, %add3A_475 : vector<16xf32>
          %div3A_477 = arith.divf %mul3A_471, %add3A_476 : vector<16xf32>
          %gt3A_478 = arith.constant 5.000000e-01 : f32
          %gt3A_479 = vector.broadcast %gt3A_478 : f32 to vector<16xf32>
          %gt3A_480 = arith.cmpf ogt, %div3A_477, %gt3A_479 : vector<16xf32>
          %sub3A_481 = arith.subf %add3A_429, %div3A_477 : vector<16xf32>
          %select_n3A_482 = arith.select %gt3A_480, %sub3A_481, %broadcast_in_dim3A_9 : vector<16xi1>, vector<16xf32>
          %min3A_483 = arith.minimumf %min3A_426, %select_n3A_482 : vector<16xf32>
          %add3A_484 = arith.constant 3.200000e+01 : f32
          %add3A_485 = vector.broadcast %add3A_484 : f32 to vector<16xf32>
          %add3A_486 = arith.addf %add3A_429, %add3A_485 : vector<16xf32>
          %add3A_487 = arith.constant 2 : i32
          %add3A_488 = arith.addi %mul3A_368, %add3A_487 : i32
          %mul3A_489 = arith.constant 16 : i32
          %mul3A_490 = arith.muli %add3A_488, %mul3A_489 : i32
          %add3A_491 = arith.constant 0 : i32
          %add3A_492 = arith.addi %add3A_491, %mul3A_490 : i32
          %get3A_493 = arith.index_cast %add3A_492 : i32 to index
          %get3A_494 = tpu.vector_load %arg7[%get3A_493] {strides = array<i32>} : memref<25600xf32, #tpu.memory_space<vmem>>, vector<16xf32>,
          %get3A_495 = vector.shape_cast %get3A_494 : vector<16xf32> to vector<16xf32>
          %add3A_496 = arith.constant 5120 : i32
          %add3A_497 = arith.addi %add3A_496, %add3A_492 : i32
          %get3A_498 = arith.index_cast %add3A_497 : i32 to index
          %get3A_499 = tpu.vector_load %arg7[%get3A_498] {strides = array<i32>} : memref<25600xf32, #tpu.memory_space<vmem>>, vector<16xf32>,
          %get3A_500 = vector.shape_cast %get3A_499 : vector<16xf32> to vector<16xf32>
          %add3A_501 = arith.constant 10240 : i32
          %add3A_502 = arith.addi %add3A_501, %add3A_492 : i32
          %get3A_503 = arith.index_cast %add3A_502 : i32 to index
          %get3A_504 = tpu.vector_load %arg7[%get3A_503] {strides = array<i32>} : memref<25600xf32, #tpu.memory_space<vmem>>, vector<16xf32>,
          %get3A_505 = vector.shape_cast %get3A_504 : vector<16xf32> to vector<16xf32>
          %add3A_506 = arith.constant 15360 : i32
          %add3A_507 = arith.addi %add3A_506, %add3A_492 : i32
          %get3A_508 = arith.index_cast %add3A_507 : i32 to index
          %get3A_509 = tpu.vector_load %arg7[%get3A_508] {strides = array<i32>} : memref<25600xf32, #tpu.memory_space<vmem>>, vector<16xf32>,
          %get3A_510 = vector.shape_cast %get3A_509 : vector<16xf32> to vector<16xf32>
          %add3A_511 = arith.constant 20480 : i32
          %add3A_512 = arith.addi %add3A_511, %add3A_492 : i32
          %get3A_513 = arith.index_cast %add3A_512 : i32 to index
          %get3A_514 = tpu.vector_load %arg7[%get3A_513] {strides = array<i32>} : memref<25600xf32, #tpu.memory_space<vmem>>, vector<16xf32>,
          %get3A_515 = vector.shape_cast %get3A_514 : vector<16xf32> to vector<16xf32>
          %min3A_516 = arith.minimumf %broadcast_in_dim3A_138, %get3A_500 : vector<16xf32>
          %max3A_517 = arith.maximumf %broadcast_in_dim3A_137, %get3A_495 : vector<16xf32>
          %sub3A_518 = arith.subf %min3A_516, %max3A_517 : vector<16xf32>
          %max3A_519 = arith.constant 0.000000e+00 : f32
          %max3A_520 = vector.broadcast %max3A_519 : f32 to vector<16xf32>
          %max3A_521 = arith.maximumf %sub3A_518, %max3A_520 : vector<16xf32>
          %min3A_522 = arith.minimumf %broadcast_in_dim3A_140, %get3A_510 : vector<16xf32>
          %max3A_523 = arith.maximumf %broadcast_in_dim3A_139, %get3A_505 : vector<16xf32>
          %sub3A_524 = arith.subf %min3A_522, %max3A_523 : vector<16xf32>
          %max3A_525 = arith.constant 0.000000e+00 : f32
          %max3A_526 = vector.broadcast %max3A_525 : f32 to vector<16xf32>
          %max3A_527 = arith.maximumf %sub3A_524, %max3A_526 : vector<16xf32>
          %mul3A_528 = arith.mulf %max3A_521, %max3A_527 : vector<16xf32>
          %add3A_529 = arith.addf %broadcast_in_dim3A_141, %get3A_515 : vector<16xf32>
          %sub3A_530 = arith.subf %add3A_529, %mul3A_528 : vector<16xf32>
          %add3A_531 = arith.constant 1.000000e-07 : f32
          %add3A_532 = vector.broadcast %add3A_531 : f32 to vector<16xf32>
          %add3A_533 = arith.addf %sub3A_530, %add3A_532 : vector<16xf32>
          %div3A_534 = arith.divf %mul3A_528, %add3A_533 : vector<16xf32>
          %gt3A_535 = arith.constant 5.000000e-01 : f32
          %gt3A_536 = vector.broadcast %gt3A_535 : f32 to vector<16xf32>
          %gt3A_537 = arith.cmpf ogt, %div3A_534, %gt3A_536 : vector<16xf32>
          %sub3A_538 = arith.subf %add3A_486, %div3A_534 : vector<16xf32>
          %select_n3A_539 = arith.select %gt3A_537, %sub3A_538, %broadcast_in_dim3A_9 : vector<16xi1>, vector<16xf32>
          %min3A_540 = arith.minimumf %min3A_483, %select_n3A_539 : vector<16xf32>
          %add3A_541 = arith.constant 3.200000e+01 : f32
          %add3A_542 = vector.broadcast %add3A_541 : f32 to vector<16xf32>
          %add3A_543 = arith.addf %add3A_486, %add3A_542 : vector<16xf32>
          %add3A_544 = arith.constant 3 : i32
          %add3A_545 = arith.addi %mul3A_368, %add3A_544 : i32
          %mul3A_546 = arith.constant 16 : i32
          %mul3A_547 = arith.muli %add3A_545, %mul3A_546 : i32
          %add3A_548 = arith.constant 0 : i32
          %add3A_549 = arith.addi %add3A_548, %mul3A_547 : i32
          %get3A_550 = arith.index_cast %add3A_549 : i32 to index
          %get3A_551 = tpu.vector_load %arg7[%get3A_550] {strides = array<i32>} : memref<25600xf32, #tpu.memory_space<vmem>>, vector<16xf32>,
          %get3A_552 = vector.shape_cast %get3A_551 : vector<16xf32> to vector<16xf32>
          %add3A_553 = arith.constant 5120 : i32
          %add3A_554 = arith.addi %add3A_553, %add3A_549 : i32
          %get3A_555 = arith.index_cast %add3A_554 : i32 to index
          %get3A_556 = tpu.vector_load %arg7[%get3A_555] {strides = array<i32>} : memref<25600xf32, #tpu.memory_space<vmem>>, vector<16xf32>,
          %get3A_557 = vector.shape_cast %get3A_556 : vector<16xf32> to vector<16xf32>
          %add3A_558 = arith.constant 10240 : i32
          %add3A_559 = arith.addi %add3A_558, %add3A_549 : i32
          %get3A_560 = arith.index_cast %add3A_559 : i32 to index
          %get3A_561 = tpu.vector_load %arg7[%get3A_560] {strides = array<i32>} : memref<25600xf32, #tpu.memory_space<vmem>>, vector<16xf32>,
          %get3A_562 = vector.shape_cast %get3A_561 : vector<16xf32> to vector<16xf32>
          %add3A_563 = arith.constant 15360 : i32
          %add3A_564 = arith.addi %add3A_563, %add3A_549 : i32
          %get3A_565 = arith.index_cast %add3A_564 : i32 to index
          %get3A_566 = tpu.vector_load %arg7[%get3A_565] {strides = array<i32>} : memref<25600xf32, #tpu.memory_space<vmem>>, vector<16xf32>,
          %get3A_567 = vector.shape_cast %get3A_566 : vector<16xf32> to vector<16xf32>
          %add3A_568 = arith.constant 20480 : i32
          %add3A_569 = arith.addi %add3A_568, %add3A_549 : i32
          %get3A_570 = arith.index_cast %add3A_569 : i32 to index
          %get3A_571 = tpu.vector_load %arg7[%get3A_570] {strides = array<i32>} : memref<25600xf32, #tpu.memory_space<vmem>>, vector<16xf32>,
          %get3A_572 = vector.shape_cast %get3A_571 : vector<16xf32> to vector<16xf32>
          %min3A_573 = arith.minimumf %broadcast_in_dim3A_138, %get3A_557 : vector<16xf32>
          %max3A_574 = arith.maximumf %broadcast_in_dim3A_137, %get3A_552 : vector<16xf32>
          %sub3A_575 = arith.subf %min3A_573, %max3A_574 : vector<16xf32>
          %max3A_576 = arith.constant 0.000000e+00 : f32
          %max3A_577 = vector.broadcast %max3A_576 : f32 to vector<16xf32>
          %max3A_578 = arith.maximumf %sub3A_575, %max3A_577 : vector<16xf32>
          %min3A_579 = arith.minimumf %broadcast_in_dim3A_140, %get3A_567 : vector<16xf32>
          %max3A_580 = arith.maximumf %broadcast_in_dim3A_139, %get3A_562 : vector<16xf32>
          %sub3A_581 = arith.subf %min3A_579, %max3A_580 : vector<16xf32>
          %max3A_582 = arith.constant 0.000000e+00 : f32
          %max3A_583 = vector.broadcast %max3A_582 : f32 to vector<16xf32>
          %max3A_584 = arith.maximumf %sub3A_581, %max3A_583 : vector<16xf32>
          %mul3A_585 = arith.mulf %max3A_578, %max3A_584 : vector<16xf32>
          %add3A_586 = arith.addf %broadcast_in_dim3A_141, %get3A_572 : vector<16xf32>
          %sub3A_587 = arith.subf %add3A_586, %mul3A_585 : vector<16xf32>
          %add3A_588 = arith.constant 1.000000e-07 : f32
          %add3A_589 = vector.broadcast %add3A_588 : f32 to vector<16xf32>
          %add3A_590 = arith.addf %sub3A_587, %add3A_589 : vector<16xf32>
          %div3A_591 = arith.divf %mul3A_585, %add3A_590 : vector<16xf32>
          %gt3A_592 = arith.constant 5.000000e-01 : f32
          %gt3A_593 = vector.broadcast %gt3A_592 : f32 to vector<16xf32>
          %gt3A_594 = arith.cmpf ogt, %div3A_591, %gt3A_593 : vector<16xf32>
          %sub3A_595 = arith.subf %add3A_543, %div3A_591 : vector<16xf32>
          %select_n3A_596 = arith.select %gt3A_594, %sub3A_595, %broadcast_in_dim3A_9 : vector<16xi1>, vector<16xf32>
          %min3A_597 = arith.minimumf %min3A_540, %select_n3A_596 : vector<16xf32>
          %add3A_598 = arith.constant 3.200000e+01 : f32
          %add3A_599 = vector.broadcast %add3A_598 : f32 to vector<16xf32>
          %add3A_600 = arith.addf %add3A_543, %add3A_599 : vector<16xf32>
          %add3A_601 = arith.constant 4 : i32
          %add3A_602 = arith.addi %mul3A_368, %add3A_601 : i32
          %mul3A_603 = arith.constant 16 : i32
          %mul3A_604 = arith.muli %add3A_602, %mul3A_603 : i32
          %add3A_605 = arith.constant 0 : i32
          %add3A_606 = arith.addi %add3A_605, %mul3A_604 : i32
          %get3A_607 = arith.index_cast %add3A_606 : i32 to index
          %get3A_608 = tpu.vector_load %arg7[%get3A_607] {strides = array<i32>} : memref<25600xf32, #tpu.memory_space<vmem>>, vector<16xf32>,
          %get3A_609 = vector.shape_cast %get3A_608 : vector<16xf32> to vector<16xf32>
          %add3A_610 = arith.constant 5120 : i32
          %add3A_611 = arith.addi %add3A_610, %add3A_606 : i32
          %get3A_612 = arith.index_cast %add3A_611 : i32 to index
          %get3A_613 = tpu.vector_load %arg7[%get3A_612] {strides = array<i32>} : memref<25600xf32, #tpu.memory_space<vmem>>, vector<16xf32>,
          %get3A_614 = vector.shape_cast %get3A_613 : vector<16xf32> to vector<16xf32>
          %add3A_615 = arith.constant 10240 : i32
          %add3A_616 = arith.addi %add3A_615, %add3A_606 : i32
          %get3A_617 = arith.index_cast %add3A_616 : i32 to index
          %get3A_618 = tpu.vector_load %arg7[%get3A_617] {strides = array<i32>} : memref<25600xf32, #tpu.memory_space<vmem>>, vector<16xf32>,
          %get3A_619 = vector.shape_cast %get3A_618 : vector<16xf32> to vector<16xf32>
          %add3A_620 = arith.constant 15360 : i32
          %add3A_621 = arith.addi %add3A_620, %add3A_606 : i32
          %get3A_622 = arith.index_cast %add3A_621 : i32 to index
          %get3A_623 = tpu.vector_load %arg7[%get3A_622] {strides = array<i32>} : memref<25600xf32, #tpu.memory_space<vmem>>, vector<16xf32>,
          %get3A_624 = vector.shape_cast %get3A_623 : vector<16xf32> to vector<16xf32>
          %add3A_625 = arith.constant 20480 : i32
          %add3A_626 = arith.addi %add3A_625, %add3A_606 : i32
          %get3A_627 = arith.index_cast %add3A_626 : i32 to index
          %get3A_628 = tpu.vector_load %arg7[%get3A_627] {strides = array<i32>} : memref<25600xf32, #tpu.memory_space<vmem>>, vector<16xf32>,
          %get3A_629 = vector.shape_cast %get3A_628 : vector<16xf32> to vector<16xf32>
          %min3A_630 = arith.minimumf %broadcast_in_dim3A_138, %get3A_614 : vector<16xf32>
          %max3A_631 = arith.maximumf %broadcast_in_dim3A_137, %get3A_609 : vector<16xf32>
          %sub3A_632 = arith.subf %min3A_630, %max3A_631 : vector<16xf32>
          %max3A_633 = arith.constant 0.000000e+00 : f32
          %max3A_634 = vector.broadcast %max3A_633 : f32 to vector<16xf32>
          %max3A_635 = arith.maximumf %sub3A_632, %max3A_634 : vector<16xf32>
          %min3A_636 = arith.minimumf %broadcast_in_dim3A_140, %get3A_624 : vector<16xf32>
          %max3A_637 = arith.maximumf %broadcast_in_dim3A_139, %get3A_619 : vector<16xf32>
          %sub3A_638 = arith.subf %min3A_636, %max3A_637 : vector<16xf32>
          %max3A_639 = arith.constant 0.000000e+00 : f32
          %max3A_640 = vector.broadcast %max3A_639 : f32 to vector<16xf32>
          %max3A_641 = arith.maximumf %sub3A_638, %max3A_640 : vector<16xf32>
          %mul3A_642 = arith.mulf %max3A_635, %max3A_641 : vector<16xf32>
          %add3A_643 = arith.addf %broadcast_in_dim3A_141, %get3A_629 : vector<16xf32>
          %sub3A_644 = arith.subf %add3A_643, %mul3A_642 : vector<16xf32>
          %add3A_645 = arith.constant 1.000000e-07 : f32
          %add3A_646 = vector.broadcast %add3A_645 : f32 to vector<16xf32>
          %add3A_647 = arith.addf %sub3A_644, %add3A_646 : vector<16xf32>
          %div3A_648 = arith.divf %mul3A_642, %add3A_647 : vector<16xf32>
          %gt3A_649 = arith.constant 5.000000e-01 : f32
          %gt3A_650 = vector.broadcast %gt3A_649 : f32 to vector<16xf32>
          %gt3A_651 = arith.cmpf ogt, %div3A_648, %gt3A_650 : vector<16xf32>
          %sub3A_652 = arith.subf %add3A_600, %div3A_648 : vector<16xf32>
          %select_n3A_653 = arith.select %gt3A_651, %sub3A_652, %broadcast_in_dim3A_9 : vector<16xi1>, vector<16xf32>
          %min3A_654 = arith.minimumf %min3A_597, %select_n3A_653 : vector<16xf32>
          %add3A_655 = arith.constant 3.200000e+01 : f32
          %add3A_656 = vector.broadcast %add3A_655 : f32 to vector<16xf32>
          %add3A_657 = arith.addf %add3A_600, %add3A_656 : vector<16xf32>
          %add3A_658 = arith.constant 5 : i32
          %add3A_659 = arith.addi %mul3A_368, %add3A_658 : i32
          %mul3A_660 = arith.constant 16 : i32
          %mul3A_661 = arith.muli %add3A_659, %mul3A_660 : i32
          %add3A_662 = arith.constant 0 : i32
          %add3A_663 = arith.addi %add3A_662, %mul3A_661 : i32
          %get3A_664 = arith.index_cast %add3A_663 : i32 to index
          %get3A_665 = tpu.vector_load %arg7[%get3A_664] {strides = array<i32>} : memref<25600xf32, #tpu.memory_space<vmem>>, vector<16xf32>,
          %get3A_666 = vector.shape_cast %get3A_665 : vector<16xf32> to vector<16xf32>
          %add3A_667 = arith.constant 5120 : i32
          %add3A_668 = arith.addi %add3A_667, %add3A_663 : i32
          %get3A_669 = arith.index_cast %add3A_668 : i32 to index
          %get3A_670 = tpu.vector_load %arg7[%get3A_669] {strides = array<i32>} : memref<25600xf32, #tpu.memory_space<vmem>>, vector<16xf32>,
          %get3A_671 = vector.shape_cast %get3A_670 : vector<16xf32> to vector<16xf32>
          %add3A_672 = arith.constant 10240 : i32
          %add3A_673 = arith.addi %add3A_672, %add3A_663 : i32
          %get3A_674 = arith.index_cast %add3A_673 : i32 to index
          %get3A_675 = tpu.vector_load %arg7[%get3A_674] {strides = array<i32>} : memref<25600xf32, #tpu.memory_space<vmem>>, vector<16xf32>,
          %get3A_676 = vector.shape_cast %get3A_675 : vector<16xf32> to vector<16xf32>
          %add3A_677 = arith.constant 15360 : i32
          %add3A_678 = arith.addi %add3A_677, %add3A_663 : i32
          %get3A_679 = arith.index_cast %add3A_678 : i32 to index
          %get3A_680 = tpu.vector_load %arg7[%get3A_679] {strides = array<i32>} : memref<25600xf32, #tpu.memory_space<vmem>>, vector<16xf32>,
          %get3A_681 = vector.shape_cast %get3A_680 : vector<16xf32> to vector<16xf32>
          %add3A_682 = arith.constant 20480 : i32
          %add3A_683 = arith.addi %add3A_682, %add3A_663 : i32
          %get3A_684 = arith.index_cast %add3A_683 : i32 to index
          %get3A_685 = tpu.vector_load %arg7[%get3A_684] {strides = array<i32>} : memref<25600xf32, #tpu.memory_space<vmem>>, vector<16xf32>,
          %get3A_686 = vector.shape_cast %get3A_685 : vector<16xf32> to vector<16xf32>
          %min3A_687 = arith.minimumf %broadcast_in_dim3A_138, %get3A_671 : vector<16xf32>
          %max3A_688 = arith.maximumf %broadcast_in_dim3A_137, %get3A_666 : vector<16xf32>
          %sub3A_689 = arith.subf %min3A_687, %max3A_688 : vector<16xf32>
          %max3A_690 = arith.constant 0.000000e+00 : f32
          %max3A_691 = vector.broadcast %max3A_690 : f32 to vector<16xf32>
          %max3A_692 = arith.maximumf %sub3A_689, %max3A_691 : vector<16xf32>
          %min3A_693 = arith.minimumf %broadcast_in_dim3A_140, %get3A_681 : vector<16xf32>
          %max3A_694 = arith.maximumf %broadcast_in_dim3A_139, %get3A_676 : vector<16xf32>
          %sub3A_695 = arith.subf %min3A_693, %max3A_694 : vector<16xf32>
          %max3A_696 = arith.constant 0.000000e+00 : f32
          %max3A_697 = vector.broadcast %max3A_696 : f32 to vector<16xf32>
          %max3A_698 = arith.maximumf %sub3A_695, %max3A_697 : vector<16xf32>
          %mul3A_699 = arith.mulf %max3A_692, %max3A_698 : vector<16xf32>
          %add3A_700 = arith.addf %broadcast_in_dim3A_141, %get3A_686 : vector<16xf32>
          %sub3A_701 = arith.subf %add3A_700, %mul3A_699 : vector<16xf32>
          %add3A_702 = arith.constant 1.000000e-07 : f32
          %add3A_703 = vector.broadcast %add3A_702 : f32 to vector<16xf32>
          %add3A_704 = arith.addf %sub3A_701, %add3A_703 : vector<16xf32>
          %div3A_705 = arith.divf %mul3A_699, %add3A_704 : vector<16xf32>
          %gt3A_706 = arith.constant 5.000000e-01 : f32
          %gt3A_707 = vector.broadcast %gt3A_706 : f32 to vector<16xf32>
          %gt3A_708 = arith.cmpf ogt, %div3A_705, %gt3A_707 : vector<16xf32>
          %sub3A_709 = arith.subf %add3A_657, %div3A_705 : vector<16xf32>
          %select_n3A_710 = arith.select %gt3A_708, %sub3A_709, %broadcast_in_dim3A_9 : vector<16xi1>, vector<16xf32>
          %min3A_711 = arith.minimumf %min3A_654, %select_n3A_710 : vector<16xf32>
          %add3A_712 = arith.constant 3.200000e+01 : f32
          %add3A_713 = vector.broadcast %add3A_712 : f32 to vector<16xf32>
          %add3A_714 = arith.addf %add3A_657, %add3A_713 : vector<16xf32>
          %add3A_715 = arith.constant 6 : i32
          %add3A_716 = arith.addi %mul3A_368, %add3A_715 : i32
          %mul3A_717 = arith.constant 16 : i32
          %mul3A_718 = arith.muli %add3A_716, %mul3A_717 : i32
          %add3A_719 = arith.constant 0 : i32
          %add3A_720 = arith.addi %add3A_719, %mul3A_718 : i32
          %get3A_721 = arith.index_cast %add3A_720 : i32 to index
          %get3A_722 = tpu.vector_load %arg7[%get3A_721] {strides = array<i32>} : memref<25600xf32, #tpu.memory_space<vmem>>, vector<16xf32>,
          %get3A_723 = vector.shape_cast %get3A_722 : vector<16xf32> to vector<16xf32>
          %add3A_724 = arith.constant 5120 : i32
          %add3A_725 = arith.addi %add3A_724, %add3A_720 : i32
          %get3A_726 = arith.index_cast %add3A_725 : i32 to index
          %get3A_727 = tpu.vector_load %arg7[%get3A_726] {strides = array<i32>} : memref<25600xf32, #tpu.memory_space<vmem>>, vector<16xf32>,
          %get3A_728 = vector.shape_cast %get3A_727 : vector<16xf32> to vector<16xf32>
          %add3A_729 = arith.constant 10240 : i32
          %add3A_730 = arith.addi %add3A_729, %add3A_720 : i32
          %get3A_731 = arith.index_cast %add3A_730 : i32 to index
          %get3A_732 = tpu.vector_load %arg7[%get3A_731] {strides = array<i32>} : memref<25600xf32, #tpu.memory_space<vmem>>, vector<16xf32>,
          %get3A_733 = vector.shape_cast %get3A_732 : vector<16xf32> to vector<16xf32>
          %add3A_734 = arith.constant 15360 : i32
          %add3A_735 = arith.addi %add3A_734, %add3A_720 : i32
          %get3A_736 = arith.index_cast %add3A_735 : i32 to index
          %get3A_737 = tpu.vector_load %arg7[%get3A_736] {strides = array<i32>} : memref<25600xf32, #tpu.memory_space<vmem>>, vector<16xf32>,
          %get3A_738 = vector.shape_cast %get3A_737 : vector<16xf32> to vector<16xf32>
          %add3A_739 = arith.constant 20480 : i32
          %add3A_740 = arith.addi %add3A_739, %add3A_720 : i32
          %get3A_741 = arith.index_cast %add3A_740 : i32 to index
          %get3A_742 = tpu.vector_load %arg7[%get3A_741] {strides = array<i32>} : memref<25600xf32, #tpu.memory_space<vmem>>, vector<16xf32>,
          %get3A_743 = vector.shape_cast %get3A_742 : vector<16xf32> to vector<16xf32>
          %min3A_744 = arith.minimumf %broadcast_in_dim3A_138, %get3A_728 : vector<16xf32>
          %max3A_745 = arith.maximumf %broadcast_in_dim3A_137, %get3A_723 : vector<16xf32>
          %sub3A_746 = arith.subf %min3A_744, %max3A_745 : vector<16xf32>
          %max3A_747 = arith.constant 0.000000e+00 : f32
          %max3A_748 = vector.broadcast %max3A_747 : f32 to vector<16xf32>
          %max3A_749 = arith.maximumf %sub3A_746, %max3A_748 : vector<16xf32>
          %min3A_750 = arith.minimumf %broadcast_in_dim3A_140, %get3A_738 : vector<16xf32>
          %max3A_751 = arith.maximumf %broadcast_in_dim3A_139, %get3A_733 : vector<16xf32>
          %sub3A_752 = arith.subf %min3A_750, %max3A_751 : vector<16xf32>
          %max3A_753 = arith.constant 0.000000e+00 : f32
          %max3A_754 = vector.broadcast %max3A_753 : f32 to vector<16xf32>
          %max3A_755 = arith.maximumf %sub3A_752, %max3A_754 : vector<16xf32>
          %mul3A_756 = arith.mulf %max3A_749, %max3A_755 : vector<16xf32>
          %add3A_757 = arith.addf %broadcast_in_dim3A_141, %get3A_743 : vector<16xf32>
          %sub3A_758 = arith.subf %add3A_757, %mul3A_756 : vector<16xf32>
          %add3A_759 = arith.constant 1.000000e-07 : f32
          %add3A_760 = vector.broadcast %add3A_759 : f32 to vector<16xf32>
          %add3A_761 = arith.addf %sub3A_758, %add3A_760 : vector<16xf32>
          %div3A_762 = arith.divf %mul3A_756, %add3A_761 : vector<16xf32>
          %gt3A_763 = arith.constant 5.000000e-01 : f32
          %gt3A_764 = vector.broadcast %gt3A_763 : f32 to vector<16xf32>
          %gt3A_765 = arith.cmpf ogt, %div3A_762, %gt3A_764 : vector<16xf32>
          %sub3A_766 = arith.subf %add3A_714, %div3A_762 : vector<16xf32>
          %select_n3A_767 = arith.select %gt3A_765, %sub3A_766, %broadcast_in_dim3A_9 : vector<16xi1>, vector<16xf32>
          %min3A_768 = arith.minimumf %min3A_711, %select_n3A_767 : vector<16xf32>
          %add3A_769 = arith.constant 3.200000e+01 : f32
          %add3A_770 = vector.broadcast %add3A_769 : f32 to vector<16xf32>
          %add3A_771 = arith.addf %add3A_714, %add3A_770 : vector<16xf32>
          %add3A_772 = arith.constant 7 : i32
          %add3A_773 = arith.addi %mul3A_368, %add3A_772 : i32
          %mul3A_774 = arith.constant 16 : i32
          %mul3A_775 = arith.muli %add3A_773, %mul3A_774 : i32
          %add3A_776 = arith.constant 0 : i32
          %add3A_777 = arith.addi %add3A_776, %mul3A_775 : i32
          %get3A_778 = arith.index_cast %add3A_777 : i32 to index
          %get3A_779 = tpu.vector_load %arg7[%get3A_778] {strides = array<i32>} : memref<25600xf32, #tpu.memory_space<vmem>>, vector<16xf32>,
          %get3A_780 = vector.shape_cast %get3A_779 : vector<16xf32> to vector<16xf32>
          %add3A_781 = arith.constant 5120 : i32
          %add3A_782 = arith.addi %add3A_781, %add3A_777 : i32
          %get3A_783 = arith.index_cast %add3A_782 : i32 to index
          %get3A_784 = tpu.vector_load %arg7[%get3A_783] {strides = array<i32>} : memref<25600xf32, #tpu.memory_space<vmem>>, vector<16xf32>,
          %get3A_785 = vector.shape_cast %get3A_784 : vector<16xf32> to vector<16xf32>
          %add3A_786 = arith.constant 10240 : i32
          %add3A_787 = arith.addi %add3A_786, %add3A_777 : i32
          %get3A_788 = arith.index_cast %add3A_787 : i32 to index
          %get3A_789 = tpu.vector_load %arg7[%get3A_788] {strides = array<i32>} : memref<25600xf32, #tpu.memory_space<vmem>>, vector<16xf32>,
          %get3A_790 = vector.shape_cast %get3A_789 : vector<16xf32> to vector<16xf32>
          %add3A_791 = arith.constant 15360 : i32
          %add3A_792 = arith.addi %add3A_791, %add3A_777 : i32
          %get3A_793 = arith.index_cast %add3A_792 : i32 to index
          %get3A_794 = tpu.vector_load %arg7[%get3A_793] {strides = array<i32>} : memref<25600xf32, #tpu.memory_space<vmem>>, vector<16xf32>,
          %get3A_795 = vector.shape_cast %get3A_794 : vector<16xf32> to vector<16xf32>
          %add3A_796 = arith.constant 20480 : i32
          %add3A_797 = arith.addi %add3A_796, %add3A_777 : i32
          %get3A_798 = arith.index_cast %add3A_797 : i32 to index
          %get3A_799 = tpu.vector_load %arg7[%get3A_798] {strides = array<i32>} : memref<25600xf32, #tpu.memory_space<vmem>>, vector<16xf32>,
          %get3A_800 = vector.shape_cast %get3A_799 : vector<16xf32> to vector<16xf32>
          %min3A_801 = arith.minimumf %broadcast_in_dim3A_138, %get3A_785 : vector<16xf32>
          %max3A_802 = arith.maximumf %broadcast_in_dim3A_137, %get3A_780 : vector<16xf32>
          %sub3A_803 = arith.subf %min3A_801, %max3A_802 : vector<16xf32>
          %max3A_804 = arith.constant 0.000000e+00 : f32
          %max3A_805 = vector.broadcast %max3A_804 : f32 to vector<16xf32>
          %max3A_806 = arith.maximumf %sub3A_803, %max3A_805 : vector<16xf32>
          %min3A_807 = arith.minimumf %broadcast_in_dim3A_140, %get3A_795 : vector<16xf32>
          %max3A_808 = arith.maximumf %broadcast_in_dim3A_139, %get3A_790 : vector<16xf32>
          %sub3A_809 = arith.subf %min3A_807, %max3A_808 : vector<16xf32>
          %max3A_810 = arith.constant 0.000000e+00 : f32
          %max3A_811 = vector.broadcast %max3A_810 : f32 to vector<16xf32>
          %max3A_812 = arith.maximumf %sub3A_809, %max3A_811 : vector<16xf32>
          %mul3A_813 = arith.mulf %max3A_806, %max3A_812 : vector<16xf32>
          %add3A_814 = arith.addf %broadcast_in_dim3A_141, %get3A_800 : vector<16xf32>
          %sub3A_815 = arith.subf %add3A_814, %mul3A_813 : vector<16xf32>
          %add3A_816 = arith.constant 1.000000e-07 : f32
          %add3A_817 = vector.broadcast %add3A_816 : f32 to vector<16xf32>
          %add3A_818 = arith.addf %sub3A_815, %add3A_817 : vector<16xf32>
          %div3A_819 = arith.divf %mul3A_813, %add3A_818 : vector<16xf32>
          %gt3A_820 = arith.constant 5.000000e-01 : f32
          %gt3A_821 = vector.broadcast %gt3A_820 : f32 to vector<16xf32>
          %gt3A_822 = arith.cmpf ogt, %div3A_819, %gt3A_821 : vector<16xf32>
          %sub3A_823 = arith.subf %add3A_771, %div3A_819 : vector<16xf32>
          %select_n3A_824 = arith.select %gt3A_822, %sub3A_823, %broadcast_in_dim3A_9 : vector<16xi1>, vector<16xf32>
          %min3A_825 = arith.minimumf %min3A_768, %select_n3A_824 : vector<16xf32>
          %lt3A_826 = arith.constant 0 : i32
          %lt3A_827 = vector.broadcast %lt3A_826 : i32 to vector<16xi32>
          %lt3A_828 = arith.cmpi slt, %select_n3A_27, %lt3A_827 : vector<16xi32>
          %add3A_829 = arith.constant 16 : i32
          %add3A_830 = vector.broadcast %add3A_829 : i32 to vector<16xi32>
          %add3A_831 = arith.addi %select_n3A_27, %add3A_830 : vector<16xi32>
          %select_n3A_832 = arith.select %lt3A_828, %add3A_831, %select_n3A_27 : vector<16xi1>, vector<16xi32>
          %broadcast_in_dim3A_833 = vector.shape_cast %select_n3A_832 : vector<16xi32> to vector<16x1xi32>
          %gather3A = vector.shape_cast %broadcast_in_dim3A_833 : vector<16x1xi32> to vector<16xi32>
          %gather3A_834 = tpu.dynamic_gather %min3A_825[%gather3A] in [0] : vector<16xf32>, vector<16xi32> -> vector<16xf32>
          %min3A_835 = arith.minimumf %min3A_825, %gather3A_834 : vector<16xf32>
          %lt3A_836 = arith.constant 0 : i32
          %lt3A_837 = vector.broadcast %lt3A_836 : i32 to vector<16xi32>
          %lt3A_838 = arith.cmpi slt, %select_n3A_52, %lt3A_837 : vector<16xi32>
          %add3A_839 = arith.constant 16 : i32
          %add3A_840 = vector.broadcast %add3A_839 : i32 to vector<16xi32>
          %add3A_841 = arith.addi %select_n3A_52, %add3A_840 : vector<16xi32>
          %select_n3A_842 = arith.select %lt3A_838, %add3A_841, %select_n3A_52 : vector<16xi1>, vector<16xi32>
          %broadcast_in_dim3A_843 = vector.shape_cast %select_n3A_842 : vector<16xi32> to vector<16x1xi32>
          %gather3A_844 = vector.shape_cast %broadcast_in_dim3A_843 : vector<16x1xi32> to vector<16xi32>
          %gather3A_845 = tpu.dynamic_gather %min3A_835[%gather3A_844] in [0] : vector<16xf32>, vector<16xi32> -> vector<16xf32>
          %min3A_846 = arith.minimumf %min3A_835, %gather3A_845 : vector<16xf32>
          %lt3A_847 = arith.constant 0 : i32
          %lt3A_848 = vector.broadcast %lt3A_847 : i32 to vector<16xi32>
          %lt3A_849 = arith.cmpi slt, %select_n3A_77, %lt3A_848 : vector<16xi32>
          %add3A_850 = arith.constant 16 : i32
          %add3A_851 = vector.broadcast %add3A_850 : i32 to vector<16xi32>
          %add3A_852 = arith.addi %select_n3A_77, %add3A_851 : vector<16xi32>
          %select_n3A_853 = arith.select %lt3A_849, %add3A_852, %select_n3A_77 : vector<16xi1>, vector<16xi32>
          %broadcast_in_dim3A_854 = vector.shape_cast %select_n3A_853 : vector<16xi32> to vector<16x1xi32>
          %gather3A_855 = vector.shape_cast %broadcast_in_dim3A_854 : vector<16x1xi32> to vector<16xi32>
          %gather3A_856 = tpu.dynamic_gather %min3A_846[%gather3A_855] in [0] : vector<16xf32>, vector<16xi32> -> vector<16xf32>
          %min3A_857 = arith.minimumf %min3A_846, %gather3A_856 : vector<16xf32>
          %lt3A_858 = arith.constant 0 : i32
          %lt3A_859 = vector.broadcast %lt3A_858 : i32 to vector<16xi32>
          %lt3A_860 = arith.cmpi slt, %select_n3A_102, %lt3A_859 : vector<16xi32>
          %add3A_861 = arith.constant 16 : i32
          %add3A_862 = vector.broadcast %add3A_861 : i32 to vector<16xi32>
          %add3A_863 = arith.addi %select_n3A_102, %add3A_862 : vector<16xi32>
          %select_n3A_864 = arith.select %lt3A_860, %add3A_863, %select_n3A_102 : vector<16xi1>, vector<16xi32>
          %broadcast_in_dim3A_865 = vector.shape_cast %select_n3A_864 : vector<16xi32> to vector<16x1xi32>
          %gather3A_866 = vector.shape_cast %broadcast_in_dim3A_865 : vector<16x1xi32> to vector<16xi32>
          %gather3A_867 = tpu.dynamic_gather %min3A_857[%gather3A_866] in [0] : vector<16xf32>, vector<16xi32> -> vector<16xf32>
          %min3A_868 = arith.minimumf %min3A_857, %gather3A_867 : vector<16xf32>
          %slice3A_869 = vector.extract_strided_slice %min3A_868 {offsets = [0], sizes = [1], strides = [1]} : vector<16xf32> to vector<1xf32>
          %squeeze3A_870 = vector.extract %slice3A_869[0] : f32 from vector<1xf32>
          %swap3A_871 = arith.constant 0 : i32
          %swap3A_872 = arith.index_cast %swap3A_871 : i32 to index
          %swap3A_873 = memref.load %arg9[%swap3A_872] : memref<1xf32, #tpu.memory_space<smem>>
          memref.store %squeeze3A_870, %arg9[%swap3A_872] : memref<1xf32, #tpu.memory_space<smem>>
        } else {
        }
      }
      %scan3A_153 = arith.constant 8 : i32
      %get3A_154 = arith.constant 0 : i32
      %get3A_155 = arith.index_cast %get3A_154 : i32 to index
      %get3A_156 = memref.load %arg9[%get3A_155] : memref<1xf32, #tpu.memory_space<smem>>
      %lt3A_157 = arith.constant 1.000000e+08 : f32
      %lt3A_158 = arith.cmpf olt, %get3A_156, %lt3A_157 : f32
      %gt3A_159 = arith.constant 0.000000e+00 : f32
      %gt3A_160 = arith.cmpf ogt, %get3A_156, %gt3A_159 : f32
      %and3A_161 = arith.andi %lt3A_158, %gt3A_160 : i1
      %sub3A_162 = arith.constant 1.000000e+00 : f32
      %sub3A_163 = arith.subf %get3A_156, %sub3A_162 : f32
      %mul3A_164 = arith.constant 5.000000e-01 : f32
      %mul3A_165 = arith.mulf %sub3A_163, %mul3A_164 : f32
      %convert_element_type3A_166 = arith.fptosi %mul3A_165 : f32 to i32
      %mul3A_167 = arith.constant 2 : i32
      %mul3A_168 = arith.muli %convert_element_type3A_166, %mul3A_167 : i32
      %add3A_169 = arith.constant 2 : i32
      %add3A_170 = arith.addi %mul3A_168, %add3A_169 : i32
      %convert_element_type3A_171 = arith.sitofp %add3A_170 : i32 to f32
      %sub3A_172 = arith.subf %convert_element_type3A_171, %get3A_156 : f32
      %jit3A_173 = arith.constant 0.000000e+00 : f32
      %select_n3A_174 = arith.select %and3A_161, %sub3A_172, %jit3A_173 : f32
      %add3A_175 = arith.constant 0.000000e+00 : f32
      %add3A_176 = arith.addf %add3A_175, %select_n3A_174 : f32
      %jit3A_177 = arith.constant 1.000000e+00 : f32
      %jit3A_178 = arith.constant 0.000000e+00 : f32
      %select_n3A_179 = arith.select %and3A_161, %jit3A_177, %jit3A_178 : f32
      %add3A_180 = arith.constant 0.000000e+00 : f32
      %add3A_181 = arith.addf %add3A_180, %select_n3A_179 : f32
      %swap3A_182 = arith.constant 0 : i32
      %swap3A_183 = arith.index_cast %swap3A_182 : i32 to index
      %swap3A_184 = memref.load %arg9[%swap3A_183] : memref<1xf32, #tpu.memory_space<smem>>
      memref.store %select_n3A_145, %arg9[%swap3A_183] : memref<1xf32, #tpu.memory_space<smem>>
      %scan3A_185 = arith.constant 0 : i32
      %scan3A_186 = arith.constant 0 : i32
      %scan3A_187 = arith.constant 8 : i32
      %scan3A_188 = arith.addi %scan3A_186, %scan3A_187 : i32
      %scan3A_189 = arith.constant 1 : i32
      scf.for %scan3A_358 = %scan3A_186 to %scan3A_188 step %scan3A_189  : i32 {
        %get3A_359 = arith.constant 0 : i32
        %get3A_360 = arith.index_cast %get3A_359 : i32 to index
        %get3A_361 = memref.load %arg9[%get3A_360] : memref<1xf32, #tpu.memory_space<smem>>
        %gt3A_362 = arith.constant 1.000000e+08 : f32
        %gt3A_363 = arith.cmpf ogt, %get3A_361, %gt3A_362 : f32
        %convert_element_type3A_364 = arith.extui %gt3A_363 : i1 to i32
        %cond3A_365 = arith.constant 0 : i32
        %cond3A_366 = arith.cmpi ne, %convert_element_type3A_364, %cond3A_365 : i32
        scf.if %cond3A_366 {
          %mul3A_367 = arith.constant 8 : i32
          %mul3A_368 = arith.muli %scan3A_358, %mul3A_367 : i32
          %mul3A_369 = arith.constant 32 : i32
          %mul3A_370 = arith.muli %mul3A_368, %mul3A_369 : i32
          %add3A_371 = arith.constant 2 : i32
          %add3A_372 = arith.addi %mul3A_370, %add3A_371 : i32
          %convert_element_type3A_373 = arith.sitofp %add3A_372 : i32 to f32
          %broadcast_in_dim3A_374 = vector.broadcast %convert_element_type3A_373 : f32 to vector<16xf32>
          %add3A_375 = arith.addf %broadcast_in_dim3A_374, %mul3A_8 : vector<16xf32>
          %add3A_376 = arith.constant 0 : i32
          %add3A_377 = arith.addi %mul3A_368, %add3A_376 : i32
          %mul3A_378 = arith.constant 16 : i32
          %mul3A_379 = arith.muli %add3A_377, %mul3A_378 : i32
          %add3A_380 = arith.constant 1024 : i32
          %add3A_381 = arith.addi %add3A_380, %mul3A_379 : i32
          %get3A_382 = arith.index_cast %add3A_381 : i32 to index
          %get3A_383 = tpu.vector_load %arg7[%get3A_382] {strides = array<i32>} : memref<25600xf32, #tpu.memory_space<vmem>>, vector<16xf32>,
          %get3A_384 = vector.shape_cast %get3A_383 : vector<16xf32> to vector<16xf32>
          %add3A_385 = arith.constant 5120 : i32
          %add3A_386 = arith.addi %add3A_385, %add3A_381 : i32
          %get3A_387 = arith.index_cast %add3A_386 : i32 to index
          %get3A_388 = tpu.vector_load %arg7[%get3A_387] {strides = array<i32>} : memref<25600xf32, #tpu.memory_space<vmem>>, vector<16xf32>,
          %get3A_389 = vector.shape_cast %get3A_388 : vector<16xf32> to vector<16xf32>
          %add3A_390 = arith.constant 10240 : i32
          %add3A_391 = arith.addi %add3A_390, %add3A_381 : i32
          %get3A_392 = arith.index_cast %add3A_391 : i32 to index
          %get3A_393 = tpu.vector_load %arg7[%get3A_392] {strides = array<i32>} : memref<25600xf32, #tpu.memory_space<vmem>>, vector<16xf32>,
          %get3A_394 = vector.shape_cast %get3A_393 : vector<16xf32> to vector<16xf32>
          %add3A_395 = arith.constant 15360 : i32
          %add3A_396 = arith.addi %add3A_395, %add3A_381 : i32
          %get3A_397 = arith.index_cast %add3A_396 : i32 to index
          %get3A_398 = tpu.vector_load %arg7[%get3A_397] {strides = array<i32>} : memref<25600xf32, #tpu.memory_space<vmem>>, vector<16xf32>,
          %get3A_399 = vector.shape_cast %get3A_398 : vector<16xf32> to vector<16xf32>
          %add3A_400 = arith.constant 20480 : i32
          %add3A_401 = arith.addi %add3A_400, %add3A_381 : i32
          %get3A_402 = arith.index_cast %add3A_401 : i32 to index
          %get3A_403 = tpu.vector_load %arg7[%get3A_402] {strides = array<i32>} : memref<25600xf32, #tpu.memory_space<vmem>>, vector<16xf32>,
          %get3A_404 = vector.shape_cast %get3A_403 : vector<16xf32> to vector<16xf32>
          %min3A = arith.minimumf %broadcast_in_dim3A_138, %get3A_389 : vector<16xf32>
          %max3A = arith.maximumf %broadcast_in_dim3A_137, %get3A_384 : vector<16xf32>
          %sub3A_405 = arith.subf %min3A, %max3A : vector<16xf32>
          %max3A_406 = arith.constant 0.000000e+00 : f32
          %max3A_407 = vector.broadcast %max3A_406 : f32 to vector<16xf32>
          %max3A_408 = arith.maximumf %sub3A_405, %max3A_407 : vector<16xf32>
          %min3A_409 = arith.minimumf %broadcast_in_dim3A_140, %get3A_399 : vector<16xf32>
          %max3A_410 = arith.maximumf %broadcast_in_dim3A_139, %get3A_394 : vector<16xf32>
          %sub3A_411 = arith.subf %min3A_409, %max3A_410 : vector<16xf32>
          %max3A_412 = arith.constant 0.000000e+00 : f32
          %max3A_413 = vector.broadcast %max3A_412 : f32 to vector<16xf32>
          %max3A_414 = arith.maximumf %sub3A_411, %max3A_413 : vector<16xf32>
          %mul3A_415 = arith.mulf %max3A_408, %max3A_414 : vector<16xf32>
          %add3A_416 = arith.addf %broadcast_in_dim3A_141, %get3A_404 : vector<16xf32>
          %sub3A_417 = arith.subf %add3A_416, %mul3A_415 : vector<16xf32>
          %add3A_418 = arith.constant 1.000000e-07 : f32
          %add3A_419 = vector.broadcast %add3A_418 : f32 to vector<16xf32>
          %add3A_420 = arith.addf %sub3A_417, %add3A_419 : vector<16xf32>
          %div3A = arith.divf %mul3A_415, %add3A_420 : vector<16xf32>
          %gt3A_421 = arith.constant 5.000000e-01 : f32
          %gt3A_422 = vector.broadcast %gt3A_421 : f32 to vector<16xf32>
          %gt3A_423 = arith.cmpf ogt, %div3A, %gt3A_422 : vector<16xf32>
          %sub3A_424 = arith.subf %add3A_375, %div3A : vector<16xf32>
          %select_n3A_425 = arith.select %gt3A_423, %sub3A_424, %broadcast_in_dim3A_9 : vector<16xi1>, vector<16xf32>
          %min3A_426 = arith.minimumf %broadcast_in_dim3A_9, %select_n3A_425 : vector<16xf32>
          %add3A_427 = arith.constant 3.200000e+01 : f32
          %add3A_428 = vector.broadcast %add3A_427 : f32 to vector<16xf32>
          %add3A_429 = arith.addf %add3A_375, %add3A_428 : vector<16xf32>
          %add3A_430 = arith.constant 1 : i32
          %add3A_431 = arith.addi %mul3A_368, %add3A_430 : i32
          %mul3A_432 = arith.constant 16 : i32
          %mul3A_433 = arith.muli %add3A_431, %mul3A_432 : i32
          %add3A_434 = arith.constant 1024 : i32
          %add3A_435 = arith.addi %add3A_434, %mul3A_433 : i32
          %get3A_436 = arith.index_cast %add3A_435 : i32 to index
          %get3A_437 = tpu.vector_load %arg7[%get3A_436] {strides = array<i32>} : memref<25600xf32, #tpu.memory_space<vmem>>, vector<16xf32>,
          %get3A_438 = vector.shape_cast %get3A_437 : vector<16xf32> to vector<16xf32>
          %add3A_439 = arith.constant 5120 : i32
          %add3A_440 = arith.addi %add3A_439, %add3A_435 : i32
          %get3A_441 = arith.index_cast %add3A_440 : i32 to index
          %get3A_442 = tpu.vector_load %arg7[%get3A_441] {strides = array<i32>} : memref<25600xf32, #tpu.memory_space<vmem>>, vector<16xf32>,
          %get3A_443 = vector.shape_cast %get3A_442 : vector<16xf32> to vector<16xf32>
          %add3A_444 = arith.constant 10240 : i32
          %add3A_445 = arith.addi %add3A_444, %add3A_435 : i32
          %get3A_446 = arith.index_cast %add3A_445 : i32 to index
          %get3A_447 = tpu.vector_load %arg7[%get3A_446] {strides = array<i32>} : memref<25600xf32, #tpu.memory_space<vmem>>, vector<16xf32>,
          %get3A_448 = vector.shape_cast %get3A_447 : vector<16xf32> to vector<16xf32>
          %add3A_449 = arith.constant 15360 : i32
          %add3A_450 = arith.addi %add3A_449, %add3A_435 : i32
          %get3A_451 = arith.index_cast %add3A_450 : i32 to index
          %get3A_452 = tpu.vector_load %arg7[%get3A_451] {strides = array<i32>} : memref<25600xf32, #tpu.memory_space<vmem>>, vector<16xf32>,
          %get3A_453 = vector.shape_cast %get3A_452 : vector<16xf32> to vector<16xf32>
          %add3A_454 = arith.constant 20480 : i32
          %add3A_455 = arith.addi %add3A_454, %add3A_435 : i32
          %get3A_456 = arith.index_cast %add3A_455 : i32 to index
          %get3A_457 = tpu.vector_load %arg7[%get3A_456] {strides = array<i32>} : memref<25600xf32, #tpu.memory_space<vmem>>, vector<16xf32>,
          %get3A_458 = vector.shape_cast %get3A_457 : vector<16xf32> to vector<16xf32>
          %min3A_459 = arith.minimumf %broadcast_in_dim3A_138, %get3A_443 : vector<16xf32>
          %max3A_460 = arith.maximumf %broadcast_in_dim3A_137, %get3A_438 : vector<16xf32>
          %sub3A_461 = arith.subf %min3A_459, %max3A_460 : vector<16xf32>
          %max3A_462 = arith.constant 0.000000e+00 : f32
          %max3A_463 = vector.broadcast %max3A_462 : f32 to vector<16xf32>
          %max3A_464 = arith.maximumf %sub3A_461, %max3A_463 : vector<16xf32>
          %min3A_465 = arith.minimumf %broadcast_in_dim3A_140, %get3A_453 : vector<16xf32>
          %max3A_466 = arith.maximumf %broadcast_in_dim3A_139, %get3A_448 : vector<16xf32>
          %sub3A_467 = arith.subf %min3A_465, %max3A_466 : vector<16xf32>
          %max3A_468 = arith.constant 0.000000e+00 : f32
          %max3A_469 = vector.broadcast %max3A_468 : f32 to vector<16xf32>
          %max3A_470 = arith.maximumf %sub3A_467, %max3A_469 : vector<16xf32>
          %mul3A_471 = arith.mulf %max3A_464, %max3A_470 : vector<16xf32>
          %add3A_472 = arith.addf %broadcast_in_dim3A_141, %get3A_458 : vector<16xf32>
          %sub3A_473 = arith.subf %add3A_472, %mul3A_471 : vector<16xf32>
          %add3A_474 = arith.constant 1.000000e-07 : f32
          %add3A_475 = vector.broadcast %add3A_474 : f32 to vector<16xf32>
          %add3A_476 = arith.addf %sub3A_473, %add3A_475 : vector<16xf32>
          %div3A_477 = arith.divf %mul3A_471, %add3A_476 : vector<16xf32>
          %gt3A_478 = arith.constant 5.000000e-01 : f32
          %gt3A_479 = vector.broadcast %gt3A_478 : f32 to vector<16xf32>
          %gt3A_480 = arith.cmpf ogt, %div3A_477, %gt3A_479 : vector<16xf32>
          %sub3A_481 = arith.subf %add3A_429, %div3A_477 : vector<16xf32>
          %select_n3A_482 = arith.select %gt3A_480, %sub3A_481, %broadcast_in_dim3A_9 : vector<16xi1>, vector<16xf32>
          %min3A_483 = arith.minimumf %min3A_426, %select_n3A_482 : vector<16xf32>
          %add3A_484 = arith.constant 3.200000e+01 : f32
          %add3A_485 = vector.broadcast %add3A_484 : f32 to vector<16xf32>
          %add3A_486 = arith.addf %add3A_429, %add3A_485 : vector<16xf32>
          %add3A_487 = arith.constant 2 : i32
          %add3A_488 = arith.addi %mul3A_368, %add3A_487 : i32
          %mul3A_489 = arith.constant 16 : i32
          %mul3A_490 = arith.muli %add3A_488, %mul3A_489 : i32
          %add3A_491 = arith.constant 1024 : i32
          %add3A_492 = arith.addi %add3A_491, %mul3A_490 : i32
          %get3A_493 = arith.index_cast %add3A_492 : i32 to index
          %get3A_494 = tpu.vector_load %arg7[%get3A_493] {strides = array<i32>} : memref<25600xf32, #tpu.memory_space<vmem>>, vector<16xf32>,
          %get3A_495 = vector.shape_cast %get3A_494 : vector<16xf32> to vector<16xf32>
          %add3A_496 = arith.constant 5120 : i32
          %add3A_497 = arith.addi %add3A_496, %add3A_492 : i32
          %get3A_498 = arith.index_cast %add3A_497 : i32 to index
          %get3A_499 = tpu.vector_load %arg7[%get3A_498] {strides = array<i32>} : memref<25600xf32, #tpu.memory_space<vmem>>, vector<16xf32>,
          %get3A_500 = vector.shape_cast %get3A_499 : vector<16xf32> to vector<16xf32>
          %add3A_501 = arith.constant 10240 : i32
          %add3A_502 = arith.addi %add3A_501, %add3A_492 : i32
          %get3A_503 = arith.index_cast %add3A_502 : i32 to index
          %get3A_504 = tpu.vector_load %arg7[%get3A_503] {strides = array<i32>} : memref<25600xf32, #tpu.memory_space<vmem>>, vector<16xf32>,
          %get3A_505 = vector.shape_cast %get3A_504 : vector<16xf32> to vector<16xf32>
          %add3A_506 = arith.constant 15360 : i32
          %add3A_507 = arith.addi %add3A_506, %add3A_492 : i32
          %get3A_508 = arith.index_cast %add3A_507 : i32 to index
          %get3A_509 = tpu.vector_load %arg7[%get3A_508] {strides = array<i32>} : memref<25600xf32, #tpu.memory_space<vmem>>, vector<16xf32>,
          %get3A_510 = vector.shape_cast %get3A_509 : vector<16xf32> to vector<16xf32>
          %add3A_511 = arith.constant 20480 : i32
          %add3A_512 = arith.addi %add3A_511, %add3A_492 : i32
          %get3A_513 = arith.index_cast %add3A_512 : i32 to index
          %get3A_514 = tpu.vector_load %arg7[%get3A_513] {strides = array<i32>} : memref<25600xf32, #tpu.memory_space<vmem>>, vector<16xf32>,
          %get3A_515 = vector.shape_cast %get3A_514 : vector<16xf32> to vector<16xf32>
          %min3A_516 = arith.minimumf %broadcast_in_dim3A_138, %get3A_500 : vector<16xf32>
          %max3A_517 = arith.maximumf %broadcast_in_dim3A_137, %get3A_495 : vector<16xf32>
          %sub3A_518 = arith.subf %min3A_516, %max3A_517 : vector<16xf32>
          %max3A_519 = arith.constant 0.000000e+00 : f32
          %max3A_520 = vector.broadcast %max3A_519 : f32 to vector<16xf32>
          %max3A_521 = arith.maximumf %sub3A_518, %max3A_520 : vector<16xf32>
          %min3A_522 = arith.minimumf %broadcast_in_dim3A_140, %get3A_510 : vector<16xf32>
          %max3A_523 = arith.maximumf %broadcast_in_dim3A_139, %get3A_505 : vector<16xf32>
          %sub3A_524 = arith.subf %min3A_522, %max3A_523 : vector<16xf32>
          %max3A_525 = arith.constant 0.000000e+00 : f32
          %max3A_526 = vector.broadcast %max3A_525 : f32 to vector<16xf32>
          %max3A_527 = arith.maximumf %sub3A_524, %max3A_526 : vector<16xf32>
          %mul3A_528 = arith.mulf %max3A_521, %max3A_527 : vector<16xf32>
          %add3A_529 = arith.addf %broadcast_in_dim3A_141, %get3A_515 : vector<16xf32>
          %sub3A_530 = arith.subf %add3A_529, %mul3A_528 : vector<16xf32>
          %add3A_531 = arith.constant 1.000000e-07 : f32
          %add3A_532 = vector.broadcast %add3A_531 : f32 to vector<16xf32>
          %add3A_533 = arith.addf %sub3A_530, %add3A_532 : vector<16xf32>
          %div3A_534 = arith.divf %mul3A_528, %add3A_533 : vector<16xf32>
          %gt3A_535 = arith.constant 5.000000e-01 : f32
          %gt3A_536 = vector.broadcast %gt3A_535 : f32 to vector<16xf32>
          %gt3A_537 = arith.cmpf ogt, %div3A_534, %gt3A_536 : vector<16xf32>
          %sub3A_538 = arith.subf %add3A_486, %div3A_534 : vector<16xf32>
          %select_n3A_539 = arith.select %gt3A_537, %sub3A_538, %broadcast_in_dim3A_9 : vector<16xi1>, vector<16xf32>
          %min3A_540 = arith.minimumf %min3A_483, %select_n3A_539 : vector<16xf32>
          %add3A_541 = arith.constant 3.200000e+01 : f32
          %add3A_542 = vector.broadcast %add3A_541 : f32 to vector<16xf32>
          %add3A_543 = arith.addf %add3A_486, %add3A_542 : vector<16xf32>
          %add3A_544 = arith.constant 3 : i32
          %add3A_545 = arith.addi %mul3A_368, %add3A_544 : i32
          %mul3A_546 = arith.constant 16 : i32
          %mul3A_547 = arith.muli %add3A_545, %mul3A_546 : i32
          %add3A_548 = arith.constant 1024 : i32
          %add3A_549 = arith.addi %add3A_548, %mul3A_547 : i32
          %get3A_550 = arith.index_cast %add3A_549 : i32 to index
          %get3A_551 = tpu.vector_load %arg7[%get3A_550] {strides = array<i32>} : memref<25600xf32, #tpu.memory_space<vmem>>, vector<16xf32>,
          %get3A_552 = vector.shape_cast %get3A_551 : vector<16xf32> to vector<16xf32>
          %add3A_553 = arith.constant 5120 : i32
          %add3A_554 = arith.addi %add3A_553, %add3A_549 : i32
          %get3A_555 = arith.index_cast %add3A_554 : i32 to index
          %get3A_556 = tpu.vector_load %arg7[%get3A_555] {strides = array<i32>} : memref<25600xf32, #tpu.memory_space<vmem>>, vector<16xf32>,
          %get3A_557 = vector.shape_cast %get3A_556 : vector<16xf32> to vector<16xf32>
          %add3A_558 = arith.constant 10240 : i32
          %add3A_559 = arith.addi %add3A_558, %add3A_549 : i32
          %get3A_560 = arith.index_cast %add3A_559 : i32 to index
          %get3A_561 = tpu.vector_load %arg7[%get3A_560] {strides = array<i32>} : memref<25600xf32, #tpu.memory_space<vmem>>, vector<16xf32>,
          %get3A_562 = vector.shape_cast %get3A_561 : vector<16xf32> to vector<16xf32>
          %add3A_563 = arith.constant 15360 : i32
          %add3A_564 = arith.addi %add3A_563, %add3A_549 : i32
          %get3A_565 = arith.index_cast %add3A_564 : i32 to index
          %get3A_566 = tpu.vector_load %arg7[%get3A_565] {strides = array<i32>} : memref<25600xf32, #tpu.memory_space<vmem>>, vector<16xf32>,
          %get3A_567 = vector.shape_cast %get3A_566 : vector<16xf32> to vector<16xf32>
          %add3A_568 = arith.constant 20480 : i32
          %add3A_569 = arith.addi %add3A_568, %add3A_549 : i32
          %get3A_570 = arith.index_cast %add3A_569 : i32 to index
          %get3A_571 = tpu.vector_load %arg7[%get3A_570] {strides = array<i32>} : memref<25600xf32, #tpu.memory_space<vmem>>, vector<16xf32>,
          %get3A_572 = vector.shape_cast %get3A_571 : vector<16xf32> to vector<16xf32>
          %min3A_573 = arith.minimumf %broadcast_in_dim3A_138, %get3A_557 : vector<16xf32>
          %max3A_574 = arith.maximumf %broadcast_in_dim3A_137, %get3A_552 : vector<16xf32>
          %sub3A_575 = arith.subf %min3A_573, %max3A_574 : vector<16xf32>
          %max3A_576 = arith.constant 0.000000e+00 : f32
          %max3A_577 = vector.broadcast %max3A_576 : f32 to vector<16xf32>
          %max3A_578 = arith.maximumf %sub3A_575, %max3A_577 : vector<16xf32>
          %min3A_579 = arith.minimumf %broadcast_in_dim3A_140, %get3A_567 : vector<16xf32>
          %max3A_580 = arith.maximumf %broadcast_in_dim3A_139, %get3A_562 : vector<16xf32>
          %sub3A_581 = arith.subf %min3A_579, %max3A_580 : vector<16xf32>
          %max3A_582 = arith.constant 0.000000e+00 : f32
          %max3A_583 = vector.broadcast %max3A_582 : f32 to vector<16xf32>
          %max3A_584 = arith.maximumf %sub3A_581, %max3A_583 : vector<16xf32>
          %mul3A_585 = arith.mulf %max3A_578, %max3A_584 : vector<16xf32>
          %add3A_586 = arith.addf %broadcast_in_dim3A_141, %get3A_572 : vector<16xf32>
          %sub3A_587 = arith.subf %add3A_586, %mul3A_585 : vector<16xf32>
          %add3A_588 = arith.constant 1.000000e-07 : f32
          %add3A_589 = vector.broadcast %add3A_588 : f32 to vector<16xf32>
          %add3A_590 = arith.addf %sub3A_587, %add3A_589 : vector<16xf32>
          %div3A_591 = arith.divf %mul3A_585, %add3A_590 : vector<16xf32>
          %gt3A_592 = arith.constant 5.000000e-01 : f32
          %gt3A_593 = vector.broadcast %gt3A_592 : f32 to vector<16xf32>
          %gt3A_594 = arith.cmpf ogt, %div3A_591, %gt3A_593 : vector<16xf32>
          %sub3A_595 = arith.subf %add3A_543, %div3A_591 : vector<16xf32>
          %select_n3A_596 = arith.select %gt3A_594, %sub3A_595, %broadcast_in_dim3A_9 : vector<16xi1>, vector<16xf32>
          %min3A_597 = arith.minimumf %min3A_540, %select_n3A_596 : vector<16xf32>
          %add3A_598 = arith.constant 3.200000e+01 : f32
          %add3A_599 = vector.broadcast %add3A_598 : f32 to vector<16xf32>
          %add3A_600 = arith.addf %add3A_543, %add3A_599 : vector<16xf32>
          %add3A_601 = arith.constant 4 : i32
          %add3A_602 = arith.addi %mul3A_368, %add3A_601 : i32
          %mul3A_603 = arith.constant 16 : i32
          %mul3A_604 = arith.muli %add3A_602, %mul3A_603 : i32
          %add3A_605 = arith.constant 1024 : i32
          %add3A_606 = arith.addi %add3A_605, %mul3A_604 : i32
          %get3A_607 = arith.index_cast %add3A_606 : i32 to index
          %get3A_608 = tpu.vector_load %arg7[%get3A_607] {strides = array<i32>} : memref<25600xf32, #tpu.memory_space<vmem>>, vector<16xf32>,
          %get3A_609 = vector.shape_cast %get3A_608 : vector<16xf32> to vector<16xf32>
          %add3A_610 = arith.constant 5120 : i32
          %add3A_611 = arith.addi %add3A_610, %add3A_606 : i32
          %get3A_612 = arith.index_cast %add3A_611 : i32 to index
          %get3A_613 = tpu.vector_load %arg7[%get3A_612] {strides = array<i32>} : memref<25600xf32, #tpu.memory_space<vmem>>, vector<16xf32>,
          %get3A_614 = vector.shape_cast %get3A_613 : vector<16xf32> to vector<16xf32>
          %add3A_615 = arith.constant 10240 : i32
          %add3A_616 = arith.addi %add3A_615, %add3A_606 : i32
          %get3A_617 = arith.index_cast %add3A_616 : i32 to index
          %get3A_618 = tpu.vector_load %arg7[%get3A_617] {strides = array<i32>} : memref<25600xf32, #tpu.memory_space<vmem>>, vector<16xf32>,
          %get3A_619 = vector.shape_cast %get3A_618 : vector<16xf32> to vector<16xf32>
          %add3A_620 = arith.constant 15360 : i32
          %add3A_621 = arith.addi %add3A_620, %add3A_606 : i32
          %get3A_622 = arith.index_cast %add3A_621 : i32 to index
          %get3A_623 = tpu.vector_load %arg7[%get3A_622] {strides = array<i32>} : memref<25600xf32, #tpu.memory_space<vmem>>, vector<16xf32>,
          %get3A_624 = vector.shape_cast %get3A_623 : vector<16xf32> to vector<16xf32>
          %add3A_625 = arith.constant 20480 : i32
          %add3A_626 = arith.addi %add3A_625, %add3A_606 : i32
          %get3A_627 = arith.index_cast %add3A_626 : i32 to index
          %get3A_628 = tpu.vector_load %arg7[%get3A_627] {strides = array<i32>} : memref<25600xf32, #tpu.memory_space<vmem>>, vector<16xf32>,
          %get3A_629 = vector.shape_cast %get3A_628 : vector<16xf32> to vector<16xf32>
          %min3A_630 = arith.minimumf %broadcast_in_dim3A_138, %get3A_614 : vector<16xf32>
          %max3A_631 = arith.maximumf %broadcast_in_dim3A_137, %get3A_609 : vector<16xf32>
          %sub3A_632 = arith.subf %min3A_630, %max3A_631 : vector<16xf32>
          %max3A_633 = arith.constant 0.000000e+00 : f32
          %max3A_634 = vector.broadcast %max3A_633 : f32 to vector<16xf32>
          %max3A_635 = arith.maximumf %sub3A_632, %max3A_634 : vector<16xf32>
          %min3A_636 = arith.minimumf %broadcast_in_dim3A_140, %get3A_624 : vector<16xf32>
          %max3A_637 = arith.maximumf %broadcast_in_dim3A_139, %get3A_619 : vector<16xf32>
          %sub3A_638 = arith.subf %min3A_636, %max3A_637 : vector<16xf32>
          %max3A_639 = arith.constant 0.000000e+00 : f32
          %max3A_640 = vector.broadcast %max3A_639 : f32 to vector<16xf32>
          %max3A_641 = arith.maximumf %sub3A_638, %max3A_640 : vector<16xf32>
          %mul3A_642 = arith.mulf %max3A_635, %max3A_641 : vector<16xf32>
          %add3A_643 = arith.addf %broadcast_in_dim3A_141, %get3A_629 : vector<16xf32>
          %sub3A_644 = arith.subf %add3A_643, %mul3A_642 : vector<16xf32>
          %add3A_645 = arith.constant 1.000000e-07 : f32
          %add3A_646 = vector.broadcast %add3A_645 : f32 to vector<16xf32>
          %add3A_647 = arith.addf %sub3A_644, %add3A_646 : vector<16xf32>
          %div3A_648 = arith.divf %mul3A_642, %add3A_647 : vector<16xf32>
          %gt3A_649 = arith.constant 5.000000e-01 : f32
          %gt3A_650 = vector.broadcast %gt3A_649 : f32 to vector<16xf32>
          %gt3A_651 = arith.cmpf ogt, %div3A_648, %gt3A_650 : vector<16xf32>
          %sub3A_652 = arith.subf %add3A_600, %div3A_648 : vector<16xf32>
          %select_n3A_653 = arith.select %gt3A_651, %sub3A_652, %broadcast_in_dim3A_9 : vector<16xi1>, vector<16xf32>
          %min3A_654 = arith.minimumf %min3A_597, %select_n3A_653 : vector<16xf32>
          %add3A_655 = arith.constant 3.200000e+01 : f32
          %add3A_656 = vector.broadcast %add3A_655 : f32 to vector<16xf32>
          %add3A_657 = arith.addf %add3A_600, %add3A_656 : vector<16xf32>
          %add3A_658 = arith.constant 5 : i32
          %add3A_659 = arith.addi %mul3A_368, %add3A_658 : i32
          %mul3A_660 = arith.constant 16 : i32
          %mul3A_661 = arith.muli %add3A_659, %mul3A_660 : i32
          %add3A_662 = arith.constant 1024 : i32
          %add3A_663 = arith.addi %add3A_662, %mul3A_661 : i32
          %get3A_664 = arith.index_cast %add3A_663 : i32 to index
          %get3A_665 = tpu.vector_load %arg7[%get3A_664] {strides = array<i32>} : memref<25600xf32, #tpu.memory_space<vmem>>, vector<16xf32>,
          %get3A_666 = vector.shape_cast %get3A_665 : vector<16xf32> to vector<16xf32>
          %add3A_667 = arith.constant 5120 : i32
          %add3A_668 = arith.addi %add3A_667, %add3A_663 : i32
          %get3A_669 = arith.index_cast %add3A_668 : i32 to index
          %get3A_670 = tpu.vector_load %arg7[%get3A_669] {strides = array<i32>} : memref<25600xf32, #tpu.memory_space<vmem>>, vector<16xf32>,
          %get3A_671 = vector.shape_cast %get3A_670 : vector<16xf32> to vector<16xf32>
          %add3A_672 = arith.constant 10240 : i32
          %add3A_673 = arith.addi %add3A_672, %add3A_663 : i32
          %get3A_674 = arith.index_cast %add3A_673 : i32 to index
          %get3A_675 = tpu.vector_load %arg7[%get3A_674] {strides = array<i32>} : memref<25600xf32, #tpu.memory_space<vmem>>, vector<16xf32>,
          %get3A_676 = vector.shape_cast %get3A_675 : vector<16xf32> to vector<16xf32>
          %add3A_677 = arith.constant 15360 : i32
          %add3A_678 = arith.addi %add3A_677, %add3A_663 : i32
          %get3A_679 = arith.index_cast %add3A_678 : i32 to index
          %get3A_680 = tpu.vector_load %arg7[%get3A_679] {strides = array<i32>} : memref<25600xf32, #tpu.memory_space<vmem>>, vector<16xf32>,
          %get3A_681 = vector.shape_cast %get3A_680 : vector<16xf32> to vector<16xf32>
          %add3A_682 = arith.constant 20480 : i32
          %add3A_683 = arith.addi %add3A_682, %add3A_663 : i32
          %get3A_684 = arith.index_cast %add3A_683 : i32 to index
          %get3A_685 = tpu.vector_load %arg7[%get3A_684] {strides = array<i32>} : memref<25600xf32, #tpu.memory_space<vmem>>, vector<16xf32>,
          %get3A_686 = vector.shape_cast %get3A_685 : vector<16xf32> to vector<16xf32>
          %min3A_687 = arith.minimumf %broadcast_in_dim3A_138, %get3A_671 : vector<16xf32>
          %max3A_688 = arith.maximumf %broadcast_in_dim3A_137, %get3A_666 : vector<16xf32>
          %sub3A_689 = arith.subf %min3A_687, %max3A_688 : vector<16xf32>
          %max3A_690 = arith.constant 0.000000e+00 : f32
          %max3A_691 = vector.broadcast %max3A_690 : f32 to vector<16xf32>
          %max3A_692 = arith.maximumf %sub3A_689, %max3A_691 : vector<16xf32>
          %min3A_693 = arith.minimumf %broadcast_in_dim3A_140, %get3A_681 : vector<16xf32>
          %max3A_694 = arith.maximumf %broadcast_in_dim3A_139, %get3A_676 : vector<16xf32>
          %sub3A_695 = arith.subf %min3A_693, %max3A_694 : vector<16xf32>
          %max3A_696 = arith.constant 0.000000e+00 : f32
          %max3A_697 = vector.broadcast %max3A_696 : f32 to vector<16xf32>
          %max3A_698 = arith.maximumf %sub3A_695, %max3A_697 : vector<16xf32>
          %mul3A_699 = arith.mulf %max3A_692, %max3A_698 : vector<16xf32>
          %add3A_700 = arith.addf %broadcast_in_dim3A_141, %get3A_686 : vector<16xf32>
          %sub3A_701 = arith.subf %add3A_700, %mul3A_699 : vector<16xf32>
          %add3A_702 = arith.constant 1.000000e-07 : f32
          %add3A_703 = vector.broadcast %add3A_702 : f32 to vector<16xf32>
          %add3A_704 = arith.addf %sub3A_701, %add3A_703 : vector<16xf32>
          %div3A_705 = arith.divf %mul3A_699, %add3A_704 : vector<16xf32>
          %gt3A_706 = arith.constant 5.000000e-01 : f32
          %gt3A_707 = vector.broadcast %gt3A_706 : f32 to vector<16xf32>
          %gt3A_708 = arith.cmpf ogt, %div3A_705, %gt3A_707 : vector<16xf32>
          %sub3A_709 = arith.subf %add3A_657, %div3A_705 : vector<16xf32>
          %select_n3A_710 = arith.select %gt3A_708, %sub3A_709, %broadcast_in_dim3A_9 : vector<16xi1>, vector<16xf32>
          %min3A_711 = arith.minimumf %min3A_654, %select_n3A_710 : vector<16xf32>
          %add3A_712 = arith.constant 3.200000e+01 : f32
          %add3A_713 = vector.broadcast %add3A_712 : f32 to vector<16xf32>
          %add3A_714 = arith.addf %add3A_657, %add3A_713 : vector<16xf32>
          %add3A_715 = arith.constant 6 : i32
          %add3A_716 = arith.addi %mul3A_368, %add3A_715 : i32
          %mul3A_717 = arith.constant 16 : i32
          %mul3A_718 = arith.muli %add3A_716, %mul3A_717 : i32
          %add3A_719 = arith.constant 1024 : i32
          %add3A_720 = arith.addi %add3A_719, %mul3A_718 : i32
          %get3A_721 = arith.index_cast %add3A_720 : i32 to index
          %get3A_722 = tpu.vector_load %arg7[%get3A_721] {strides = array<i32>} : memref<25600xf32, #tpu.memory_space<vmem>>, vector<16xf32>,
          %get3A_723 = vector.shape_cast %get3A_722 : vector<16xf32> to vector<16xf32>
          %add3A_724 = arith.constant 5120 : i32
          %add3A_725 = arith.addi %add3A_724, %add3A_720 : i32
          %get3A_726 = arith.index_cast %add3A_725 : i32 to index
          %get3A_727 = tpu.vector_load %arg7[%get3A_726] {strides = array<i32>} : memref<25600xf32, #tpu.memory_space<vmem>>, vector<16xf32>,
          %get3A_728 = vector.shape_cast %get3A_727 : vector<16xf32> to vector<16xf32>
          %add3A_729 = arith.constant 10240 : i32
          %add3A_730 = arith.addi %add3A_729, %add3A_720 : i32
          %get3A_731 = arith.index_cast %add3A_730 : i32 to index
          %get3A_732 = tpu.vector_load %arg7[%get3A_731] {strides = array<i32>} : memref<25600xf32, #tpu.memory_space<vmem>>, vector<16xf32>,
          %get3A_733 = vector.shape_cast %get3A_732 : vector<16xf32> to vector<16xf32>
          %add3A_734 = arith.constant 15360 : i32
          %add3A_735 = arith.addi %add3A_734, %add3A_720 : i32
          %get3A_736 = arith.index_cast %add3A_735 : i32 to index
          %get3A_737 = tpu.vector_load %arg7[%get3A_736] {strides = array<i32>} : memref<25600xf32, #tpu.memory_space<vmem>>, vector<16xf32>,
          %get3A_738 = vector.shape_cast %get3A_737 : vector<16xf32> to vector<16xf32>
          %add3A_739 = arith.constant 20480 : i32
          %add3A_740 = arith.addi %add3A_739, %add3A_720 : i32
          %get3A_741 = arith.index_cast %add3A_740 : i32 to index
          %get3A_742 = tpu.vector_load %arg7[%get3A_741] {strides = array<i32>} : memref<25600xf32, #tpu.memory_space<vmem>>, vector<16xf32>,
          %get3A_743 = vector.shape_cast %get3A_742 : vector<16xf32> to vector<16xf32>
          %min3A_744 = arith.minimumf %broadcast_in_dim3A_138, %get3A_728 : vector<16xf32>
          %max3A_745 = arith.maximumf %broadcast_in_dim3A_137, %get3A_723 : vector<16xf32>
          %sub3A_746 = arith.subf %min3A_744, %max3A_745 : vector<16xf32>
          %max3A_747 = arith.constant 0.000000e+00 : f32
          %max3A_748 = vector.broadcast %max3A_747 : f32 to vector<16xf32>
          %max3A_749 = arith.maximumf %sub3A_746, %max3A_748 : vector<16xf32>
          %min3A_750 = arith.minimumf %broadcast_in_dim3A_140, %get3A_738 : vector<16xf32>
          %max3A_751 = arith.maximumf %broadcast_in_dim3A_139, %get3A_733 : vector<16xf32>
          %sub3A_752 = arith.subf %min3A_750, %max3A_751 : vector<16xf32>
          %max3A_753 = arith.constant 0.000000e+00 : f32
          %max3A_754 = vector.broadcast %max3A_753 : f32 to vector<16xf32>
          %max3A_755 = arith.maximumf %sub3A_752, %max3A_754 : vector<16xf32>
          %mul3A_756 = arith.mulf %max3A_749, %max3A_755 : vector<16xf32>
          %add3A_757 = arith.addf %broadcast_in_dim3A_141, %get3A_743 : vector<16xf32>
          %sub3A_758 = arith.subf %add3A_757, %mul3A_756 : vector<16xf32>
          %add3A_759 = arith.constant 1.000000e-07 : f32
          %add3A_760 = vector.broadcast %add3A_759 : f32 to vector<16xf32>
          %add3A_761 = arith.addf %sub3A_758, %add3A_760 : vector<16xf32>
          %div3A_762 = arith.divf %mul3A_756, %add3A_761 : vector<16xf32>
          %gt3A_763 = arith.constant 5.000000e-01 : f32
          %gt3A_764 = vector.broadcast %gt3A_763 : f32 to vector<16xf32>
          %gt3A_765 = arith.cmpf ogt, %div3A_762, %gt3A_764 : vector<16xf32>
          %sub3A_766 = arith.subf %add3A_714, %div3A_762 : vector<16xf32>
          %select_n3A_767 = arith.select %gt3A_765, %sub3A_766, %broadcast_in_dim3A_9 : vector<16xi1>, vector<16xf32>
          %min3A_768 = arith.minimumf %min3A_711, %select_n3A_767 : vector<16xf32>
          %add3A_769 = arith.constant 3.200000e+01 : f32
          %add3A_770 = vector.broadcast %add3A_769 : f32 to vector<16xf32>
          %add3A_771 = arith.addf %add3A_714, %add3A_770 : vector<16xf32>
          %add3A_772 = arith.constant 7 : i32
          %add3A_773 = arith.addi %mul3A_368, %add3A_772 : i32
          %mul3A_774 = arith.constant 16 : i32
          %mul3A_775 = arith.muli %add3A_773, %mul3A_774 : i32
          %add3A_776 = arith.constant 1024 : i32
          %add3A_777 = arith.addi %add3A_776, %mul3A_775 : i32
          %get3A_778 = arith.index_cast %add3A_777 : i32 to index
          %get3A_779 = tpu.vector_load %arg7[%get3A_778] {strides = array<i32>} : memref<25600xf32, #tpu.memory_space<vmem>>, vector<16xf32>,
          %get3A_780 = vector.shape_cast %get3A_779 : vector<16xf32> to vector<16xf32>
          %add3A_781 = arith.constant 5120 : i32
          %add3A_782 = arith.addi %add3A_781, %add3A_777 : i32
          %get3A_783 = arith.index_cast %add3A_782 : i32 to index
          %get3A_784 = tpu.vector_load %arg7[%get3A_783] {strides = array<i32>} : memref<25600xf32, #tpu.memory_space<vmem>>, vector<16xf32>,
          %get3A_785 = vector.shape_cast %get3A_784 : vector<16xf32> to vector<16xf32>
          %add3A_786 = arith.constant 10240 : i32
          %add3A_787 = arith.addi %add3A_786, %add3A_777 : i32
          %get3A_788 = arith.index_cast %add3A_787 : i32 to index
          %get3A_789 = tpu.vector_load %arg7[%get3A_788] {strides = array<i32>} : memref<25600xf32, #tpu.memory_space<vmem>>, vector<16xf32>,
          %get3A_790 = vector.shape_cast %get3A_789 : vector<16xf32> to vector<16xf32>
          %add3A_791 = arith.constant 15360 : i32
          %add3A_792 = arith.addi %add3A_791, %add3A_777 : i32
          %get3A_793 = arith.index_cast %add3A_792 : i32 to index
          %get3A_794 = tpu.vector_load %arg7[%get3A_793] {strides = array<i32>} : memref<25600xf32, #tpu.memory_space<vmem>>, vector<16xf32>,
          %get3A_795 = vector.shape_cast %get3A_794 : vector<16xf32> to vector<16xf32>
          %add3A_796 = arith.constant 20480 : i32
          %add3A_797 = arith.addi %add3A_796, %add3A_777 : i32
          %get3A_798 = arith.index_cast %add3A_797 : i32 to index
          %get3A_799 = tpu.vector_load %arg7[%get3A_798] {strides = array<i32>} : memref<25600xf32, #tpu.memory_space<vmem>>, vector<16xf32>,
          %get3A_800 = vector.shape_cast %get3A_799 : vector<16xf32> to vector<16xf32>
          %min3A_801 = arith.minimumf %broadcast_in_dim3A_138, %get3A_785 : vector<16xf32>
          %max3A_802 = arith.maximumf %broadcast_in_dim3A_137, %get3A_780 : vector<16xf32>
          %sub3A_803 = arith.subf %min3A_801, %max3A_802 : vector<16xf32>
          %max3A_804 = arith.constant 0.000000e+00 : f32
          %max3A_805 = vector.broadcast %max3A_804 : f32 to vector<16xf32>
          %max3A_806 = arith.maximumf %sub3A_803, %max3A_805 : vector<16xf32>
          %min3A_807 = arith.minimumf %broadcast_in_dim3A_140, %get3A_795 : vector<16xf32>
          %max3A_808 = arith.maximumf %broadcast_in_dim3A_139, %get3A_790 : vector<16xf32>
          %sub3A_809 = arith.subf %min3A_807, %max3A_808 : vector<16xf32>
          %max3A_810 = arith.constant 0.000000e+00 : f32
          %max3A_811 = vector.broadcast %max3A_810 : f32 to vector<16xf32>
          %max3A_812 = arith.maximumf %sub3A_809, %max3A_811 : vector<16xf32>
          %mul3A_813 = arith.mulf %max3A_806, %max3A_812 : vector<16xf32>
          %add3A_814 = arith.addf %broadcast_in_dim3A_141, %get3A_800 : vector<16xf32>
          %sub3A_815 = arith.subf %add3A_814, %mul3A_813 : vector<16xf32>
          %add3A_816 = arith.constant 1.000000e-07 : f32
          %add3A_817 = vector.broadcast %add3A_816 : f32 to vector<16xf32>
          %add3A_818 = arith.addf %sub3A_815, %add3A_817 : vector<16xf32>
          %div3A_819 = arith.divf %mul3A_813, %add3A_818 : vector<16xf32>
          %gt3A_820 = arith.constant 5.000000e-01 : f32
          %gt3A_821 = vector.broadcast %gt3A_820 : f32 to vector<16xf32>
          %gt3A_822 = arith.cmpf ogt, %div3A_819, %gt3A_821 : vector<16xf32>
          %sub3A_823 = arith.subf %add3A_771, %div3A_819 : vector<16xf32>
          %select_n3A_824 = arith.select %gt3A_822, %sub3A_823, %broadcast_in_dim3A_9 : vector<16xi1>, vector<16xf32>
          %min3A_825 = arith.minimumf %min3A_768, %select_n3A_824 : vector<16xf32>
          %lt3A_826 = arith.constant 0 : i32
          %lt3A_827 = vector.broadcast %lt3A_826 : i32 to vector<16xi32>
          %lt3A_828 = arith.cmpi slt, %select_n3A_27, %lt3A_827 : vector<16xi32>
          %add3A_829 = arith.constant 16 : i32
          %add3A_830 = vector.broadcast %add3A_829 : i32 to vector<16xi32>
          %add3A_831 = arith.addi %select_n3A_27, %add3A_830 : vector<16xi32>
          %select_n3A_832 = arith.select %lt3A_828, %add3A_831, %select_n3A_27 : vector<16xi1>, vector<16xi32>
          %broadcast_in_dim3A_833 = vector.shape_cast %select_n3A_832 : vector<16xi32> to vector<16x1xi32>
          %gather3A = vector.shape_cast %broadcast_in_dim3A_833 : vector<16x1xi32> to vector<16xi32>
          %gather3A_834 = tpu.dynamic_gather %min3A_825[%gather3A] in [0] : vector<16xf32>, vector<16xi32> -> vector<16xf32>
          %min3A_835 = arith.minimumf %min3A_825, %gather3A_834 : vector<16xf32>
          %lt3A_836 = arith.constant 0 : i32
          %lt3A_837 = vector.broadcast %lt3A_836 : i32 to vector<16xi32>
          %lt3A_838 = arith.cmpi slt, %select_n3A_52, %lt3A_837 : vector<16xi32>
          %add3A_839 = arith.constant 16 : i32
          %add3A_840 = vector.broadcast %add3A_839 : i32 to vector<16xi32>
          %add3A_841 = arith.addi %select_n3A_52, %add3A_840 : vector<16xi32>
          %select_n3A_842 = arith.select %lt3A_838, %add3A_841, %select_n3A_52 : vector<16xi1>, vector<16xi32>
          %broadcast_in_dim3A_843 = vector.shape_cast %select_n3A_842 : vector<16xi32> to vector<16x1xi32>
          %gather3A_844 = vector.shape_cast %broadcast_in_dim3A_843 : vector<16x1xi32> to vector<16xi32>
          %gather3A_845 = tpu.dynamic_gather %min3A_835[%gather3A_844] in [0] : vector<16xf32>, vector<16xi32> -> vector<16xf32>
          %min3A_846 = arith.minimumf %min3A_835, %gather3A_845 : vector<16xf32>
          %lt3A_847 = arith.constant 0 : i32
          %lt3A_848 = vector.broadcast %lt3A_847 : i32 to vector<16xi32>
          %lt3A_849 = arith.cmpi slt, %select_n3A_77, %lt3A_848 : vector<16xi32>
          %add3A_850 = arith.constant 16 : i32
          %add3A_851 = vector.broadcast %add3A_850 : i32 to vector<16xi32>
          %add3A_852 = arith.addi %select_n3A_77, %add3A_851 : vector<16xi32>
          %select_n3A_853 = arith.select %lt3A_849, %add3A_852, %select_n3A_77 : vector<16xi1>, vector<16xi32>
          %broadcast_in_dim3A_854 = vector.shape_cast %select_n3A_853 : vector<16xi32> to vector<16x1xi32>
          %gather3A_855 = vector.shape_cast %broadcast_in_dim3A_854 : vector<16x1xi32> to vector<16xi32>
          %gather3A_856 = tpu.dynamic_gather %min3A_846[%gather3A_855] in [0] : vector<16xf32>, vector<16xi32> -> vector<16xf32>
          %min3A_857 = arith.minimumf %min3A_846, %gather3A_856 : vector<16xf32>
          %lt3A_858 = arith.constant 0 : i32
          %lt3A_859 = vector.broadcast %lt3A_858 : i32 to vector<16xi32>
          %lt3A_860 = arith.cmpi slt, %select_n3A_102, %lt3A_859 : vector<16xi32>
          %add3A_861 = arith.constant 16 : i32
          %add3A_862 = vector.broadcast %add3A_861 : i32 to vector<16xi32>
          %add3A_863 = arith.addi %select_n3A_102, %add3A_862 : vector<16xi32>
          %select_n3A_864 = arith.select %lt3A_860, %add3A_863, %select_n3A_102 : vector<16xi1>, vector<16xi32>
          %broadcast_in_dim3A_865 = vector.shape_cast %select_n3A_864 : vector<16xi32> to vector<16x1xi32>
          %gather3A_866 = vector.shape_cast %broadcast_in_dim3A_865 : vector<16x1xi32> to vector<16xi32>
          %gather3A_867 = tpu.dynamic_gather %min3A_857[%gather3A_866] in [0] : vector<16xf32>, vector<16xi32> -> vector<16xf32>
          %min3A_868 = arith.minimumf %min3A_857, %gather3A_867 : vector<16xf32>
          %slice3A_869 = vector.extract_strided_slice %min3A_868 {offsets = [0], sizes = [1], strides = [1]} : vector<16xf32> to vector<1xf32>
          %squeeze3A_870 = vector.extract %slice3A_869[0] : f32 from vector<1xf32>
          %swap3A_871 = arith.constant 0 : i32
          %swap3A_872 = arith.index_cast %swap3A_871 : i32 to index
          %swap3A_873 = memref.load %arg9[%swap3A_872] : memref<1xf32, #tpu.memory_space<smem>>
          memref.store %squeeze3A_870, %arg9[%swap3A_872] : memref<1xf32, #tpu.memory_space<smem>>
        } else {
        }
      }
      %scan3A_190 = arith.constant 8 : i32
      %get3A_191 = arith.constant 0 : i32
      %get3A_192 = arith.index_cast %get3A_191 : i32 to index
      %get3A_193 = memref.load %arg9[%get3A_192] : memref<1xf32, #tpu.memory_space<smem>>
      %lt3A_194 = arith.constant 1.000000e+08 : f32
      %lt3A_195 = arith.cmpf olt, %get3A_193, %lt3A_194 : f32
      %gt3A_196 = arith.constant 0.000000e+00 : f32
      %gt3A_197 = arith.cmpf ogt, %get3A_193, %gt3A_196 : f32
      %and3A_198 = arith.andi %lt3A_195, %gt3A_197 : i1
      %sub3A_199 = arith.constant 1.000000e+00 : f32
      %sub3A_200 = arith.subf %get3A_193, %sub3A_199 : f32
      %mul3A_201 = arith.constant 5.000000e-01 : f32
      %mul3A_202 = arith.mulf %sub3A_200, %mul3A_201 : f32
      %convert_element_type3A_203 = arith.fptosi %mul3A_202 : f32 to i32
      %mul3A_204 = arith.constant 2 : i32
      %mul3A_205 = arith.muli %convert_element_type3A_203, %mul3A_204 : i32
      %add3A_206 = arith.constant 2 : i32
      %add3A_207 = arith.addi %mul3A_205, %add3A_206 : i32
      %convert_element_type3A_208 = arith.sitofp %add3A_207 : i32 to f32
      %sub3A_209 = arith.subf %convert_element_type3A_208, %get3A_193 : f32
      %jit3A_210 = arith.constant 0.000000e+00 : f32
      %select_n3A_211 = arith.select %and3A_198, %sub3A_209, %jit3A_210 : f32
      %add3A_212 = arith.addf %add3A_176, %select_n3A_211 : f32
      %jit3A_213 = arith.constant 1.000000e+00 : f32
      %jit3A_214 = arith.constant 0.000000e+00 : f32
      %select_n3A_215 = arith.select %and3A_198, %jit3A_213, %jit3A_214 : f32
      %add3A_216 = arith.addf %add3A_181, %select_n3A_215 : f32
      %swap3A_217 = arith.constant 0 : i32
      %swap3A_218 = arith.index_cast %swap3A_217 : i32 to index
      %swap3A_219 = memref.load %arg9[%swap3A_218] : memref<1xf32, #tpu.memory_space<smem>>
      memref.store %select_n3A_145, %arg9[%swap3A_218] : memref<1xf32, #tpu.memory_space<smem>>
      %scan3A_220 = arith.constant 0 : i32
      %scan3A_221 = arith.constant 0 : i32
      %scan3A_222 = arith.constant 8 : i32
      %scan3A_223 = arith.addi %scan3A_221, %scan3A_222 : i32
      %scan3A_224 = arith.constant 1 : i32
      scf.for %scan3A_358 = %scan3A_221 to %scan3A_223 step %scan3A_224  : i32 {
        %get3A_359 = arith.constant 0 : i32
        %get3A_360 = arith.index_cast %get3A_359 : i32 to index
        %get3A_361 = memref.load %arg9[%get3A_360] : memref<1xf32, #tpu.memory_space<smem>>
        %gt3A_362 = arith.constant 1.000000e+08 : f32
        %gt3A_363 = arith.cmpf ogt, %get3A_361, %gt3A_362 : f32
        %convert_element_type3A_364 = arith.extui %gt3A_363 : i1 to i32
        %cond3A_365 = arith.constant 0 : i32
        %cond3A_366 = arith.cmpi ne, %convert_element_type3A_364, %cond3A_365 : i32
        scf.if %cond3A_366 {
          %mul3A_367 = arith.constant 8 : i32
          %mul3A_368 = arith.muli %scan3A_358, %mul3A_367 : i32
          %mul3A_369 = arith.constant 32 : i32
          %mul3A_370 = arith.muli %mul3A_368, %mul3A_369 : i32
          %add3A_371 = arith.constant 2 : i32
          %add3A_372 = arith.addi %mul3A_370, %add3A_371 : i32
          %convert_element_type3A_373 = arith.sitofp %add3A_372 : i32 to f32
          %broadcast_in_dim3A_374 = vector.broadcast %convert_element_type3A_373 : f32 to vector<16xf32>
          %add3A_375 = arith.addf %broadcast_in_dim3A_374, %mul3A_8 : vector<16xf32>
          %add3A_376 = arith.constant 0 : i32
          %add3A_377 = arith.addi %mul3A_368, %add3A_376 : i32
          %mul3A_378 = arith.constant 16 : i32
          %mul3A_379 = arith.muli %add3A_377, %mul3A_378 : i32
          %add3A_380 = arith.constant 2048 : i32
          %add3A_381 = arith.addi %add3A_380, %mul3A_379 : i32
          %get3A_382 = arith.index_cast %add3A_381 : i32 to index
          %get3A_383 = tpu.vector_load %arg7[%get3A_382] {strides = array<i32>} : memref<25600xf32, #tpu.memory_space<vmem>>, vector<16xf32>,
          %get3A_384 = vector.shape_cast %get3A_383 : vector<16xf32> to vector<16xf32>
          %add3A_385 = arith.constant 5120 : i32
          %add3A_386 = arith.addi %add3A_385, %add3A_381 : i32
          %get3A_387 = arith.index_cast %add3A_386 : i32 to index
          %get3A_388 = tpu.vector_load %arg7[%get3A_387] {strides = array<i32>} : memref<25600xf32, #tpu.memory_space<vmem>>, vector<16xf32>,
          %get3A_389 = vector.shape_cast %get3A_388 : vector<16xf32> to vector<16xf32>
          %add3A_390 = arith.constant 10240 : i32
          %add3A_391 = arith.addi %add3A_390, %add3A_381 : i32
          %get3A_392 = arith.index_cast %add3A_391 : i32 to index
          %get3A_393 = tpu.vector_load %arg7[%get3A_392] {strides = array<i32>} : memref<25600xf32, #tpu.memory_space<vmem>>, vector<16xf32>,
          %get3A_394 = vector.shape_cast %get3A_393 : vector<16xf32> to vector<16xf32>
          %add3A_395 = arith.constant 15360 : i32
          %add3A_396 = arith.addi %add3A_395, %add3A_381 : i32
          %get3A_397 = arith.index_cast %add3A_396 : i32 to index
          %get3A_398 = tpu.vector_load %arg7[%get3A_397] {strides = array<i32>} : memref<25600xf32, #tpu.memory_space<vmem>>, vector<16xf32>,
          %get3A_399 = vector.shape_cast %get3A_398 : vector<16xf32> to vector<16xf32>
          %add3A_400 = arith.constant 20480 : i32
          %add3A_401 = arith.addi %add3A_400, %add3A_381 : i32
          %get3A_402 = arith.index_cast %add3A_401 : i32 to index
          %get3A_403 = tpu.vector_load %arg7[%get3A_402] {strides = array<i32>} : memref<25600xf32, #tpu.memory_space<vmem>>, vector<16xf32>,
          %get3A_404 = vector.shape_cast %get3A_403 : vector<16xf32> to vector<16xf32>
          %min3A = arith.minimumf %broadcast_in_dim3A_138, %get3A_389 : vector<16xf32>
          %max3A = arith.maximumf %broadcast_in_dim3A_137, %get3A_384 : vector<16xf32>
          %sub3A_405 = arith.subf %min3A, %max3A : vector<16xf32>
          %max3A_406 = arith.constant 0.000000e+00 : f32
          %max3A_407 = vector.broadcast %max3A_406 : f32 to vector<16xf32>
          %max3A_408 = arith.maximumf %sub3A_405, %max3A_407 : vector<16xf32>
          %min3A_409 = arith.minimumf %broadcast_in_dim3A_140, %get3A_399 : vector<16xf32>
          %max3A_410 = arith.maximumf %broadcast_in_dim3A_139, %get3A_394 : vector<16xf32>
          %sub3A_411 = arith.subf %min3A_409, %max3A_410 : vector<16xf32>
          %max3A_412 = arith.constant 0.000000e+00 : f32
          %max3A_413 = vector.broadcast %max3A_412 : f32 to vector<16xf32>
          %max3A_414 = arith.maximumf %sub3A_411, %max3A_413 : vector<16xf32>
          %mul3A_415 = arith.mulf %max3A_408, %max3A_414 : vector<16xf32>
          %add3A_416 = arith.addf %broadcast_in_dim3A_141, %get3A_404 : vector<16xf32>
          %sub3A_417 = arith.subf %add3A_416, %mul3A_415 : vector<16xf32>
          %add3A_418 = arith.constant 1.000000e-07 : f32
          %add3A_419 = vector.broadcast %add3A_418 : f32 to vector<16xf32>
          %add3A_420 = arith.addf %sub3A_417, %add3A_419 : vector<16xf32>
          %div3A = arith.divf %mul3A_415, %add3A_420 : vector<16xf32>
          %gt3A_421 = arith.constant 5.000000e-01 : f32
          %gt3A_422 = vector.broadcast %gt3A_421 : f32 to vector<16xf32>
          %gt3A_423 = arith.cmpf ogt, %div3A, %gt3A_422 : vector<16xf32>
          %sub3A_424 = arith.subf %add3A_375, %div3A : vector<16xf32>
          %select_n3A_425 = arith.select %gt3A_423, %sub3A_424, %broadcast_in_dim3A_9 : vector<16xi1>, vector<16xf32>
          %min3A_426 = arith.minimumf %broadcast_in_dim3A_9, %select_n3A_425 : vector<16xf32>
          %add3A_427 = arith.constant 3.200000e+01 : f32
          %add3A_428 = vector.broadcast %add3A_427 : f32 to vector<16xf32>
          %add3A_429 = arith.addf %add3A_375, %add3A_428 : vector<16xf32>
          %add3A_430 = arith.constant 1 : i32
          %add3A_431 = arith.addi %mul3A_368, %add3A_430 : i32
          %mul3A_432 = arith.constant 16 : i32
          %mul3A_433 = arith.muli %add3A_431, %mul3A_432 : i32
          %add3A_434 = arith.constant 2048 : i32
          %add3A_435 = arith.addi %add3A_434, %mul3A_433 : i32
          %get3A_436 = arith.index_cast %add3A_435 : i32 to index
          %get3A_437 = tpu.vector_load %arg7[%get3A_436] {strides = array<i32>} : memref<25600xf32, #tpu.memory_space<vmem>>, vector<16xf32>,
          %get3A_438 = vector.shape_cast %get3A_437 : vector<16xf32> to vector<16xf32>
          %add3A_439 = arith.constant 5120 : i32
          %add3A_440 = arith.addi %add3A_439, %add3A_435 : i32
          %get3A_441 = arith.index_cast %add3A_440 : i32 to index
          %get3A_442 = tpu.vector_load %arg7[%get3A_441] {strides = array<i32>} : memref<25600xf32, #tpu.memory_space<vmem>>, vector<16xf32>,
          %get3A_443 = vector.shape_cast %get3A_442 : vector<16xf32> to vector<16xf32>
          %add3A_444 = arith.constant 10240 : i32
          %add3A_445 = arith.addi %add3A_444, %add3A_435 : i32
          %get3A_446 = arith.index_cast %add3A_445 : i32 to index
          %get3A_447 = tpu.vector_load %arg7[%get3A_446] {strides = array<i32>} : memref<25600xf32, #tpu.memory_space<vmem>>, vector<16xf32>,
          %get3A_448 = vector.shape_cast %get3A_447 : vector<16xf32> to vector<16xf32>
          %add3A_449 = arith.constant 15360 : i32
          %add3A_450 = arith.addi %add3A_449, %add3A_435 : i32
          %get3A_451 = arith.index_cast %add3A_450 : i32 to index
          %get3A_452 = tpu.vector_load %arg7[%get3A_451] {strides = array<i32>} : memref<25600xf32, #tpu.memory_space<vmem>>, vector<16xf32>,
          %get3A_453 = vector.shape_cast %get3A_452 : vector<16xf32> to vector<16xf32>
          %add3A_454 = arith.constant 20480 : i32
          %add3A_455 = arith.addi %add3A_454, %add3A_435 : i32
          %get3A_456 = arith.index_cast %add3A_455 : i32 to index
          %get3A_457 = tpu.vector_load %arg7[%get3A_456] {strides = array<i32>} : memref<25600xf32, #tpu.memory_space<vmem>>, vector<16xf32>,
          %get3A_458 = vector.shape_cast %get3A_457 : vector<16xf32> to vector<16xf32>
          %min3A_459 = arith.minimumf %broadcast_in_dim3A_138, %get3A_443 : vector<16xf32>
          %max3A_460 = arith.maximumf %broadcast_in_dim3A_137, %get3A_438 : vector<16xf32>
          %sub3A_461 = arith.subf %min3A_459, %max3A_460 : vector<16xf32>
          %max3A_462 = arith.constant 0.000000e+00 : f32
          %max3A_463 = vector.broadcast %max3A_462 : f32 to vector<16xf32>
          %max3A_464 = arith.maximumf %sub3A_461, %max3A_463 : vector<16xf32>
          %min3A_465 = arith.minimumf %broadcast_in_dim3A_140, %get3A_453 : vector<16xf32>
          %max3A_466 = arith.maximumf %broadcast_in_dim3A_139, %get3A_448 : vector<16xf32>
          %sub3A_467 = arith.subf %min3A_465, %max3A_466 : vector<16xf32>
          %max3A_468 = arith.constant 0.000000e+00 : f32
          %max3A_469 = vector.broadcast %max3A_468 : f32 to vector<16xf32>
          %max3A_470 = arith.maximumf %sub3A_467, %max3A_469 : vector<16xf32>
          %mul3A_471 = arith.mulf %max3A_464, %max3A_470 : vector<16xf32>
          %add3A_472 = arith.addf %broadcast_in_dim3A_141, %get3A_458 : vector<16xf32>
          %sub3A_473 = arith.subf %add3A_472, %mul3A_471 : vector<16xf32>
          %add3A_474 = arith.constant 1.000000e-07 : f32
          %add3A_475 = vector.broadcast %add3A_474 : f32 to vector<16xf32>
          %add3A_476 = arith.addf %sub3A_473, %add3A_475 : vector<16xf32>
          %div3A_477 = arith.divf %mul3A_471, %add3A_476 : vector<16xf32>
          %gt3A_478 = arith.constant 5.000000e-01 : f32
          %gt3A_479 = vector.broadcast %gt3A_478 : f32 to vector<16xf32>
          %gt3A_480 = arith.cmpf ogt, %div3A_477, %gt3A_479 : vector<16xf32>
          %sub3A_481 = arith.subf %add3A_429, %div3A_477 : vector<16xf32>
          %select_n3A_482 = arith.select %gt3A_480, %sub3A_481, %broadcast_in_dim3A_9 : vector<16xi1>, vector<16xf32>
          %min3A_483 = arith.minimumf %min3A_426, %select_n3A_482 : vector<16xf32>
          %add3A_484 = arith.constant 3.200000e+01 : f32
          %add3A_485 = vector.broadcast %add3A_484 : f32 to vector<16xf32>
          %add3A_486 = arith.addf %add3A_429, %add3A_485 : vector<16xf32>
          %add3A_487 = arith.constant 2 : i32
          %add3A_488 = arith.addi %mul3A_368, %add3A_487 : i32
          %mul3A_489 = arith.constant 16 : i32
          %mul3A_490 = arith.muli %add3A_488, %mul3A_489 : i32
          %add3A_491 = arith.constant 2048 : i32
          %add3A_492 = arith.addi %add3A_491, %mul3A_490 : i32
          %get3A_493 = arith.index_cast %add3A_492 : i32 to index
          %get3A_494 = tpu.vector_load %arg7[%get3A_493] {strides = array<i32>} : memref<25600xf32, #tpu.memory_space<vmem>>, vector<16xf32>,
          %get3A_495 = vector.shape_cast %get3A_494 : vector<16xf32> to vector<16xf32>
          %add3A_496 = arith.constant 5120 : i32
          %add3A_497 = arith.addi %add3A_496, %add3A_492 : i32
          %get3A_498 = arith.index_cast %add3A_497 : i32 to index
          %get3A_499 = tpu.vector_load %arg7[%get3A_498] {strides = array<i32>} : memref<25600xf32, #tpu.memory_space<vmem>>, vector<16xf32>,
          %get3A_500 = vector.shape_cast %get3A_499 : vector<16xf32> to vector<16xf32>
          %add3A_501 = arith.constant 10240 : i32
          %add3A_502 = arith.addi %add3A_501, %add3A_492 : i32
          %get3A_503 = arith.index_cast %add3A_502 : i32 to index
          %get3A_504 = tpu.vector_load %arg7[%get3A_503] {strides = array<i32>} : memref<25600xf32, #tpu.memory_space<vmem>>, vector<16xf32>,
          %get3A_505 = vector.shape_cast %get3A_504 : vector<16xf32> to vector<16xf32>
          %add3A_506 = arith.constant 15360 : i32
          %add3A_507 = arith.addi %add3A_506, %add3A_492 : i32
          %get3A_508 = arith.index_cast %add3A_507 : i32 to index
          %get3A_509 = tpu.vector_load %arg7[%get3A_508] {strides = array<i32>} : memref<25600xf32, #tpu.memory_space<vmem>>, vector<16xf32>,
          %get3A_510 = vector.shape_cast %get3A_509 : vector<16xf32> to vector<16xf32>
          %add3A_511 = arith.constant 20480 : i32
          %add3A_512 = arith.addi %add3A_511, %add3A_492 : i32
          %get3A_513 = arith.index_cast %add3A_512 : i32 to index
          %get3A_514 = tpu.vector_load %arg7[%get3A_513] {strides = array<i32>} : memref<25600xf32, #tpu.memory_space<vmem>>, vector<16xf32>,
          %get3A_515 = vector.shape_cast %get3A_514 : vector<16xf32> to vector<16xf32>
          %min3A_516 = arith.minimumf %broadcast_in_dim3A_138, %get3A_500 : vector<16xf32>
          %max3A_517 = arith.maximumf %broadcast_in_dim3A_137, %get3A_495 : vector<16xf32>
          %sub3A_518 = arith.subf %min3A_516, %max3A_517 : vector<16xf32>
          %max3A_519 = arith.constant 0.000000e+00 : f32
          %max3A_520 = vector.broadcast %max3A_519 : f32 to vector<16xf32>
          %max3A_521 = arith.maximumf %sub3A_518, %max3A_520 : vector<16xf32>
          %min3A_522 = arith.minimumf %broadcast_in_dim3A_140, %get3A_510 : vector<16xf32>
          %max3A_523 = arith.maximumf %broadcast_in_dim3A_139, %get3A_505 : vector<16xf32>
          %sub3A_524 = arith.subf %min3A_522, %max3A_523 : vector<16xf32>
          %max3A_525 = arith.constant 0.000000e+00 : f32
          %max3A_526 = vector.broadcast %max3A_525 : f32 to vector<16xf32>
          %max3A_527 = arith.maximumf %sub3A_524, %max3A_526 : vector<16xf32>
          %mul3A_528 = arith.mulf %max3A_521, %max3A_527 : vector<16xf32>
          %add3A_529 = arith.addf %broadcast_in_dim3A_141, %get3A_515 : vector<16xf32>
          %sub3A_530 = arith.subf %add3A_529, %mul3A_528 : vector<16xf32>
          %add3A_531 = arith.constant 1.000000e-07 : f32
          %add3A_532 = vector.broadcast %add3A_531 : f32 to vector<16xf32>
          %add3A_533 = arith.addf %sub3A_530, %add3A_532 : vector<16xf32>
          %div3A_534 = arith.divf %mul3A_528, %add3A_533 : vector<16xf32>
          %gt3A_535 = arith.constant 5.000000e-01 : f32
          %gt3A_536 = vector.broadcast %gt3A_535 : f32 to vector<16xf32>
          %gt3A_537 = arith.cmpf ogt, %div3A_534, %gt3A_536 : vector<16xf32>
          %sub3A_538 = arith.subf %add3A_486, %div3A_534 : vector<16xf32>
          %select_n3A_539 = arith.select %gt3A_537, %sub3A_538, %broadcast_in_dim3A_9 : vector<16xi1>, vector<16xf32>
          %min3A_540 = arith.minimumf %min3A_483, %select_n3A_539 : vector<16xf32>
          %add3A_541 = arith.constant 3.200000e+01 : f32
          %add3A_542 = vector.broadcast %add3A_541 : f32 to vector<16xf32>
          %add3A_543 = arith.addf %add3A_486, %add3A_542 : vector<16xf32>
          %add3A_544 = arith.constant 3 : i32
          %add3A_545 = arith.addi %mul3A_368, %add3A_544 : i32
          %mul3A_546 = arith.constant 16 : i32
          %mul3A_547 = arith.muli %add3A_545, %mul3A_546 : i32
          %add3A_548 = arith.constant 2048 : i32
          %add3A_549 = arith.addi %add3A_548, %mul3A_547 : i32
          %get3A_550 = arith.index_cast %add3A_549 : i32 to index
          %get3A_551 = tpu.vector_load %arg7[%get3A_550] {strides = array<i32>} : memref<25600xf32, #tpu.memory_space<vmem>>, vector<16xf32>,
          %get3A_552 = vector.shape_cast %get3A_551 : vector<16xf32> to vector<16xf32>
          %add3A_553 = arith.constant 5120 : i32
          %add3A_554 = arith.addi %add3A_553, %add3A_549 : i32
          %get3A_555 = arith.index_cast %add3A_554 : i32 to index
          %get3A_556 = tpu.vector_load %arg7[%get3A_555] {strides = array<i32>} : memref<25600xf32, #tpu.memory_space<vmem>>, vector<16xf32>,
          %get3A_557 = vector.shape_cast %get3A_556 : vector<16xf32> to vector<16xf32>
          %add3A_558 = arith.constant 10240 : i32
          %add3A_559 = arith.addi %add3A_558, %add3A_549 : i32
          %get3A_560 = arith.index_cast %add3A_559 : i32 to index
          %get3A_561 = tpu.vector_load %arg7[%get3A_560] {strides = array<i32>} : memref<25600xf32, #tpu.memory_space<vmem>>, vector<16xf32>,
          %get3A_562 = vector.shape_cast %get3A_561 : vector<16xf32> to vector<16xf32>
          %add3A_563 = arith.constant 15360 : i32
          %add3A_564 = arith.addi %add3A_563, %add3A_549 : i32
          %get3A_565 = arith.index_cast %add3A_564 : i32 to index
          %get3A_566 = tpu.vector_load %arg7[%get3A_565] {strides = array<i32>} : memref<25600xf32, #tpu.memory_space<vmem>>, vector<16xf32>,
          %get3A_567 = vector.shape_cast %get3A_566 : vector<16xf32> to vector<16xf32>
          %add3A_568 = arith.constant 20480 : i32
          %add3A_569 = arith.addi %add3A_568, %add3A_549 : i32
          %get3A_570 = arith.index_cast %add3A_569 : i32 to index
          %get3A_571 = tpu.vector_load %arg7[%get3A_570] {strides = array<i32>} : memref<25600xf32, #tpu.memory_space<vmem>>, vector<16xf32>,
          %get3A_572 = vector.shape_cast %get3A_571 : vector<16xf32> to vector<16xf32>
          %min3A_573 = arith.minimumf %broadcast_in_dim3A_138, %get3A_557 : vector<16xf32>
          %max3A_574 = arith.maximumf %broadcast_in_dim3A_137, %get3A_552 : vector<16xf32>
          %sub3A_575 = arith.subf %min3A_573, %max3A_574 : vector<16xf32>
          %max3A_576 = arith.constant 0.000000e+00 : f32
          %max3A_577 = vector.broadcast %max3A_576 : f32 to vector<16xf32>
          %max3A_578 = arith.maximumf %sub3A_575, %max3A_577 : vector<16xf32>
          %min3A_579 = arith.minimumf %broadcast_in_dim3A_140, %get3A_567 : vector<16xf32>
          %max3A_580 = arith.maximumf %broadcast_in_dim3A_139, %get3A_562 : vector<16xf32>
          %sub3A_581 = arith.subf %min3A_579, %max3A_580 : vector<16xf32>
          %max3A_582 = arith.constant 0.000000e+00 : f32
          %max3A_583 = vector.broadcast %max3A_582 : f32 to vector<16xf32>
          %max3A_584 = arith.maximumf %sub3A_581, %max3A_583 : vector<16xf32>
          %mul3A_585 = arith.mulf %max3A_578, %max3A_584 : vector<16xf32>
          %add3A_586 = arith.addf %broadcast_in_dim3A_141, %get3A_572 : vector<16xf32>
          %sub3A_587 = arith.subf %add3A_586, %mul3A_585 : vector<16xf32>
          %add3A_588 = arith.constant 1.000000e-07 : f32
          %add3A_589 = vector.broadcast %add3A_588 : f32 to vector<16xf32>
          %add3A_590 = arith.addf %sub3A_587, %add3A_589 : vector<16xf32>
          %div3A_591 = arith.divf %mul3A_585, %add3A_590 : vector<16xf32>
          %gt3A_592 = arith.constant 5.000000e-01 : f32
          %gt3A_593 = vector.broadcast %gt3A_592 : f32 to vector<16xf32>
          %gt3A_594 = arith.cmpf ogt, %div3A_591, %gt3A_593 : vector<16xf32>
          %sub3A_595 = arith.subf %add3A_543, %div3A_591 : vector<16xf32>
          %select_n3A_596 = arith.select %gt3A_594, %sub3A_595, %broadcast_in_dim3A_9 : vector<16xi1>, vector<16xf32>
          %min3A_597 = arith.minimumf %min3A_540, %select_n3A_596 : vector<16xf32>
          %add3A_598 = arith.constant 3.200000e+01 : f32
          %add3A_599 = vector.broadcast %add3A_598 : f32 to vector<16xf32>
          %add3A_600 = arith.addf %add3A_543, %add3A_599 : vector<16xf32>
          %add3A_601 = arith.constant 4 : i32
          %add3A_602 = arith.addi %mul3A_368, %add3A_601 : i32
          %mul3A_603 = arith.constant 16 : i32
          %mul3A_604 = arith.muli %add3A_602, %mul3A_603 : i32
          %add3A_605 = arith.constant 2048 : i32
          %add3A_606 = arith.addi %add3A_605, %mul3A_604 : i32
          %get3A_607 = arith.index_cast %add3A_606 : i32 to index
          %get3A_608 = tpu.vector_load %arg7[%get3A_607] {strides = array<i32>} : memref<25600xf32, #tpu.memory_space<vmem>>, vector<16xf32>,
          %get3A_609 = vector.shape_cast %get3A_608 : vector<16xf32> to vector<16xf32>
          %add3A_610 = arith.constant 5120 : i32
          %add3A_611 = arith.addi %add3A_610, %add3A_606 : i32
          %get3A_612 = arith.index_cast %add3A_611 : i32 to index
          %get3A_613 = tpu.vector_load %arg7[%get3A_612] {strides = array<i32>} : memref<25600xf32, #tpu.memory_space<vmem>>, vector<16xf32>,
          %get3A_614 = vector.shape_cast %get3A_613 : vector<16xf32> to vector<16xf32>
          %add3A_615 = arith.constant 10240 : i32
          %add3A_616 = arith.addi %add3A_615, %add3A_606 : i32
          %get3A_617 = arith.index_cast %add3A_616 : i32 to index
          %get3A_618 = tpu.vector_load %arg7[%get3A_617] {strides = array<i32>} : memref<25600xf32, #tpu.memory_space<vmem>>, vector<16xf32>,
          %get3A_619 = vector.shape_cast %get3A_618 : vector<16xf32> to vector<16xf32>
          %add3A_620 = arith.constant 15360 : i32
          %add3A_621 = arith.addi %add3A_620, %add3A_606 : i32
          %get3A_622 = arith.index_cast %add3A_621 : i32 to index
          %get3A_623 = tpu.vector_load %arg7[%get3A_622] {strides = array<i32>} : memref<25600xf32, #tpu.memory_space<vmem>>, vector<16xf32>,
          %get3A_624 = vector.shape_cast %get3A_623 : vector<16xf32> to vector<16xf32>
          %add3A_625 = arith.constant 20480 : i32
          %add3A_626 = arith.addi %add3A_625, %add3A_606 : i32
          %get3A_627 = arith.index_cast %add3A_626 : i32 to index
          %get3A_628 = tpu.vector_load %arg7[%get3A_627] {strides = array<i32>} : memref<25600xf32, #tpu.memory_space<vmem>>, vector<16xf32>,
          %get3A_629 = vector.shape_cast %get3A_628 : vector<16xf32> to vector<16xf32>
          %min3A_630 = arith.minimumf %broadcast_in_dim3A_138, %get3A_614 : vector<16xf32>
          %max3A_631 = arith.maximumf %broadcast_in_dim3A_137, %get3A_609 : vector<16xf32>
          %sub3A_632 = arith.subf %min3A_630, %max3A_631 : vector<16xf32>
          %max3A_633 = arith.constant 0.000000e+00 : f32
          %max3A_634 = vector.broadcast %max3A_633 : f32 to vector<16xf32>
          %max3A_635 = arith.maximumf %sub3A_632, %max3A_634 : vector<16xf32>
          %min3A_636 = arith.minimumf %broadcast_in_dim3A_140, %get3A_624 : vector<16xf32>
          %max3A_637 = arith.maximumf %broadcast_in_dim3A_139, %get3A_619 : vector<16xf32>
          %sub3A_638 = arith.subf %min3A_636, %max3A_637 : vector<16xf32>
          %max3A_639 = arith.constant 0.000000e+00 : f32
          %max3A_640 = vector.broadcast %max3A_639 : f32 to vector<16xf32>
          %max3A_641 = arith.maximumf %sub3A_638, %max3A_640 : vector<16xf32>
          %mul3A_642 = arith.mulf %max3A_635, %max3A_641 : vector<16xf32>
          %add3A_643 = arith.addf %broadcast_in_dim3A_141, %get3A_629 : vector<16xf32>
          %sub3A_644 = arith.subf %add3A_643, %mul3A_642 : vector<16xf32>
          %add3A_645 = arith.constant 1.000000e-07 : f32
          %add3A_646 = vector.broadcast %add3A_645 : f32 to vector<16xf32>
          %add3A_647 = arith.addf %sub3A_644, %add3A_646 : vector<16xf32>
          %div3A_648 = arith.divf %mul3A_642, %add3A_647 : vector<16xf32>
          %gt3A_649 = arith.constant 5.000000e-01 : f32
          %gt3A_650 = vector.broadcast %gt3A_649 : f32 to vector<16xf32>
          %gt3A_651 = arith.cmpf ogt, %div3A_648, %gt3A_650 : vector<16xf32>
          %sub3A_652 = arith.subf %add3A_600, %div3A_648 : vector<16xf32>
          %select_n3A_653 = arith.select %gt3A_651, %sub3A_652, %broadcast_in_dim3A_9 : vector<16xi1>, vector<16xf32>
          %min3A_654 = arith.minimumf %min3A_597, %select_n3A_653 : vector<16xf32>
          %add3A_655 = arith.constant 3.200000e+01 : f32
          %add3A_656 = vector.broadcast %add3A_655 : f32 to vector<16xf32>
          %add3A_657 = arith.addf %add3A_600, %add3A_656 : vector<16xf32>
          %add3A_658 = arith.constant 5 : i32
          %add3A_659 = arith.addi %mul3A_368, %add3A_658 : i32
          %mul3A_660 = arith.constant 16 : i32
          %mul3A_661 = arith.muli %add3A_659, %mul3A_660 : i32
          %add3A_662 = arith.constant 2048 : i32
          %add3A_663 = arith.addi %add3A_662, %mul3A_661 : i32
          %get3A_664 = arith.index_cast %add3A_663 : i32 to index
          %get3A_665 = tpu.vector_load %arg7[%get3A_664] {strides = array<i32>} : memref<25600xf32, #tpu.memory_space<vmem>>, vector<16xf32>,
          %get3A_666 = vector.shape_cast %get3A_665 : vector<16xf32> to vector<16xf32>
          %add3A_667 = arith.constant 5120 : i32
          %add3A_668 = arith.addi %add3A_667, %add3A_663 : i32
          %get3A_669 = arith.index_cast %add3A_668 : i32 to index
          %get3A_670 = tpu.vector_load %arg7[%get3A_669] {strides = array<i32>} : memref<25600xf32, #tpu.memory_space<vmem>>, vector<16xf32>,
          %get3A_671 = vector.shape_cast %get3A_670 : vector<16xf32> to vector<16xf32>
          %add3A_672 = arith.constant 10240 : i32
          %add3A_673 = arith.addi %add3A_672, %add3A_663 : i32
          %get3A_674 = arith.index_cast %add3A_673 : i32 to index
          %get3A_675 = tpu.vector_load %arg7[%get3A_674] {strides = array<i32>} : memref<25600xf32, #tpu.memory_space<vmem>>, vector<16xf32>,
          %get3A_676 = vector.shape_cast %get3A_675 : vector<16xf32> to vector<16xf32>
          %add3A_677 = arith.constant 15360 : i32
          %add3A_678 = arith.addi %add3A_677, %add3A_663 : i32
          %get3A_679 = arith.index_cast %add3A_678 : i32 to index
          %get3A_680 = tpu.vector_load %arg7[%get3A_679] {strides = array<i32>} : memref<25600xf32, #tpu.memory_space<vmem>>, vector<16xf32>,
          %get3A_681 = vector.shape_cast %get3A_680 : vector<16xf32> to vector<16xf32>
          %add3A_682 = arith.constant 20480 : i32
          %add3A_683 = arith.addi %add3A_682, %add3A_663 : i32
          %get3A_684 = arith.index_cast %add3A_683 : i32 to index
          %get3A_685 = tpu.vector_load %arg7[%get3A_684] {strides = array<i32>} : memref<25600xf32, #tpu.memory_space<vmem>>, vector<16xf32>,
          %get3A_686 = vector.shape_cast %get3A_685 : vector<16xf32> to vector<16xf32>
          %min3A_687 = arith.minimumf %broadcast_in_dim3A_138, %get3A_671 : vector<16xf32>
          %max3A_688 = arith.maximumf %broadcast_in_dim3A_137, %get3A_666 : vector<16xf32>
          %sub3A_689 = arith.subf %min3A_687, %max3A_688 : vector<16xf32>
          %max3A_690 = arith.constant 0.000000e+00 : f32
          %max3A_691 = vector.broadcast %max3A_690 : f32 to vector<16xf32>
          %max3A_692 = arith.maximumf %sub3A_689, %max3A_691 : vector<16xf32>
          %min3A_693 = arith.minimumf %broadcast_in_dim3A_140, %get3A_681 : vector<16xf32>
          %max3A_694 = arith.maximumf %broadcast_in_dim3A_139, %get3A_676 : vector<16xf32>
          %sub3A_695 = arith.subf %min3A_693, %max3A_694 : vector<16xf32>
          %max3A_696 = arith.constant 0.000000e+00 : f32
          %max3A_697 = vector.broadcast %max3A_696 : f32 to vector<16xf32>
          %max3A_698 = arith.maximumf %sub3A_695, %max3A_697 : vector<16xf32>
          %mul3A_699 = arith.mulf %max3A_692, %max3A_698 : vector<16xf32>
          %add3A_700 = arith.addf %broadcast_in_dim3A_141, %get3A_686 : vector<16xf32>
          %sub3A_701 = arith.subf %add3A_700, %mul3A_699 : vector<16xf32>
          %add3A_702 = arith.constant 1.000000e-07 : f32
          %add3A_703 = vector.broadcast %add3A_702 : f32 to vector<16xf32>
          %add3A_704 = arith.addf %sub3A_701, %add3A_703 : vector<16xf32>
          %div3A_705 = arith.divf %mul3A_699, %add3A_704 : vector<16xf32>
          %gt3A_706 = arith.constant 5.000000e-01 : f32
          %gt3A_707 = vector.broadcast %gt3A_706 : f32 to vector<16xf32>
          %gt3A_708 = arith.cmpf ogt, %div3A_705, %gt3A_707 : vector<16xf32>
          %sub3A_709 = arith.subf %add3A_657, %div3A_705 : vector<16xf32>
          %select_n3A_710 = arith.select %gt3A_708, %sub3A_709, %broadcast_in_dim3A_9 : vector<16xi1>, vector<16xf32>
          %min3A_711 = arith.minimumf %min3A_654, %select_n3A_710 : vector<16xf32>
          %add3A_712 = arith.constant 3.200000e+01 : f32
          %add3A_713 = vector.broadcast %add3A_712 : f32 to vector<16xf32>
          %add3A_714 = arith.addf %add3A_657, %add3A_713 : vector<16xf32>
          %add3A_715 = arith.constant 6 : i32
          %add3A_716 = arith.addi %mul3A_368, %add3A_715 : i32
          %mul3A_717 = arith.constant 16 : i32
          %mul3A_718 = arith.muli %add3A_716, %mul3A_717 : i32
          %add3A_719 = arith.constant 2048 : i32
          %add3A_720 = arith.addi %add3A_719, %mul3A_718 : i32
          %get3A_721 = arith.index_cast %add3A_720 : i32 to index
          %get3A_722 = tpu.vector_load %arg7[%get3A_721] {strides = array<i32>} : memref<25600xf32, #tpu.memory_space<vmem>>, vector<16xf32>,
          %get3A_723 = vector.shape_cast %get3A_722 : vector<16xf32> to vector<16xf32>
          %add3A_724 = arith.constant 5120 : i32
          %add3A_725 = arith.addi %add3A_724, %add3A_720 : i32
          %get3A_726 = arith.index_cast %add3A_725 : i32 to index
          %get3A_727 = tpu.vector_load %arg7[%get3A_726] {strides = array<i32>} : memref<25600xf32, #tpu.memory_space<vmem>>, vector<16xf32>,
          %get3A_728 = vector.shape_cast %get3A_727 : vector<16xf32> to vector<16xf32>
          %add3A_729 = arith.constant 10240 : i32
          %add3A_730 = arith.addi %add3A_729, %add3A_720 : i32
          %get3A_731 = arith.index_cast %add3A_730 : i32 to index
          %get3A_732 = tpu.vector_load %arg7[%get3A_731] {strides = array<i32>} : memref<25600xf32, #tpu.memory_space<vmem>>, vector<16xf32>,
          %get3A_733 = vector.shape_cast %get3A_732 : vector<16xf32> to vector<16xf32>
          %add3A_734 = arith.constant 15360 : i32
          %add3A_735 = arith.addi %add3A_734, %add3A_720 : i32
          %get3A_736 = arith.index_cast %add3A_735 : i32 to index
          %get3A_737 = tpu.vector_load %arg7[%get3A_736] {strides = array<i32>} : memref<25600xf32, #tpu.memory_space<vmem>>, vector<16xf32>,
          %get3A_738 = vector.shape_cast %get3A_737 : vector<16xf32> to vector<16xf32>
          %add3A_739 = arith.constant 20480 : i32
          %add3A_740 = arith.addi %add3A_739, %add3A_720 : i32
          %get3A_741 = arith.index_cast %add3A_740 : i32 to index
          %get3A_742 = tpu.vector_load %arg7[%get3A_741] {strides = array<i32>} : memref<25600xf32, #tpu.memory_space<vmem>>, vector<16xf32>,
          %get3A_743 = vector.shape_cast %get3A_742 : vector<16xf32> to vector<16xf32>
          %min3A_744 = arith.minimumf %broadcast_in_dim3A_138, %get3A_728 : vector<16xf32>
          %max3A_745 = arith.maximumf %broadcast_in_dim3A_137, %get3A_723 : vector<16xf32>
          %sub3A_746 = arith.subf %min3A_744, %max3A_745 : vector<16xf32>
          %max3A_747 = arith.constant 0.000000e+00 : f32
          %max3A_748 = vector.broadcast %max3A_747 : f32 to vector<16xf32>
          %max3A_749 = arith.maximumf %sub3A_746, %max3A_748 : vector<16xf32>
          %min3A_750 = arith.minimumf %broadcast_in_dim3A_140, %get3A_738 : vector<16xf32>
          %max3A_751 = arith.maximumf %broadcast_in_dim3A_139, %get3A_733 : vector<16xf32>
          %sub3A_752 = arith.subf %min3A_750, %max3A_751 : vector<16xf32>
          %max3A_753 = arith.constant 0.000000e+00 : f32
          %max3A_754 = vector.broadcast %max3A_753 : f32 to vector<16xf32>
          %max3A_755 = arith.maximumf %sub3A_752, %max3A_754 : vector<16xf32>
          %mul3A_756 = arith.mulf %max3A_749, %max3A_755 : vector<16xf32>
          %add3A_757 = arith.addf %broadcast_in_dim3A_141, %get3A_743 : vector<16xf32>
          %sub3A_758 = arith.subf %add3A_757, %mul3A_756 : vector<16xf32>
          %add3A_759 = arith.constant 1.000000e-07 : f32
          %add3A_760 = vector.broadcast %add3A_759 : f32 to vector<16xf32>
          %add3A_761 = arith.addf %sub3A_758, %add3A_760 : vector<16xf32>
          %div3A_762 = arith.divf %mul3A_756, %add3A_761 : vector<16xf32>
          %gt3A_763 = arith.constant 5.000000e-01 : f32
          %gt3A_764 = vector.broadcast %gt3A_763 : f32 to vector<16xf32>
          %gt3A_765 = arith.cmpf ogt, %div3A_762, %gt3A_764 : vector<16xf32>
          %sub3A_766 = arith.subf %add3A_714, %div3A_762 : vector<16xf32>
          %select_n3A_767 = arith.select %gt3A_765, %sub3A_766, %broadcast_in_dim3A_9 : vector<16xi1>, vector<16xf32>
          %min3A_768 = arith.minimumf %min3A_711, %select_n3A_767 : vector<16xf32>
          %add3A_769 = arith.constant 3.200000e+01 : f32
          %add3A_770 = vector.broadcast %add3A_769 : f32 to vector<16xf32>
          %add3A_771 = arith.addf %add3A_714, %add3A_770 : vector<16xf32>
          %add3A_772 = arith.constant 7 : i32
          %add3A_773 = arith.addi %mul3A_368, %add3A_772 : i32
          %mul3A_774 = arith.constant 16 : i32
          %mul3A_775 = arith.muli %add3A_773, %mul3A_774 : i32
          %add3A_776 = arith.constant 2048 : i32
          %add3A_777 = arith.addi %add3A_776, %mul3A_775 : i32
          %get3A_778 = arith.index_cast %add3A_777 : i32 to index
          %get3A_779 = tpu.vector_load %arg7[%get3A_778] {strides = array<i32>} : memref<25600xf32, #tpu.memory_space<vmem>>, vector<16xf32>,
          %get3A_780 = vector.shape_cast %get3A_779 : vector<16xf32> to vector<16xf32>
          %add3A_781 = arith.constant 5120 : i32
          %add3A_782 = arith.addi %add3A_781, %add3A_777 : i32
          %get3A_783 = arith.index_cast %add3A_782 : i32 to index
          %get3A_784 = tpu.vector_load %arg7[%get3A_783] {strides = array<i32>} : memref<25600xf32, #tpu.memory_space<vmem>>, vector<16xf32>,
          %get3A_785 = vector.shape_cast %get3A_784 : vector<16xf32> to vector<16xf32>
          %add3A_786 = arith.constant 10240 : i32
          %add3A_787 = arith.addi %add3A_786, %add3A_777 : i32
          %get3A_788 = arith.index_cast %add3A_787 : i32 to index
          %get3A_789 = tpu.vector_load %arg7[%get3A_788] {strides = array<i32>} : memref<25600xf32, #tpu.memory_space<vmem>>, vector<16xf32>,
          %get3A_790 = vector.shape_cast %get3A_789 : vector<16xf32> to vector<16xf32>
          %add3A_791 = arith.constant 15360 : i32
          %add3A_792 = arith.addi %add3A_791, %add3A_777 : i32
          %get3A_793 = arith.index_cast %add3A_792 : i32 to index
          %get3A_794 = tpu.vector_load %arg7[%get3A_793] {strides = array<i32>} : memref<25600xf32, #tpu.memory_space<vmem>>, vector<16xf32>,
          %get3A_795 = vector.shape_cast %get3A_794 : vector<16xf32> to vector<16xf32>
          %add3A_796 = arith.constant 20480 : i32
          %add3A_797 = arith.addi %add3A_796, %add3A_777 : i32
          %get3A_798 = arith.index_cast %add3A_797 : i32 to index
          %get3A_799 = tpu.vector_load %arg7[%get3A_798] {strides = array<i32>} : memref<25600xf32, #tpu.memory_space<vmem>>, vector<16xf32>,
          %get3A_800 = vector.shape_cast %get3A_799 : vector<16xf32> to vector<16xf32>
          %min3A_801 = arith.minimumf %broadcast_in_dim3A_138, %get3A_785 : vector<16xf32>
          %max3A_802 = arith.maximumf %broadcast_in_dim3A_137, %get3A_780 : vector<16xf32>
          %sub3A_803 = arith.subf %min3A_801, %max3A_802 : vector<16xf32>
          %max3A_804 = arith.constant 0.000000e+00 : f32
          %max3A_805 = vector.broadcast %max3A_804 : f32 to vector<16xf32>
          %max3A_806 = arith.maximumf %sub3A_803, %max3A_805 : vector<16xf32>
          %min3A_807 = arith.minimumf %broadcast_in_dim3A_140, %get3A_795 : vector<16xf32>
          %max3A_808 = arith.maximumf %broadcast_in_dim3A_139, %get3A_790 : vector<16xf32>
          %sub3A_809 = arith.subf %min3A_807, %max3A_808 : vector<16xf32>
          %max3A_810 = arith.constant 0.000000e+00 : f32
          %max3A_811 = vector.broadcast %max3A_810 : f32 to vector<16xf32>
          %max3A_812 = arith.maximumf %sub3A_809, %max3A_811 : vector<16xf32>
          %mul3A_813 = arith.mulf %max3A_806, %max3A_812 : vector<16xf32>
          %add3A_814 = arith.addf %broadcast_in_dim3A_141, %get3A_800 : vector<16xf32>
          %sub3A_815 = arith.subf %add3A_814, %mul3A_813 : vector<16xf32>
          %add3A_816 = arith.constant 1.000000e-07 : f32
          %add3A_817 = vector.broadcast %add3A_816 : f32 to vector<16xf32>
          %add3A_818 = arith.addf %sub3A_815, %add3A_817 : vector<16xf32>
          %div3A_819 = arith.divf %mul3A_813, %add3A_818 : vector<16xf32>
          %gt3A_820 = arith.constant 5.000000e-01 : f32
          %gt3A_821 = vector.broadcast %gt3A_820 : f32 to vector<16xf32>
          %gt3A_822 = arith.cmpf ogt, %div3A_819, %gt3A_821 : vector<16xf32>
          %sub3A_823 = arith.subf %add3A_771, %div3A_819 : vector<16xf32>
          %select_n3A_824 = arith.select %gt3A_822, %sub3A_823, %broadcast_in_dim3A_9 : vector<16xi1>, vector<16xf32>
          %min3A_825 = arith.minimumf %min3A_768, %select_n3A_824 : vector<16xf32>
          %lt3A_826 = arith.constant 0 : i32
          %lt3A_827 = vector.broadcast %lt3A_826 : i32 to vector<16xi32>
          %lt3A_828 = arith.cmpi slt, %select_n3A_27, %lt3A_827 : vector<16xi32>
          %add3A_829 = arith.constant 16 : i32
          %add3A_830 = vector.broadcast %add3A_829 : i32 to vector<16xi32>
          %add3A_831 = arith.addi %select_n3A_27, %add3A_830 : vector<16xi32>
          %select_n3A_832 = arith.select %lt3A_828, %add3A_831, %select_n3A_27 : vector<16xi1>, vector<16xi32>
          %broadcast_in_dim3A_833 = vector.shape_cast %select_n3A_832 : vector<16xi32> to vector<16x1xi32>
          %gather3A = vector.shape_cast %broadcast_in_dim3A_833 : vector<16x1xi32> to vector<16xi32>
          %gather3A_834 = tpu.dynamic_gather %min3A_825[%gather3A] in [0] : vector<16xf32>, vector<16xi32> -> vector<16xf32>
          %min3A_835 = arith.minimumf %min3A_825, %gather3A_834 : vector<16xf32>
          %lt3A_836 = arith.constant 0 : i32
          %lt3A_837 = vector.broadcast %lt3A_836 : i32 to vector<16xi32>
          %lt3A_838 = arith.cmpi slt, %select_n3A_52, %lt3A_837 : vector<16xi32>
          %add3A_839 = arith.constant 16 : i32
          %add3A_840 = vector.broadcast %add3A_839 : i32 to vector<16xi32>
          %add3A_841 = arith.addi %select_n3A_52, %add3A_840 : vector<16xi32>
          %select_n3A_842 = arith.select %lt3A_838, %add3A_841, %select_n3A_52 : vector<16xi1>, vector<16xi32>
          %broadcast_in_dim3A_843 = vector.shape_cast %select_n3A_842 : vector<16xi32> to vector<16x1xi32>
          %gather3A_844 = vector.shape_cast %broadcast_in_dim3A_843 : vector<16x1xi32> to vector<16xi32>
          %gather3A_845 = tpu.dynamic_gather %min3A_835[%gather3A_844] in [0] : vector<16xf32>, vector<16xi32> -> vector<16xf32>
          %min3A_846 = arith.minimumf %min3A_835, %gather3A_845 : vector<16xf32>
          %lt3A_847 = arith.constant 0 : i32
          %lt3A_848 = vector.broadcast %lt3A_847 : i32 to vector<16xi32>
          %lt3A_849 = arith.cmpi slt, %select_n3A_77, %lt3A_848 : vector<16xi32>
          %add3A_850 = arith.constant 16 : i32
          %add3A_851 = vector.broadcast %add3A_850 : i32 to vector<16xi32>
          %add3A_852 = arith.addi %select_n3A_77, %add3A_851 : vector<16xi32>
          %select_n3A_853 = arith.select %lt3A_849, %add3A_852, %select_n3A_77 : vector<16xi1>, vector<16xi32>
          %broadcast_in_dim3A_854 = vector.shape_cast %select_n3A_853 : vector<16xi32> to vector<16x1xi32>
          %gather3A_855 = vector.shape_cast %broadcast_in_dim3A_854 : vector<16x1xi32> to vector<16xi32>
          %gather3A_856 = tpu.dynamic_gather %min3A_846[%gather3A_855] in [0] : vector<16xf32>, vector<16xi32> -> vector<16xf32>
          %min3A_857 = arith.minimumf %min3A_846, %gather3A_856 : vector<16xf32>
          %lt3A_858 = arith.constant 0 : i32
          %lt3A_859 = vector.broadcast %lt3A_858 : i32 to vector<16xi32>
          %lt3A_860 = arith.cmpi slt, %select_n3A_102, %lt3A_859 : vector<16xi32>
          %add3A_861 = arith.constant 16 : i32
          %add3A_862 = vector.broadcast %add3A_861 : i32 to vector<16xi32>
          %add3A_863 = arith.addi %select_n3A_102, %add3A_862 : vector<16xi32>
          %select_n3A_864 = arith.select %lt3A_860, %add3A_863, %select_n3A_102 : vector<16xi1>, vector<16xi32>
          %broadcast_in_dim3A_865 = vector.shape_cast %select_n3A_864 : vector<16xi32> to vector<16x1xi32>
          %gather3A_866 = vector.shape_cast %broadcast_in_dim3A_865 : vector<16x1xi32> to vector<16xi32>
          %gather3A_867 = tpu.dynamic_gather %min3A_857[%gather3A_866] in [0] : vector<16xf32>, vector<16xi32> -> vector<16xf32>
          %min3A_868 = arith.minimumf %min3A_857, %gather3A_867 : vector<16xf32>
          %slice3A_869 = vector.extract_strided_slice %min3A_868 {offsets = [0], sizes = [1], strides = [1]} : vector<16xf32> to vector<1xf32>
          %squeeze3A_870 = vector.extract %slice3A_869[0] : f32 from vector<1xf32>
          %swap3A_871 = arith.constant 0 : i32
          %swap3A_872 = arith.index_cast %swap3A_871 : i32 to index
          %swap3A_873 = memref.load %arg9[%swap3A_872] : memref<1xf32, #tpu.memory_space<smem>>
          memref.store %squeeze3A_870, %arg9[%swap3A_872] : memref<1xf32, #tpu.memory_space<smem>>
        } else {
        }
      }
      %scan3A_225 = arith.constant 8 : i32
      %get3A_226 = arith.constant 0 : i32
      %get3A_227 = arith.index_cast %get3A_226 : i32 to index
      %get3A_228 = memref.load %arg9[%get3A_227] : memref<1xf32, #tpu.memory_space<smem>>
      %lt3A_229 = arith.constant 1.000000e+08 : f32
      %lt3A_230 = arith.cmpf olt, %get3A_228, %lt3A_229 : f32
      %gt3A_231 = arith.constant 0.000000e+00 : f32
      %gt3A_232 = arith.cmpf ogt, %get3A_228, %gt3A_231 : f32
      %and3A_233 = arith.andi %lt3A_230, %gt3A_232 : i1
      %sub3A_234 = arith.constant 1.000000e+00 : f32
      %sub3A_235 = arith.subf %get3A_228, %sub3A_234 : f32
      %mul3A_236 = arith.constant 5.000000e-01 : f32
      %mul3A_237 = arith.mulf %sub3A_235, %mul3A_236 : f32
      %convert_element_type3A_238 = arith.fptosi %mul3A_237 : f32 to i32
      %mul3A_239 = arith.constant 2 : i32
      %mul3A_240 = arith.muli %convert_element_type3A_238, %mul3A_239 : i32
      %add3A_241 = arith.constant 2 : i32
      %add3A_242 = arith.addi %mul3A_240, %add3A_241 : i32
      %convert_element_type3A_243 = arith.sitofp %add3A_242 : i32 to f32
      %sub3A_244 = arith.subf %convert_element_type3A_243, %get3A_228 : f32
      %jit3A_245 = arith.constant 0.000000e+00 : f32
      %select_n3A_246 = arith.select %and3A_233, %sub3A_244, %jit3A_245 : f32
      %add3A_247 = arith.addf %add3A_212, %select_n3A_246 : f32
      %jit3A_248 = arith.constant 1.000000e+00 : f32
      %jit3A_249 = arith.constant 0.000000e+00 : f32
      %select_n3A_250 = arith.select %and3A_233, %jit3A_248, %jit3A_249 : f32
      %add3A_251 = arith.addf %add3A_216, %select_n3A_250 : f32
      %swap3A_252 = arith.constant 0 : i32
      %swap3A_253 = arith.index_cast %swap3A_252 : i32 to index
      %swap3A_254 = memref.load %arg9[%swap3A_253] : memref<1xf32, #tpu.memory_space<smem>>
      memref.store %select_n3A_145, %arg9[%swap3A_253] : memref<1xf32, #tpu.memory_space<smem>>
      %scan3A_255 = arith.constant 0 : i32
      %scan3A_256 = arith.constant 0 : i32
      %scan3A_257 = arith.constant 8 : i32
      %scan3A_258 = arith.addi %scan3A_256, %scan3A_257 : i32
      %scan3A_259 = arith.constant 1 : i32
      scf.for %scan3A_358 = %scan3A_256 to %scan3A_258 step %scan3A_259  : i32 {
        %get3A_359 = arith.constant 0 : i32
        %get3A_360 = arith.index_cast %get3A_359 : i32 to index
        %get3A_361 = memref.load %arg9[%get3A_360] : memref<1xf32, #tpu.memory_space<smem>>
        %gt3A_362 = arith.constant 1.000000e+08 : f32
        %gt3A_363 = arith.cmpf ogt, %get3A_361, %gt3A_362 : f32
        %convert_element_type3A_364 = arith.extui %gt3A_363 : i1 to i32
        %cond3A_365 = arith.constant 0 : i32
        %cond3A_366 = arith.cmpi ne, %convert_element_type3A_364, %cond3A_365 : i32
        scf.if %cond3A_366 {
          %mul3A_367 = arith.constant 8 : i32
          %mul3A_368 = arith.muli %scan3A_358, %mul3A_367 : i32
          %mul3A_369 = arith.constant 32 : i32
          %mul3A_370 = arith.muli %mul3A_368, %mul3A_369 : i32
          %add3A_371 = arith.constant 2 : i32
          %add3A_372 = arith.addi %mul3A_370, %add3A_371 : i32
          %convert_element_type3A_373 = arith.sitofp %add3A_372 : i32 to f32
          %broadcast_in_dim3A_374 = vector.broadcast %convert_element_type3A_373 : f32 to vector<16xf32>
          %add3A_375 = arith.addf %broadcast_in_dim3A_374, %mul3A_8 : vector<16xf32>
          %add3A_376 = arith.constant 0 : i32
          %add3A_377 = arith.addi %mul3A_368, %add3A_376 : i32
          %mul3A_378 = arith.constant 16 : i32
          %mul3A_379 = arith.muli %add3A_377, %mul3A_378 : i32
          %add3A_380 = arith.constant 3072 : i32
          %add3A_381 = arith.addi %add3A_380, %mul3A_379 : i32
          %get3A_382 = arith.index_cast %add3A_381 : i32 to index
          %get3A_383 = tpu.vector_load %arg7[%get3A_382] {strides = array<i32>} : memref<25600xf32, #tpu.memory_space<vmem>>, vector<16xf32>,
          %get3A_384 = vector.shape_cast %get3A_383 : vector<16xf32> to vector<16xf32>
          %add3A_385 = arith.constant 5120 : i32
          %add3A_386 = arith.addi %add3A_385, %add3A_381 : i32
          %get3A_387 = arith.index_cast %add3A_386 : i32 to index
          %get3A_388 = tpu.vector_load %arg7[%get3A_387] {strides = array<i32>} : memref<25600xf32, #tpu.memory_space<vmem>>, vector<16xf32>,
          %get3A_389 = vector.shape_cast %get3A_388 : vector<16xf32> to vector<16xf32>
          %add3A_390 = arith.constant 10240 : i32
          %add3A_391 = arith.addi %add3A_390, %add3A_381 : i32
          %get3A_392 = arith.index_cast %add3A_391 : i32 to index
          %get3A_393 = tpu.vector_load %arg7[%get3A_392] {strides = array<i32>} : memref<25600xf32, #tpu.memory_space<vmem>>, vector<16xf32>,
          %get3A_394 = vector.shape_cast %get3A_393 : vector<16xf32> to vector<16xf32>
          %add3A_395 = arith.constant 15360 : i32
          %add3A_396 = arith.addi %add3A_395, %add3A_381 : i32
          %get3A_397 = arith.index_cast %add3A_396 : i32 to index
          %get3A_398 = tpu.vector_load %arg7[%get3A_397] {strides = array<i32>} : memref<25600xf32, #tpu.memory_space<vmem>>, vector<16xf32>,
          %get3A_399 = vector.shape_cast %get3A_398 : vector<16xf32> to vector<16xf32>
          %add3A_400 = arith.constant 20480 : i32
          %add3A_401 = arith.addi %add3A_400, %add3A_381 : i32
          %get3A_402 = arith.index_cast %add3A_401 : i32 to index
          %get3A_403 = tpu.vector_load %arg7[%get3A_402] {strides = array<i32>} : memref<25600xf32, #tpu.memory_space<vmem>>, vector<16xf32>,
          %get3A_404 = vector.shape_cast %get3A_403 : vector<16xf32> to vector<16xf32>
          %min3A = arith.minimumf %broadcast_in_dim3A_138, %get3A_389 : vector<16xf32>
          %max3A = arith.maximumf %broadcast_in_dim3A_137, %get3A_384 : vector<16xf32>
          %sub3A_405 = arith.subf %min3A, %max3A : vector<16xf32>
          %max3A_406 = arith.constant 0.000000e+00 : f32
          %max3A_407 = vector.broadcast %max3A_406 : f32 to vector<16xf32>
          %max3A_408 = arith.maximumf %sub3A_405, %max3A_407 : vector<16xf32>
          %min3A_409 = arith.minimumf %broadcast_in_dim3A_140, %get3A_399 : vector<16xf32>
          %max3A_410 = arith.maximumf %broadcast_in_dim3A_139, %get3A_394 : vector<16xf32>
          %sub3A_411 = arith.subf %min3A_409, %max3A_410 : vector<16xf32>
          %max3A_412 = arith.constant 0.000000e+00 : f32
          %max3A_413 = vector.broadcast %max3A_412 : f32 to vector<16xf32>
          %max3A_414 = arith.maximumf %sub3A_411, %max3A_413 : vector<16xf32>
          %mul3A_415 = arith.mulf %max3A_408, %max3A_414 : vector<16xf32>
          %add3A_416 = arith.addf %broadcast_in_dim3A_141, %get3A_404 : vector<16xf32>
          %sub3A_417 = arith.subf %add3A_416, %mul3A_415 : vector<16xf32>
          %add3A_418 = arith.constant 1.000000e-07 : f32
          %add3A_419 = vector.broadcast %add3A_418 : f32 to vector<16xf32>
          %add3A_420 = arith.addf %sub3A_417, %add3A_419 : vector<16xf32>
          %div3A = arith.divf %mul3A_415, %add3A_420 : vector<16xf32>
          %gt3A_421 = arith.constant 5.000000e-01 : f32
          %gt3A_422 = vector.broadcast %gt3A_421 : f32 to vector<16xf32>
          %gt3A_423 = arith.cmpf ogt, %div3A, %gt3A_422 : vector<16xf32>
          %sub3A_424 = arith.subf %add3A_375, %div3A : vector<16xf32>
          %select_n3A_425 = arith.select %gt3A_423, %sub3A_424, %broadcast_in_dim3A_9 : vector<16xi1>, vector<16xf32>
          %min3A_426 = arith.minimumf %broadcast_in_dim3A_9, %select_n3A_425 : vector<16xf32>
          %add3A_427 = arith.constant 3.200000e+01 : f32
          %add3A_428 = vector.broadcast %add3A_427 : f32 to vector<16xf32>
          %add3A_429 = arith.addf %add3A_375, %add3A_428 : vector<16xf32>
          %add3A_430 = arith.constant 1 : i32
          %add3A_431 = arith.addi %mul3A_368, %add3A_430 : i32
          %mul3A_432 = arith.constant 16 : i32
          %mul3A_433 = arith.muli %add3A_431, %mul3A_432 : i32
          %add3A_434 = arith.constant 3072 : i32
          %add3A_435 = arith.addi %add3A_434, %mul3A_433 : i32
          %get3A_436 = arith.index_cast %add3A_435 : i32 to index
          %get3A_437 = tpu.vector_load %arg7[%get3A_436] {strides = array<i32>} : memref<25600xf32, #tpu.memory_space<vmem>>, vector<16xf32>,
          %get3A_438 = vector.shape_cast %get3A_437 : vector<16xf32> to vector<16xf32>
          %add3A_439 = arith.constant 5120 : i32
          %add3A_440 = arith.addi %add3A_439, %add3A_435 : i32
          %get3A_441 = arith.index_cast %add3A_440 : i32 to index
          %get3A_442 = tpu.vector_load %arg7[%get3A_441] {strides = array<i32>} : memref<25600xf32, #tpu.memory_space<vmem>>, vector<16xf32>,
          %get3A_443 = vector.shape_cast %get3A_442 : vector<16xf32> to vector<16xf32>
          %add3A_444 = arith.constant 10240 : i32
          %add3A_445 = arith.addi %add3A_444, %add3A_435 : i32
          %get3A_446 = arith.index_cast %add3A_445 : i32 to index
          %get3A_447 = tpu.vector_load %arg7[%get3A_446] {strides = array<i32>} : memref<25600xf32, #tpu.memory_space<vmem>>, vector<16xf32>,
          %get3A_448 = vector.shape_cast %get3A_447 : vector<16xf32> to vector<16xf32>
          %add3A_449 = arith.constant 15360 : i32
          %add3A_450 = arith.addi %add3A_449, %add3A_435 : i32
          %get3A_451 = arith.index_cast %add3A_450 : i32 to index
          %get3A_452 = tpu.vector_load %arg7[%get3A_451] {strides = array<i32>} : memref<25600xf32, #tpu.memory_space<vmem>>, vector<16xf32>,
          %get3A_453 = vector.shape_cast %get3A_452 : vector<16xf32> to vector<16xf32>
          %add3A_454 = arith.constant 20480 : i32
          %add3A_455 = arith.addi %add3A_454, %add3A_435 : i32
          %get3A_456 = arith.index_cast %add3A_455 : i32 to index
          %get3A_457 = tpu.vector_load %arg7[%get3A_456] {strides = array<i32>} : memref<25600xf32, #tpu.memory_space<vmem>>, vector<16xf32>,
          %get3A_458 = vector.shape_cast %get3A_457 : vector<16xf32> to vector<16xf32>
          %min3A_459 = arith.minimumf %broadcast_in_dim3A_138, %get3A_443 : vector<16xf32>
          %max3A_460 = arith.maximumf %broadcast_in_dim3A_137, %get3A_438 : vector<16xf32>
          %sub3A_461 = arith.subf %min3A_459, %max3A_460 : vector<16xf32>
          %max3A_462 = arith.constant 0.000000e+00 : f32
          %max3A_463 = vector.broadcast %max3A_462 : f32 to vector<16xf32>
          %max3A_464 = arith.maximumf %sub3A_461, %max3A_463 : vector<16xf32>
          %min3A_465 = arith.minimumf %broadcast_in_dim3A_140, %get3A_453 : vector<16xf32>
          %max3A_466 = arith.maximumf %broadcast_in_dim3A_139, %get3A_448 : vector<16xf32>
          %sub3A_467 = arith.subf %min3A_465, %max3A_466 : vector<16xf32>
          %max3A_468 = arith.constant 0.000000e+00 : f32
          %max3A_469 = vector.broadcast %max3A_468 : f32 to vector<16xf32>
          %max3A_470 = arith.maximumf %sub3A_467, %max3A_469 : vector<16xf32>
          %mul3A_471 = arith.mulf %max3A_464, %max3A_470 : vector<16xf32>
          %add3A_472 = arith.addf %broadcast_in_dim3A_141, %get3A_458 : vector<16xf32>
          %sub3A_473 = arith.subf %add3A_472, %mul3A_471 : vector<16xf32>
          %add3A_474 = arith.constant 1.000000e-07 : f32
          %add3A_475 = vector.broadcast %add3A_474 : f32 to vector<16xf32>
          %add3A_476 = arith.addf %sub3A_473, %add3A_475 : vector<16xf32>
          %div3A_477 = arith.divf %mul3A_471, %add3A_476 : vector<16xf32>
          %gt3A_478 = arith.constant 5.000000e-01 : f32
          %gt3A_479 = vector.broadcast %gt3A_478 : f32 to vector<16xf32>
          %gt3A_480 = arith.cmpf ogt, %div3A_477, %gt3A_479 : vector<16xf32>
          %sub3A_481 = arith.subf %add3A_429, %div3A_477 : vector<16xf32>
          %select_n3A_482 = arith.select %gt3A_480, %sub3A_481, %broadcast_in_dim3A_9 : vector<16xi1>, vector<16xf32>
          %min3A_483 = arith.minimumf %min3A_426, %select_n3A_482 : vector<16xf32>
          %add3A_484 = arith.constant 3.200000e+01 : f32
          %add3A_485 = vector.broadcast %add3A_484 : f32 to vector<16xf32>
          %add3A_486 = arith.addf %add3A_429, %add3A_485 : vector<16xf32>
          %add3A_487 = arith.constant 2 : i32
          %add3A_488 = arith.addi %mul3A_368, %add3A_487 : i32
          %mul3A_489 = arith.constant 16 : i32
          %mul3A_490 = arith.muli %add3A_488, %mul3A_489 : i32
          %add3A_491 = arith.constant 3072 : i32
          %add3A_492 = arith.addi %add3A_491, %mul3A_490 : i32
          %get3A_493 = arith.index_cast %add3A_492 : i32 to index
          %get3A_494 = tpu.vector_load %arg7[%get3A_493] {strides = array<i32>} : memref<25600xf32, #tpu.memory_space<vmem>>, vector<16xf32>,
          %get3A_495 = vector.shape_cast %get3A_494 : vector<16xf32> to vector<16xf32>
          %add3A_496 = arith.constant 5120 : i32
          %add3A_497 = arith.addi %add3A_496, %add3A_492 : i32
          %get3A_498 = arith.index_cast %add3A_497 : i32 to index
          %get3A_499 = tpu.vector_load %arg7[%get3A_498] {strides = array<i32>} : memref<25600xf32, #tpu.memory_space<vmem>>, vector<16xf32>,
          %get3A_500 = vector.shape_cast %get3A_499 : vector<16xf32> to vector<16xf32>
          %add3A_501 = arith.constant 10240 : i32
          %add3A_502 = arith.addi %add3A_501, %add3A_492 : i32
          %get3A_503 = arith.index_cast %add3A_502 : i32 to index
          %get3A_504 = tpu.vector_load %arg7[%get3A_503] {strides = array<i32>} : memref<25600xf32, #tpu.memory_space<vmem>>, vector<16xf32>,
          %get3A_505 = vector.shape_cast %get3A_504 : vector<16xf32> to vector<16xf32>
          %add3A_506 = arith.constant 15360 : i32
          %add3A_507 = arith.addi %add3A_506, %add3A_492 : i32
          %get3A_508 = arith.index_cast %add3A_507 : i32 to index
          %get3A_509 = tpu.vector_load %arg7[%get3A_508] {strides = array<i32>} : memref<25600xf32, #tpu.memory_space<vmem>>, vector<16xf32>,
          %get3A_510 = vector.shape_cast %get3A_509 : vector<16xf32> to vector<16xf32>
          %add3A_511 = arith.constant 20480 : i32
          %add3A_512 = arith.addi %add3A_511, %add3A_492 : i32
          %get3A_513 = arith.index_cast %add3A_512 : i32 to index
          %get3A_514 = tpu.vector_load %arg7[%get3A_513] {strides = array<i32>} : memref<25600xf32, #tpu.memory_space<vmem>>, vector<16xf32>,
          %get3A_515 = vector.shape_cast %get3A_514 : vector<16xf32> to vector<16xf32>
          %min3A_516 = arith.minimumf %broadcast_in_dim3A_138, %get3A_500 : vector<16xf32>
          %max3A_517 = arith.maximumf %broadcast_in_dim3A_137, %get3A_495 : vector<16xf32>
          %sub3A_518 = arith.subf %min3A_516, %max3A_517 : vector<16xf32>
          %max3A_519 = arith.constant 0.000000e+00 : f32
          %max3A_520 = vector.broadcast %max3A_519 : f32 to vector<16xf32>
          %max3A_521 = arith.maximumf %sub3A_518, %max3A_520 : vector<16xf32>
          %min3A_522 = arith.minimumf %broadcast_in_dim3A_140, %get3A_510 : vector<16xf32>
          %max3A_523 = arith.maximumf %broadcast_in_dim3A_139, %get3A_505 : vector<16xf32>
          %sub3A_524 = arith.subf %min3A_522, %max3A_523 : vector<16xf32>
          %max3A_525 = arith.constant 0.000000e+00 : f32
          %max3A_526 = vector.broadcast %max3A_525 : f32 to vector<16xf32>
          %max3A_527 = arith.maximumf %sub3A_524, %max3A_526 : vector<16xf32>
          %mul3A_528 = arith.mulf %max3A_521, %max3A_527 : vector<16xf32>
          %add3A_529 = arith.addf %broadcast_in_dim3A_141, %get3A_515 : vector<16xf32>
          %sub3A_530 = arith.subf %add3A_529, %mul3A_528 : vector<16xf32>
          %add3A_531 = arith.constant 1.000000e-07 : f32
          %add3A_532 = vector.broadcast %add3A_531 : f32 to vector<16xf32>
          %add3A_533 = arith.addf %sub3A_530, %add3A_532 : vector<16xf32>
          %div3A_534 = arith.divf %mul3A_528, %add3A_533 : vector<16xf32>
          %gt3A_535 = arith.constant 5.000000e-01 : f32
          %gt3A_536 = vector.broadcast %gt3A_535 : f32 to vector<16xf32>
          %gt3A_537 = arith.cmpf ogt, %div3A_534, %gt3A_536 : vector<16xf32>
          %sub3A_538 = arith.subf %add3A_486, %div3A_534 : vector<16xf32>
          %select_n3A_539 = arith.select %gt3A_537, %sub3A_538, %broadcast_in_dim3A_9 : vector<16xi1>, vector<16xf32>
          %min3A_540 = arith.minimumf %min3A_483, %select_n3A_539 : vector<16xf32>
          %add3A_541 = arith.constant 3.200000e+01 : f32
          %add3A_542 = vector.broadcast %add3A_541 : f32 to vector<16xf32>
          %add3A_543 = arith.addf %add3A_486, %add3A_542 : vector<16xf32>
          %add3A_544 = arith.constant 3 : i32
          %add3A_545 = arith.addi %mul3A_368, %add3A_544 : i32
          %mul3A_546 = arith.constant 16 : i32
          %mul3A_547 = arith.muli %add3A_545, %mul3A_546 : i32
          %add3A_548 = arith.constant 3072 : i32
          %add3A_549 = arith.addi %add3A_548, %mul3A_547 : i32
          %get3A_550 = arith.index_cast %add3A_549 : i32 to index
          %get3A_551 = tpu.vector_load %arg7[%get3A_550] {strides = array<i32>} : memref<25600xf32, #tpu.memory_space<vmem>>, vector<16xf32>,
          %get3A_552 = vector.shape_cast %get3A_551 : vector<16xf32> to vector<16xf32>
          %add3A_553 = arith.constant 5120 : i32
          %add3A_554 = arith.addi %add3A_553, %add3A_549 : i32
          %get3A_555 = arith.index_cast %add3A_554 : i32 to index
          %get3A_556 = tpu.vector_load %arg7[%get3A_555] {strides = array<i32>} : memref<25600xf32, #tpu.memory_space<vmem>>, vector<16xf32>,
          %get3A_557 = vector.shape_cast %get3A_556 : vector<16xf32> to vector<16xf32>
          %add3A_558 = arith.constant 10240 : i32
          %add3A_559 = arith.addi %add3A_558, %add3A_549 : i32
          %get3A_560 = arith.index_cast %add3A_559 : i32 to index
          %get3A_561 = tpu.vector_load %arg7[%get3A_560] {strides = array<i32>} : memref<25600xf32, #tpu.memory_space<vmem>>, vector<16xf32>,
          %get3A_562 = vector.shape_cast %get3A_561 : vector<16xf32> to vector<16xf32>
          %add3A_563 = arith.constant 15360 : i32
          %add3A_564 = arith.addi %add3A_563, %add3A_549 : i32
          %get3A_565 = arith.index_cast %add3A_564 : i32 to index
          %get3A_566 = tpu.vector_load %arg7[%get3A_565] {strides = array<i32>} : memref<25600xf32, #tpu.memory_space<vmem>>, vector<16xf32>,
          %get3A_567 = vector.shape_cast %get3A_566 : vector<16xf32> to vector<16xf32>
          %add3A_568 = arith.constant 20480 : i32
          %add3A_569 = arith.addi %add3A_568, %add3A_549 : i32
          %get3A_570 = arith.index_cast %add3A_569 : i32 to index
          %get3A_571 = tpu.vector_load %arg7[%get3A_570] {strides = array<i32>} : memref<25600xf32, #tpu.memory_space<vmem>>, vector<16xf32>,
          %get3A_572 = vector.shape_cast %get3A_571 : vector<16xf32> to vector<16xf32>
          %min3A_573 = arith.minimumf %broadcast_in_dim3A_138, %get3A_557 : vector<16xf32>
          %max3A_574 = arith.maximumf %broadcast_in_dim3A_137, %get3A_552 : vector<16xf32>
          %sub3A_575 = arith.subf %min3A_573, %max3A_574 : vector<16xf32>
          %max3A_576 = arith.constant 0.000000e+00 : f32
          %max3A_577 = vector.broadcast %max3A_576 : f32 to vector<16xf32>
          %max3A_578 = arith.maximumf %sub3A_575, %max3A_577 : vector<16xf32>
          %min3A_579 = arith.minimumf %broadcast_in_dim3A_140, %get3A_567 : vector<16xf32>
          %max3A_580 = arith.maximumf %broadcast_in_dim3A_139, %get3A_562 : vector<16xf32>
          %sub3A_581 = arith.subf %min3A_579, %max3A_580 : vector<16xf32>
          %max3A_582 = arith.constant 0.000000e+00 : f32
          %max3A_583 = vector.broadcast %max3A_582 : f32 to vector<16xf32>
          %max3A_584 = arith.maximumf %sub3A_581, %max3A_583 : vector<16xf32>
          %mul3A_585 = arith.mulf %max3A_578, %max3A_584 : vector<16xf32>
          %add3A_586 = arith.addf %broadcast_in_dim3A_141, %get3A_572 : vector<16xf32>
          %sub3A_587 = arith.subf %add3A_586, %mul3A_585 : vector<16xf32>
          %add3A_588 = arith.constant 1.000000e-07 : f32
          %add3A_589 = vector.broadcast %add3A_588 : f32 to vector<16xf32>
          %add3A_590 = arith.addf %sub3A_587, %add3A_589 : vector<16xf32>
          %div3A_591 = arith.divf %mul3A_585, %add3A_590 : vector<16xf32>
          %gt3A_592 = arith.constant 5.000000e-01 : f32
          %gt3A_593 = vector.broadcast %gt3A_592 : f32 to vector<16xf32>
          %gt3A_594 = arith.cmpf ogt, %div3A_591, %gt3A_593 : vector<16xf32>
          %sub3A_595 = arith.subf %add3A_543, %div3A_591 : vector<16xf32>
          %select_n3A_596 = arith.select %gt3A_594, %sub3A_595, %broadcast_in_dim3A_9 : vector<16xi1>, vector<16xf32>
          %min3A_597 = arith.minimumf %min3A_540, %select_n3A_596 : vector<16xf32>
          %add3A_598 = arith.constant 3.200000e+01 : f32
          %add3A_599 = vector.broadcast %add3A_598 : f32 to vector<16xf32>
          %add3A_600 = arith.addf %add3A_543, %add3A_599 : vector<16xf32>
          %add3A_601 = arith.constant 4 : i32
          %add3A_602 = arith.addi %mul3A_368, %add3A_601 : i32
          %mul3A_603 = arith.constant 16 : i32
          %mul3A_604 = arith.muli %add3A_602, %mul3A_603 : i32
          %add3A_605 = arith.constant 3072 : i32
          %add3A_606 = arith.addi %add3A_605, %mul3A_604 : i32
          %get3A_607 = arith.index_cast %add3A_606 : i32 to index
          %get3A_608 = tpu.vector_load %arg7[%get3A_607] {strides = array<i32>} : memref<25600xf32, #tpu.memory_space<vmem>>, vector<16xf32>,
          %get3A_609 = vector.shape_cast %get3A_608 : vector<16xf32> to vector<16xf32>
          %add3A_610 = arith.constant 5120 : i32
          %add3A_611 = arith.addi %add3A_610, %add3A_606 : i32
          %get3A_612 = arith.index_cast %add3A_611 : i32 to index
          %get3A_613 = tpu.vector_load %arg7[%get3A_612] {strides = array<i32>} : memref<25600xf32, #tpu.memory_space<vmem>>, vector<16xf32>,
          %get3A_614 = vector.shape_cast %get3A_613 : vector<16xf32> to vector<16xf32>
          %add3A_615 = arith.constant 10240 : i32
          %add3A_616 = arith.addi %add3A_615, %add3A_606 : i32
          %get3A_617 = arith.index_cast %add3A_616 : i32 to index
          %get3A_618 = tpu.vector_load %arg7[%get3A_617] {strides = array<i32>} : memref<25600xf32, #tpu.memory_space<vmem>>, vector<16xf32>,
          %get3A_619 = vector.shape_cast %get3A_618 : vector<16xf32> to vector<16xf32>
          %add3A_620 = arith.constant 15360 : i32
          %add3A_621 = arith.addi %add3A_620, %add3A_606 : i32
          %get3A_622 = arith.index_cast %add3A_621 : i32 to index
          %get3A_623 = tpu.vector_load %arg7[%get3A_622] {strides = array<i32>} : memref<25600xf32, #tpu.memory_space<vmem>>, vector<16xf32>,
          %get3A_624 = vector.shape_cast %get3A_623 : vector<16xf32> to vector<16xf32>
          %add3A_625 = arith.constant 20480 : i32
          %add3A_626 = arith.addi %add3A_625, %add3A_606 : i32
          %get3A_627 = arith.index_cast %add3A_626 : i32 to index
          %get3A_628 = tpu.vector_load %arg7[%get3A_627] {strides = array<i32>} : memref<25600xf32, #tpu.memory_space<vmem>>, vector<16xf32>,
          %get3A_629 = vector.shape_cast %get3A_628 : vector<16xf32> to vector<16xf32>
          %min3A_630 = arith.minimumf %broadcast_in_dim3A_138, %get3A_614 : vector<16xf32>
          %max3A_631 = arith.maximumf %broadcast_in_dim3A_137, %get3A_609 : vector<16xf32>
          %sub3A_632 = arith.subf %min3A_630, %max3A_631 : vector<16xf32>
          %max3A_633 = arith.constant 0.000000e+00 : f32
          %max3A_634 = vector.broadcast %max3A_633 : f32 to vector<16xf32>
          %max3A_635 = arith.maximumf %sub3A_632, %max3A_634 : vector<16xf32>
          %min3A_636 = arith.minimumf %broadcast_in_dim3A_140, %get3A_624 : vector<16xf32>
          %max3A_637 = arith.maximumf %broadcast_in_dim3A_139, %get3A_619 : vector<16xf32>
          %sub3A_638 = arith.subf %min3A_636, %max3A_637 : vector<16xf32>
          %max3A_639 = arith.constant 0.000000e+00 : f32
          %max3A_640 = vector.broadcast %max3A_639 : f32 to vector<16xf32>
          %max3A_641 = arith.maximumf %sub3A_638, %max3A_640 : vector<16xf32>
          %mul3A_642 = arith.mulf %max3A_635, %max3A_641 : vector<16xf32>
          %add3A_643 = arith.addf %broadcast_in_dim3A_141, %get3A_629 : vector<16xf32>
          %sub3A_644 = arith.subf %add3A_643, %mul3A_642 : vector<16xf32>
          %add3A_645 = arith.constant 1.000000e-07 : f32
          %add3A_646 = vector.broadcast %add3A_645 : f32 to vector<16xf32>
          %add3A_647 = arith.addf %sub3A_644, %add3A_646 : vector<16xf32>
          %div3A_648 = arith.divf %mul3A_642, %add3A_647 : vector<16xf32>
          %gt3A_649 = arith.constant 5.000000e-01 : f32
          %gt3A_650 = vector.broadcast %gt3A_649 : f32 to vector<16xf32>
          %gt3A_651 = arith.cmpf ogt, %div3A_648, %gt3A_650 : vector<16xf32>
          %sub3A_652 = arith.subf %add3A_600, %div3A_648 : vector<16xf32>
          %select_n3A_653 = arith.select %gt3A_651, %sub3A_652, %broadcast_in_dim3A_9 : vector<16xi1>, vector<16xf32>
          %min3A_654 = arith.minimumf %min3A_597, %select_n3A_653 : vector<16xf32>
          %add3A_655 = arith.constant 3.200000e+01 : f32
          %add3A_656 = vector.broadcast %add3A_655 : f32 to vector<16xf32>
          %add3A_657 = arith.addf %add3A_600, %add3A_656 : vector<16xf32>
          %add3A_658 = arith.constant 5 : i32
          %add3A_659 = arith.addi %mul3A_368, %add3A_658 : i32
          %mul3A_660 = arith.constant 16 : i32
          %mul3A_661 = arith.muli %add3A_659, %mul3A_660 : i32
          %add3A_662 = arith.constant 3072 : i32
          %add3A_663 = arith.addi %add3A_662, %mul3A_661 : i32
          %get3A_664 = arith.index_cast %add3A_663 : i32 to index
          %get3A_665 = tpu.vector_load %arg7[%get3A_664] {strides = array<i32>} : memref<25600xf32, #tpu.memory_space<vmem>>, vector<16xf32>,
          %get3A_666 = vector.shape_cast %get3A_665 : vector<16xf32> to vector<16xf32>
          %add3A_667 = arith.constant 5120 : i32
          %add3A_668 = arith.addi %add3A_667, %add3A_663 : i32
          %get3A_669 = arith.index_cast %add3A_668 : i32 to index
          %get3A_670 = tpu.vector_load %arg7[%get3A_669] {strides = array<i32>} : memref<25600xf32, #tpu.memory_space<vmem>>, vector<16xf32>,
          %get3A_671 = vector.shape_cast %get3A_670 : vector<16xf32> to vector<16xf32>
          %add3A_672 = arith.constant 10240 : i32
          %add3A_673 = arith.addi %add3A_672, %add3A_663 : i32
          %get3A_674 = arith.index_cast %add3A_673 : i32 to index
          %get3A_675 = tpu.vector_load %arg7[%get3A_674] {strides = array<i32>} : memref<25600xf32, #tpu.memory_space<vmem>>, vector<16xf32>,
          %get3A_676 = vector.shape_cast %get3A_675 : vector<16xf32> to vector<16xf32>
          %add3A_677 = arith.constant 15360 : i32
          %add3A_678 = arith.addi %add3A_677, %add3A_663 : i32
          %get3A_679 = arith.index_cast %add3A_678 : i32 to index
          %get3A_680 = tpu.vector_load %arg7[%get3A_679] {strides = array<i32>} : memref<25600xf32, #tpu.memory_space<vmem>>, vector<16xf32>,
          %get3A_681 = vector.shape_cast %get3A_680 : vector<16xf32> to vector<16xf32>
          %add3A_682 = arith.constant 20480 : i32
          %add3A_683 = arith.addi %add3A_682, %add3A_663 : i32
          %get3A_684 = arith.index_cast %add3A_683 : i32 to index
          %get3A_685 = tpu.vector_load %arg7[%get3A_684] {strides = array<i32>} : memref<25600xf32, #tpu.memory_space<vmem>>, vector<16xf32>,
          %get3A_686 = vector.shape_cast %get3A_685 : vector<16xf32> to vector<16xf32>
          %min3A_687 = arith.minimumf %broadcast_in_dim3A_138, %get3A_671 : vector<16xf32>
          %max3A_688 = arith.maximumf %broadcast_in_dim3A_137, %get3A_666 : vector<16xf32>
          %sub3A_689 = arith.subf %min3A_687, %max3A_688 : vector<16xf32>
          %max3A_690 = arith.constant 0.000000e+00 : f32
          %max3A_691 = vector.broadcast %max3A_690 : f32 to vector<16xf32>
          %max3A_692 = arith.maximumf %sub3A_689, %max3A_691 : vector<16xf32>
          %min3A_693 = arith.minimumf %broadcast_in_dim3A_140, %get3A_681 : vector<16xf32>
          %max3A_694 = arith.maximumf %broadcast_in_dim3A_139, %get3A_676 : vector<16xf32>
          %sub3A_695 = arith.subf %min3A_693, %max3A_694 : vector<16xf32>
          %max3A_696 = arith.constant 0.000000e+00 : f32
          %max3A_697 = vector.broadcast %max3A_696 : f32 to vector<16xf32>
          %max3A_698 = arith.maximumf %sub3A_695, %max3A_697 : vector<16xf32>
          %mul3A_699 = arith.mulf %max3A_692, %max3A_698 : vector<16xf32>
          %add3A_700 = arith.addf %broadcast_in_dim3A_141, %get3A_686 : vector<16xf32>
          %sub3A_701 = arith.subf %add3A_700, %mul3A_699 : vector<16xf32>
          %add3A_702 = arith.constant 1.000000e-07 : f32
          %add3A_703 = vector.broadcast %add3A_702 : f32 to vector<16xf32>
          %add3A_704 = arith.addf %sub3A_701, %add3A_703 : vector<16xf32>
          %div3A_705 = arith.divf %mul3A_699, %add3A_704 : vector<16xf32>
          %gt3A_706 = arith.constant 5.000000e-01 : f32
          %gt3A_707 = vector.broadcast %gt3A_706 : f32 to vector<16xf32>
          %gt3A_708 = arith.cmpf ogt, %div3A_705, %gt3A_707 : vector<16xf32>
          %sub3A_709 = arith.subf %add3A_657, %div3A_705 : vector<16xf32>
          %select_n3A_710 = arith.select %gt3A_708, %sub3A_709, %broadcast_in_dim3A_9 : vector<16xi1>, vector<16xf32>
          %min3A_711 = arith.minimumf %min3A_654, %select_n3A_710 : vector<16xf32>
          %add3A_712 = arith.constant 3.200000e+01 : f32
          %add3A_713 = vector.broadcast %add3A_712 : f32 to vector<16xf32>
          %add3A_714 = arith.addf %add3A_657, %add3A_713 : vector<16xf32>
          %add3A_715 = arith.constant 6 : i32
          %add3A_716 = arith.addi %mul3A_368, %add3A_715 : i32
          %mul3A_717 = arith.constant 16 : i32
          %mul3A_718 = arith.muli %add3A_716, %mul3A_717 : i32
          %add3A_719 = arith.constant 3072 : i32
          %add3A_720 = arith.addi %add3A_719, %mul3A_718 : i32
          %get3A_721 = arith.index_cast %add3A_720 : i32 to index
          %get3A_722 = tpu.vector_load %arg7[%get3A_721] {strides = array<i32>} : memref<25600xf32, #tpu.memory_space<vmem>>, vector<16xf32>,
          %get3A_723 = vector.shape_cast %get3A_722 : vector<16xf32> to vector<16xf32>
          %add3A_724 = arith.constant 5120 : i32
          %add3A_725 = arith.addi %add3A_724, %add3A_720 : i32
          %get3A_726 = arith.index_cast %add3A_725 : i32 to index
          %get3A_727 = tpu.vector_load %arg7[%get3A_726] {strides = array<i32>} : memref<25600xf32, #tpu.memory_space<vmem>>, vector<16xf32>,
          %get3A_728 = vector.shape_cast %get3A_727 : vector<16xf32> to vector<16xf32>
          %add3A_729 = arith.constant 10240 : i32
          %add3A_730 = arith.addi %add3A_729, %add3A_720 : i32
          %get3A_731 = arith.index_cast %add3A_730 : i32 to index
          %get3A_732 = tpu.vector_load %arg7[%get3A_731] {strides = array<i32>} : memref<25600xf32, #tpu.memory_space<vmem>>, vector<16xf32>,
          %get3A_733 = vector.shape_cast %get3A_732 : vector<16xf32> to vector<16xf32>
          %add3A_734 = arith.constant 15360 : i32
          %add3A_735 = arith.addi %add3A_734, %add3A_720 : i32
          %get3A_736 = arith.index_cast %add3A_735 : i32 to index
          %get3A_737 = tpu.vector_load %arg7[%get3A_736] {strides = array<i32>} : memref<25600xf32, #tpu.memory_space<vmem>>, vector<16xf32>,
          %get3A_738 = vector.shape_cast %get3A_737 : vector<16xf32> to vector<16xf32>
          %add3A_739 = arith.constant 20480 : i32
          %add3A_740 = arith.addi %add3A_739, %add3A_720 : i32
          %get3A_741 = arith.index_cast %add3A_740 : i32 to index
          %get3A_742 = tpu.vector_load %arg7[%get3A_741] {strides = array<i32>} : memref<25600xf32, #tpu.memory_space<vmem>>, vector<16xf32>,
          %get3A_743 = vector.shape_cast %get3A_742 : vector<16xf32> to vector<16xf32>
          %min3A_744 = arith.minimumf %broadcast_in_dim3A_138, %get3A_728 : vector<16xf32>
          %max3A_745 = arith.maximumf %broadcast_in_dim3A_137, %get3A_723 : vector<16xf32>
          %sub3A_746 = arith.subf %min3A_744, %max3A_745 : vector<16xf32>
          %max3A_747 = arith.constant 0.000000e+00 : f32
          %max3A_748 = vector.broadcast %max3A_747 : f32 to vector<16xf32>
          %max3A_749 = arith.maximumf %sub3A_746, %max3A_748 : vector<16xf32>
          %min3A_750 = arith.minimumf %broadcast_in_dim3A_140, %get3A_738 : vector<16xf32>
          %max3A_751 = arith.maximumf %broadcast_in_dim3A_139, %get3A_733 : vector<16xf32>
          %sub3A_752 = arith.subf %min3A_750, %max3A_751 : vector<16xf32>
          %max3A_753 = arith.constant 0.000000e+00 : f32
          %max3A_754 = vector.broadcast %max3A_753 : f32 to vector<16xf32>
          %max3A_755 = arith.maximumf %sub3A_752, %max3A_754 : vector<16xf32>
          %mul3A_756 = arith.mulf %max3A_749, %max3A_755 : vector<16xf32>
          %add3A_757 = arith.addf %broadcast_in_dim3A_141, %get3A_743 : vector<16xf32>
          %sub3A_758 = arith.subf %add3A_757, %mul3A_756 : vector<16xf32>
          %add3A_759 = arith.constant 1.000000e-07 : f32
          %add3A_760 = vector.broadcast %add3A_759 : f32 to vector<16xf32>
          %add3A_761 = arith.addf %sub3A_758, %add3A_760 : vector<16xf32>
          %div3A_762 = arith.divf %mul3A_756, %add3A_761 : vector<16xf32>
          %gt3A_763 = arith.constant 5.000000e-01 : f32
          %gt3A_764 = vector.broadcast %gt3A_763 : f32 to vector<16xf32>
          %gt3A_765 = arith.cmpf ogt, %div3A_762, %gt3A_764 : vector<16xf32>
          %sub3A_766 = arith.subf %add3A_714, %div3A_762 : vector<16xf32>
          %select_n3A_767 = arith.select %gt3A_765, %sub3A_766, %broadcast_in_dim3A_9 : vector<16xi1>, vector<16xf32>
          %min3A_768 = arith.minimumf %min3A_711, %select_n3A_767 : vector<16xf32>
          %add3A_769 = arith.constant 3.200000e+01 : f32
          %add3A_770 = vector.broadcast %add3A_769 : f32 to vector<16xf32>
          %add3A_771 = arith.addf %add3A_714, %add3A_770 : vector<16xf32>
          %add3A_772 = arith.constant 7 : i32
          %add3A_773 = arith.addi %mul3A_368, %add3A_772 : i32
          %mul3A_774 = arith.constant 16 : i32
          %mul3A_775 = arith.muli %add3A_773, %mul3A_774 : i32
          %add3A_776 = arith.constant 3072 : i32
          %add3A_777 = arith.addi %add3A_776, %mul3A_775 : i32
          %get3A_778 = arith.index_cast %add3A_777 : i32 to index
          %get3A_779 = tpu.vector_load %arg7[%get3A_778] {strides = array<i32>} : memref<25600xf32, #tpu.memory_space<vmem>>, vector<16xf32>,
          %get3A_780 = vector.shape_cast %get3A_779 : vector<16xf32> to vector<16xf32>
          %add3A_781 = arith.constant 5120 : i32
          %add3A_782 = arith.addi %add3A_781, %add3A_777 : i32
          %get3A_783 = arith.index_cast %add3A_782 : i32 to index
          %get3A_784 = tpu.vector_load %arg7[%get3A_783] {strides = array<i32>} : memref<25600xf32, #tpu.memory_space<vmem>>, vector<16xf32>,
          %get3A_785 = vector.shape_cast %get3A_784 : vector<16xf32> to vector<16xf32>
          %add3A_786 = arith.constant 10240 : i32
          %add3A_787 = arith.addi %add3A_786, %add3A_777 : i32
          %get3A_788 = arith.index_cast %add3A_787 : i32 to index
          %get3A_789 = tpu.vector_load %arg7[%get3A_788] {strides = array<i32>} : memref<25600xf32, #tpu.memory_space<vmem>>, vector<16xf32>,
          %get3A_790 = vector.shape_cast %get3A_789 : vector<16xf32> to vector<16xf32>
          %add3A_791 = arith.constant 15360 : i32
          %add3A_792 = arith.addi %add3A_791, %add3A_777 : i32
          %get3A_793 = arith.index_cast %add3A_792 : i32 to index
          %get3A_794 = tpu.vector_load %arg7[%get3A_793] {strides = array<i32>} : memref<25600xf32, #tpu.memory_space<vmem>>, vector<16xf32>,
          %get3A_795 = vector.shape_cast %get3A_794 : vector<16xf32> to vector<16xf32>
          %add3A_796 = arith.constant 20480 : i32
          %add3A_797 = arith.addi %add3A_796, %add3A_777 : i32
          %get3A_798 = arith.index_cast %add3A_797 : i32 to index
          %get3A_799 = tpu.vector_load %arg7[%get3A_798] {strides = array<i32>} : memref<25600xf32, #tpu.memory_space<vmem>>, vector<16xf32>,
          %get3A_800 = vector.shape_cast %get3A_799 : vector<16xf32> to vector<16xf32>
          %min3A_801 = arith.minimumf %broadcast_in_dim3A_138, %get3A_785 : vector<16xf32>
          %max3A_802 = arith.maximumf %broadcast_in_dim3A_137, %get3A_780 : vector<16xf32>
          %sub3A_803 = arith.subf %min3A_801, %max3A_802 : vector<16xf32>
          %max3A_804 = arith.constant 0.000000e+00 : f32
          %max3A_805 = vector.broadcast %max3A_804 : f32 to vector<16xf32>
          %max3A_806 = arith.maximumf %sub3A_803, %max3A_805 : vector<16xf32>
          %min3A_807 = arith.minimumf %broadcast_in_dim3A_140, %get3A_795 : vector<16xf32>
          %max3A_808 = arith.maximumf %broadcast_in_dim3A_139, %get3A_790 : vector<16xf32>
          %sub3A_809 = arith.subf %min3A_807, %max3A_808 : vector<16xf32>
          %max3A_810 = arith.constant 0.000000e+00 : f32
          %max3A_811 = vector.broadcast %max3A_810 : f32 to vector<16xf32>
          %max3A_812 = arith.maximumf %sub3A_809, %max3A_811 : vector<16xf32>
          %mul3A_813 = arith.mulf %max3A_806, %max3A_812 : vector<16xf32>
          %add3A_814 = arith.addf %broadcast_in_dim3A_141, %get3A_800 : vector<16xf32>
          %sub3A_815 = arith.subf %add3A_814, %mul3A_813 : vector<16xf32>
          %add3A_816 = arith.constant 1.000000e-07 : f32
          %add3A_817 = vector.broadcast %add3A_816 : f32 to vector<16xf32>
          %add3A_818 = arith.addf %sub3A_815, %add3A_817 : vector<16xf32>
          %div3A_819 = arith.divf %mul3A_813, %add3A_818 : vector<16xf32>
          %gt3A_820 = arith.constant 5.000000e-01 : f32
          %gt3A_821 = vector.broadcast %gt3A_820 : f32 to vector<16xf32>
          %gt3A_822 = arith.cmpf ogt, %div3A_819, %gt3A_821 : vector<16xf32>
          %sub3A_823 = arith.subf %add3A_771, %div3A_819 : vector<16xf32>
          %select_n3A_824 = arith.select %gt3A_822, %sub3A_823, %broadcast_in_dim3A_9 : vector<16xi1>, vector<16xf32>
          %min3A_825 = arith.minimumf %min3A_768, %select_n3A_824 : vector<16xf32>
          %lt3A_826 = arith.constant 0 : i32
          %lt3A_827 = vector.broadcast %lt3A_826 : i32 to vector<16xi32>
          %lt3A_828 = arith.cmpi slt, %select_n3A_27, %lt3A_827 : vector<16xi32>
          %add3A_829 = arith.constant 16 : i32
          %add3A_830 = vector.broadcast %add3A_829 : i32 to vector<16xi32>
          %add3A_831 = arith.addi %select_n3A_27, %add3A_830 : vector<16xi32>
          %select_n3A_832 = arith.select %lt3A_828, %add3A_831, %select_n3A_27 : vector<16xi1>, vector<16xi32>
          %broadcast_in_dim3A_833 = vector.shape_cast %select_n3A_832 : vector<16xi32> to vector<16x1xi32>
          %gather3A = vector.shape_cast %broadcast_in_dim3A_833 : vector<16x1xi32> to vector<16xi32>
          %gather3A_834 = tpu.dynamic_gather %min3A_825[%gather3A] in [0] : vector<16xf32>, vector<16xi32> -> vector<16xf32>
          %min3A_835 = arith.minimumf %min3A_825, %gather3A_834 : vector<16xf32>
          %lt3A_836 = arith.constant 0 : i32
          %lt3A_837 = vector.broadcast %lt3A_836 : i32 to vector<16xi32>
          %lt3A_838 = arith.cmpi slt, %select_n3A_52, %lt3A_837 : vector<16xi32>
          %add3A_839 = arith.constant 16 : i32
          %add3A_840 = vector.broadcast %add3A_839 : i32 to vector<16xi32>
          %add3A_841 = arith.addi %select_n3A_52, %add3A_840 : vector<16xi32>
          %select_n3A_842 = arith.select %lt3A_838, %add3A_841, %select_n3A_52 : vector<16xi1>, vector<16xi32>
          %broadcast_in_dim3A_843 = vector.shape_cast %select_n3A_842 : vector<16xi32> to vector<16x1xi32>
          %gather3A_844 = vector.shape_cast %broadcast_in_dim3A_843 : vector<16x1xi32> to vector<16xi32>
          %gather3A_845 = tpu.dynamic_gather %min3A_835[%gather3A_844] in [0] : vector<16xf32>, vector<16xi32> -> vector<16xf32>
          %min3A_846 = arith.minimumf %min3A_835, %gather3A_845 : vector<16xf32>
          %lt3A_847 = arith.constant 0 : i32
          %lt3A_848 = vector.broadcast %lt3A_847 : i32 to vector<16xi32>
          %lt3A_849 = arith.cmpi slt, %select_n3A_77, %lt3A_848 : vector<16xi32>
          %add3A_850 = arith.constant 16 : i32
          %add3A_851 = vector.broadcast %add3A_850 : i32 to vector<16xi32>
          %add3A_852 = arith.addi %select_n3A_77, %add3A_851 : vector<16xi32>
          %select_n3A_853 = arith.select %lt3A_849, %add3A_852, %select_n3A_77 : vector<16xi1>, vector<16xi32>
          %broadcast_in_dim3A_854 = vector.shape_cast %select_n3A_853 : vector<16xi32> to vector<16x1xi32>
          %gather3A_855 = vector.shape_cast %broadcast_in_dim3A_854 : vector<16x1xi32> to vector<16xi32>
          %gather3A_856 = tpu.dynamic_gather %min3A_846[%gather3A_855] in [0] : vector<16xf32>, vector<16xi32> -> vector<16xf32>
          %min3A_857 = arith.minimumf %min3A_846, %gather3A_856 : vector<16xf32>
          %lt3A_858 = arith.constant 0 : i32
          %lt3A_859 = vector.broadcast %lt3A_858 : i32 to vector<16xi32>
          %lt3A_860 = arith.cmpi slt, %select_n3A_102, %lt3A_859 : vector<16xi32>
          %add3A_861 = arith.constant 16 : i32
          %add3A_862 = vector.broadcast %add3A_861 : i32 to vector<16xi32>
          %add3A_863 = arith.addi %select_n3A_102, %add3A_862 : vector<16xi32>
          %select_n3A_864 = arith.select %lt3A_860, %add3A_863, %select_n3A_102 : vector<16xi1>, vector<16xi32>
          %broadcast_in_dim3A_865 = vector.shape_cast %select_n3A_864 : vector<16xi32> to vector<16x1xi32>
          %gather3A_866 = vector.shape_cast %broadcast_in_dim3A_865 : vector<16x1xi32> to vector<16xi32>
          %gather3A_867 = tpu.dynamic_gather %min3A_857[%gather3A_866] in [0] : vector<16xf32>, vector<16xi32> -> vector<16xf32>
          %min3A_868 = arith.minimumf %min3A_857, %gather3A_867 : vector<16xf32>
          %slice3A_869 = vector.extract_strided_slice %min3A_868 {offsets = [0], sizes = [1], strides = [1]} : vector<16xf32> to vector<1xf32>
          %squeeze3A_870 = vector.extract %slice3A_869[0] : f32 from vector<1xf32>
          %swap3A_871 = arith.constant 0 : i32
          %swap3A_872 = arith.index_cast %swap3A_871 : i32 to index
          %swap3A_873 = memref.load %arg9[%swap3A_872] : memref<1xf32, #tpu.memory_space<smem>>
          memref.store %squeeze3A_870, %arg9[%swap3A_872] : memref<1xf32, #tpu.memory_space<smem>>
        } else {
        }
      }
      %scan3A_260 = arith.constant 8 : i32
      %get3A_261 = arith.constant 0 : i32
      %get3A_262 = arith.index_cast %get3A_261 : i32 to index
      %get3A_263 = memref.load %arg9[%get3A_262] : memref<1xf32, #tpu.memory_space<smem>>
      %lt3A_264 = arith.constant 1.000000e+08 : f32
      %lt3A_265 = arith.cmpf olt, %get3A_263, %lt3A_264 : f32
      %gt3A_266 = arith.constant 0.000000e+00 : f32
      %gt3A_267 = arith.cmpf ogt, %get3A_263, %gt3A_266 : f32
      %and3A_268 = arith.andi %lt3A_265, %gt3A_267 : i1
      %sub3A_269 = arith.constant 1.000000e+00 : f32
      %sub3A_270 = arith.subf %get3A_263, %sub3A_269 : f32
      %mul3A_271 = arith.constant 5.000000e-01 : f32
      %mul3A_272 = arith.mulf %sub3A_270, %mul3A_271 : f32
      %convert_element_type3A_273 = arith.fptosi %mul3A_272 : f32 to i32
      %mul3A_274 = arith.constant 2 : i32
      %mul3A_275 = arith.muli %convert_element_type3A_273, %mul3A_274 : i32
      %add3A_276 = arith.constant 2 : i32
      %add3A_277 = arith.addi %mul3A_275, %add3A_276 : i32
      %convert_element_type3A_278 = arith.sitofp %add3A_277 : i32 to f32
      %sub3A_279 = arith.subf %convert_element_type3A_278, %get3A_263 : f32
      %jit3A_280 = arith.constant 0.000000e+00 : f32
      %select_n3A_281 = arith.select %and3A_268, %sub3A_279, %jit3A_280 : f32
      %add3A_282 = arith.addf %add3A_247, %select_n3A_281 : f32
      %jit3A_283 = arith.constant 1.000000e+00 : f32
      %jit3A_284 = arith.constant 0.000000e+00 : f32
      %select_n3A_285 = arith.select %and3A_268, %jit3A_283, %jit3A_284 : f32
      %add3A_286 = arith.addf %add3A_251, %select_n3A_285 : f32
      %swap3A_287 = arith.constant 0 : i32
      %swap3A_288 = arith.index_cast %swap3A_287 : i32 to index
      %swap3A_289 = memref.load %arg9[%swap3A_288] : memref<1xf32, #tpu.memory_space<smem>>
      memref.store %select_n3A_145, %arg9[%swap3A_288] : memref<1xf32, #tpu.memory_space<smem>>
      %scan3A_290 = arith.constant 0 : i32
      %scan3A_291 = arith.constant 0 : i32
      %scan3A_292 = arith.constant 8 : i32
      %scan3A_293 = arith.addi %scan3A_291, %scan3A_292 : i32
      %scan3A_294 = arith.constant 1 : i32
      scf.for %scan3A_358 = %scan3A_291 to %scan3A_293 step %scan3A_294  : i32 {
        %get3A_359 = arith.constant 0 : i32
        %get3A_360 = arith.index_cast %get3A_359 : i32 to index
        %get3A_361 = memref.load %arg9[%get3A_360] : memref<1xf32, #tpu.memory_space<smem>>
        %gt3A_362 = arith.constant 1.000000e+08 : f32
        %gt3A_363 = arith.cmpf ogt, %get3A_361, %gt3A_362 : f32
        %convert_element_type3A_364 = arith.extui %gt3A_363 : i1 to i32
        %cond3A_365 = arith.constant 0 : i32
        %cond3A_366 = arith.cmpi ne, %convert_element_type3A_364, %cond3A_365 : i32
        scf.if %cond3A_366 {
          %mul3A_367 = arith.constant 8 : i32
          %mul3A_368 = arith.muli %scan3A_358, %mul3A_367 : i32
          %mul3A_369 = arith.constant 32 : i32
          %mul3A_370 = arith.muli %mul3A_368, %mul3A_369 : i32
          %add3A_371 = arith.constant 2 : i32
          %add3A_372 = arith.addi %mul3A_370, %add3A_371 : i32
          %convert_element_type3A_373 = arith.sitofp %add3A_372 : i32 to f32
          %broadcast_in_dim3A_374 = vector.broadcast %convert_element_type3A_373 : f32 to vector<16xf32>
          %add3A_375 = arith.addf %broadcast_in_dim3A_374, %mul3A_8 : vector<16xf32>
          %add3A_376 = arith.constant 0 : i32
          %add3A_377 = arith.addi %mul3A_368, %add3A_376 : i32
          %mul3A_378 = arith.constant 16 : i32
          %mul3A_379 = arith.muli %add3A_377, %mul3A_378 : i32
          %add3A_380 = arith.constant 4096 : i32
          %add3A_381 = arith.addi %add3A_380, %mul3A_379 : i32
          %get3A_382 = arith.index_cast %add3A_381 : i32 to index
          %get3A_383 = tpu.vector_load %arg7[%get3A_382] {strides = array<i32>} : memref<25600xf32, #tpu.memory_space<vmem>>, vector<16xf32>,
          %get3A_384 = vector.shape_cast %get3A_383 : vector<16xf32> to vector<16xf32>
          %add3A_385 = arith.constant 5120 : i32
          %add3A_386 = arith.addi %add3A_385, %add3A_381 : i32
          %get3A_387 = arith.index_cast %add3A_386 : i32 to index
          %get3A_388 = tpu.vector_load %arg7[%get3A_387] {strides = array<i32>} : memref<25600xf32, #tpu.memory_space<vmem>>, vector<16xf32>,
          %get3A_389 = vector.shape_cast %get3A_388 : vector<16xf32> to vector<16xf32>
          %add3A_390 = arith.constant 10240 : i32
          %add3A_391 = arith.addi %add3A_390, %add3A_381 : i32
          %get3A_392 = arith.index_cast %add3A_391 : i32 to index
          %get3A_393 = tpu.vector_load %arg7[%get3A_392] {strides = array<i32>} : memref<25600xf32, #tpu.memory_space<vmem>>, vector<16xf32>,
          %get3A_394 = vector.shape_cast %get3A_393 : vector<16xf32> to vector<16xf32>
          %add3A_395 = arith.constant 15360 : i32
          %add3A_396 = arith.addi %add3A_395, %add3A_381 : i32
          %get3A_397 = arith.index_cast %add3A_396 : i32 to index
          %get3A_398 = tpu.vector_load %arg7[%get3A_397] {strides = array<i32>} : memref<25600xf32, #tpu.memory_space<vmem>>, vector<16xf32>,
          %get3A_399 = vector.shape_cast %get3A_398 : vector<16xf32> to vector<16xf32>
          %add3A_400 = arith.constant 20480 : i32
          %add3A_401 = arith.addi %add3A_400, %add3A_381 : i32
          %get3A_402 = arith.index_cast %add3A_401 : i32 to index
          %get3A_403 = tpu.vector_load %arg7[%get3A_402] {strides = array<i32>} : memref<25600xf32, #tpu.memory_space<vmem>>, vector<16xf32>,
          %get3A_404 = vector.shape_cast %get3A_403 : vector<16xf32> to vector<16xf32>
          %min3A = arith.minimumf %broadcast_in_dim3A_138, %get3A_389 : vector<16xf32>
          %max3A = arith.maximumf %broadcast_in_dim3A_137, %get3A_384 : vector<16xf32>
          %sub3A_405 = arith.subf %min3A, %max3A : vector<16xf32>
          %max3A_406 = arith.constant 0.000000e+00 : f32
          %max3A_407 = vector.broadcast %max3A_406 : f32 to vector<16xf32>
          %max3A_408 = arith.maximumf %sub3A_405, %max3A_407 : vector<16xf32>
          %min3A_409 = arith.minimumf %broadcast_in_dim3A_140, %get3A_399 : vector<16xf32>
          %max3A_410 = arith.maximumf %broadcast_in_dim3A_139, %get3A_394 : vector<16xf32>
          %sub3A_411 = arith.subf %min3A_409, %max3A_410 : vector<16xf32>
          %max3A_412 = arith.constant 0.000000e+00 : f32
          %max3A_413 = vector.broadcast %max3A_412 : f32 to vector<16xf32>
          %max3A_414 = arith.maximumf %sub3A_411, %max3A_413 : vector<16xf32>
          %mul3A_415 = arith.mulf %max3A_408, %max3A_414 : vector<16xf32>
          %add3A_416 = arith.addf %broadcast_in_dim3A_141, %get3A_404 : vector<16xf32>
          %sub3A_417 = arith.subf %add3A_416, %mul3A_415 : vector<16xf32>
          %add3A_418 = arith.constant 1.000000e-07 : f32
          %add3A_419 = vector.broadcast %add3A_418 : f32 to vector<16xf32>
          %add3A_420 = arith.addf %sub3A_417, %add3A_419 : vector<16xf32>
          %div3A = arith.divf %mul3A_415, %add3A_420 : vector<16xf32>
          %gt3A_421 = arith.constant 5.000000e-01 : f32
          %gt3A_422 = vector.broadcast %gt3A_421 : f32 to vector<16xf32>
          %gt3A_423 = arith.cmpf ogt, %div3A, %gt3A_422 : vector<16xf32>
          %sub3A_424 = arith.subf %add3A_375, %div3A : vector<16xf32>
          %select_n3A_425 = arith.select %gt3A_423, %sub3A_424, %broadcast_in_dim3A_9 : vector<16xi1>, vector<16xf32>
          %min3A_426 = arith.minimumf %broadcast_in_dim3A_9, %select_n3A_425 : vector<16xf32>
          %add3A_427 = arith.constant 3.200000e+01 : f32
          %add3A_428 = vector.broadcast %add3A_427 : f32 to vector<16xf32>
          %add3A_429 = arith.addf %add3A_375, %add3A_428 : vector<16xf32>
          %add3A_430 = arith.constant 1 : i32
          %add3A_431 = arith.addi %mul3A_368, %add3A_430 : i32
          %mul3A_432 = arith.constant 16 : i32
          %mul3A_433 = arith.muli %add3A_431, %mul3A_432 : i32
          %add3A_434 = arith.constant 4096 : i32
          %add3A_435 = arith.addi %add3A_434, %mul3A_433 : i32
          %get3A_436 = arith.index_cast %add3A_435 : i32 to index
          %get3A_437 = tpu.vector_load %arg7[%get3A_436] {strides = array<i32>} : memref<25600xf32, #tpu.memory_space<vmem>>, vector<16xf32>,
          %get3A_438 = vector.shape_cast %get3A_437 : vector<16xf32> to vector<16xf32>
          %add3A_439 = arith.constant 5120 : i32
          %add3A_440 = arith.addi %add3A_439, %add3A_435 : i32
          %get3A_441 = arith.index_cast %add3A_440 : i32 to index
          %get3A_442 = tpu.vector_load %arg7[%get3A_441] {strides = array<i32>} : memref<25600xf32, #tpu.memory_space<vmem>>, vector<16xf32>,
          %get3A_443 = vector.shape_cast %get3A_442 : vector<16xf32> to vector<16xf32>
          %add3A_444 = arith.constant 10240 : i32
          %add3A_445 = arith.addi %add3A_444, %add3A_435 : i32
          %get3A_446 = arith.index_cast %add3A_445 : i32 to index
          %get3A_447 = tpu.vector_load %arg7[%get3A_446] {strides = array<i32>} : memref<25600xf32, #tpu.memory_space<vmem>>, vector<16xf32>,
          %get3A_448 = vector.shape_cast %get3A_447 : vector<16xf32> to vector<16xf32>
          %add3A_449 = arith.constant 15360 : i32
          %add3A_450 = arith.addi %add3A_449, %add3A_435 : i32
          %get3A_451 = arith.index_cast %add3A_450 : i32 to index
          %get3A_452 = tpu.vector_load %arg7[%get3A_451] {strides = array<i32>} : memref<25600xf32, #tpu.memory_space<vmem>>, vector<16xf32>,
          %get3A_453 = vector.shape_cast %get3A_452 : vector<16xf32> to vector<16xf32>
          %add3A_454 = arith.constant 20480 : i32
          %add3A_455 = arith.addi %add3A_454, %add3A_435 : i32
          %get3A_456 = arith.index_cast %add3A_455 : i32 to index
          %get3A_457 = tpu.vector_load %arg7[%get3A_456] {strides = array<i32>} : memref<25600xf32, #tpu.memory_space<vmem>>, vector<16xf32>,
          %get3A_458 = vector.shape_cast %get3A_457 : vector<16xf32> to vector<16xf32>
          %min3A_459 = arith.minimumf %broadcast_in_dim3A_138, %get3A_443 : vector<16xf32>
          %max3A_460 = arith.maximumf %broadcast_in_dim3A_137, %get3A_438 : vector<16xf32>
          %sub3A_461 = arith.subf %min3A_459, %max3A_460 : vector<16xf32>
          %max3A_462 = arith.constant 0.000000e+00 : f32
          %max3A_463 = vector.broadcast %max3A_462 : f32 to vector<16xf32>
          %max3A_464 = arith.maximumf %sub3A_461, %max3A_463 : vector<16xf32>
          %min3A_465 = arith.minimumf %broadcast_in_dim3A_140, %get3A_453 : vector<16xf32>
          %max3A_466 = arith.maximumf %broadcast_in_dim3A_139, %get3A_448 : vector<16xf32>
          %sub3A_467 = arith.subf %min3A_465, %max3A_466 : vector<16xf32>
          %max3A_468 = arith.constant 0.000000e+00 : f32
          %max3A_469 = vector.broadcast %max3A_468 : f32 to vector<16xf32>
          %max3A_470 = arith.maximumf %sub3A_467, %max3A_469 : vector<16xf32>
          %mul3A_471 = arith.mulf %max3A_464, %max3A_470 : vector<16xf32>
          %add3A_472 = arith.addf %broadcast_in_dim3A_141, %get3A_458 : vector<16xf32>
          %sub3A_473 = arith.subf %add3A_472, %mul3A_471 : vector<16xf32>
          %add3A_474 = arith.constant 1.000000e-07 : f32
          %add3A_475 = vector.broadcast %add3A_474 : f32 to vector<16xf32>
          %add3A_476 = arith.addf %sub3A_473, %add3A_475 : vector<16xf32>
          %div3A_477 = arith.divf %mul3A_471, %add3A_476 : vector<16xf32>
          %gt3A_478 = arith.constant 5.000000e-01 : f32
          %gt3A_479 = vector.broadcast %gt3A_478 : f32 to vector<16xf32>
          %gt3A_480 = arith.cmpf ogt, %div3A_477, %gt3A_479 : vector<16xf32>
          %sub3A_481 = arith.subf %add3A_429, %div3A_477 : vector<16xf32>
          %select_n3A_482 = arith.select %gt3A_480, %sub3A_481, %broadcast_in_dim3A_9 : vector<16xi1>, vector<16xf32>
          %min3A_483 = arith.minimumf %min3A_426, %select_n3A_482 : vector<16xf32>
          %add3A_484 = arith.constant 3.200000e+01 : f32
          %add3A_485 = vector.broadcast %add3A_484 : f32 to vector<16xf32>
          %add3A_486 = arith.addf %add3A_429, %add3A_485 : vector<16xf32>
          %add3A_487 = arith.constant 2 : i32
          %add3A_488 = arith.addi %mul3A_368, %add3A_487 : i32
          %mul3A_489 = arith.constant 16 : i32
          %mul3A_490 = arith.muli %add3A_488, %mul3A_489 : i32
          %add3A_491 = arith.constant 4096 : i32
          %add3A_492 = arith.addi %add3A_491, %mul3A_490 : i32
          %get3A_493 = arith.index_cast %add3A_492 : i32 to index
          %get3A_494 = tpu.vector_load %arg7[%get3A_493] {strides = array<i32>} : memref<25600xf32, #tpu.memory_space<vmem>>, vector<16xf32>,
          %get3A_495 = vector.shape_cast %get3A_494 : vector<16xf32> to vector<16xf32>
          %add3A_496 = arith.constant 5120 : i32
          %add3A_497 = arith.addi %add3A_496, %add3A_492 : i32
          %get3A_498 = arith.index_cast %add3A_497 : i32 to index
          %get3A_499 = tpu.vector_load %arg7[%get3A_498] {strides = array<i32>} : memref<25600xf32, #tpu.memory_space<vmem>>, vector<16xf32>,
          %get3A_500 = vector.shape_cast %get3A_499 : vector<16xf32> to vector<16xf32>
          %add3A_501 = arith.constant 10240 : i32
          %add3A_502 = arith.addi %add3A_501, %add3A_492 : i32
          %get3A_503 = arith.index_cast %add3A_502 : i32 to index
          %get3A_504 = tpu.vector_load %arg7[%get3A_503] {strides = array<i32>} : memref<25600xf32, #tpu.memory_space<vmem>>, vector<16xf32>,
          %get3A_505 = vector.shape_cast %get3A_504 : vector<16xf32> to vector<16xf32>
          %add3A_506 = arith.constant 15360 : i32
          %add3A_507 = arith.addi %add3A_506, %add3A_492 : i32
          %get3A_508 = arith.index_cast %add3A_507 : i32 to index
          %get3A_509 = tpu.vector_load %arg7[%get3A_508] {strides = array<i32>} : memref<25600xf32, #tpu.memory_space<vmem>>, vector<16xf32>,
          %get3A_510 = vector.shape_cast %get3A_509 : vector<16xf32> to vector<16xf32>
          %add3A_511 = arith.constant 20480 : i32
          %add3A_512 = arith.addi %add3A_511, %add3A_492 : i32
          %get3A_513 = arith.index_cast %add3A_512 : i32 to index
          %get3A_514 = tpu.vector_load %arg7[%get3A_513] {strides = array<i32>} : memref<25600xf32, #tpu.memory_space<vmem>>, vector<16xf32>,
          %get3A_515 = vector.shape_cast %get3A_514 : vector<16xf32> to vector<16xf32>
          %min3A_516 = arith.minimumf %broadcast_in_dim3A_138, %get3A_500 : vector<16xf32>
          %max3A_517 = arith.maximumf %broadcast_in_dim3A_137, %get3A_495 : vector<16xf32>
          %sub3A_518 = arith.subf %min3A_516, %max3A_517 : vector<16xf32>
          %max3A_519 = arith.constant 0.000000e+00 : f32
          %max3A_520 = vector.broadcast %max3A_519 : f32 to vector<16xf32>
          %max3A_521 = arith.maximumf %sub3A_518, %max3A_520 : vector<16xf32>
          %min3A_522 = arith.minimumf %broadcast_in_dim3A_140, %get3A_510 : vector<16xf32>
          %max3A_523 = arith.maximumf %broadcast_in_dim3A_139, %get3A_505 : vector<16xf32>
          %sub3A_524 = arith.subf %min3A_522, %max3A_523 : vector<16xf32>
          %max3A_525 = arith.constant 0.000000e+00 : f32
          %max3A_526 = vector.broadcast %max3A_525 : f32 to vector<16xf32>
          %max3A_527 = arith.maximumf %sub3A_524, %max3A_526 : vector<16xf32>
          %mul3A_528 = arith.mulf %max3A_521, %max3A_527 : vector<16xf32>
          %add3A_529 = arith.addf %broadcast_in_dim3A_141, %get3A_515 : vector<16xf32>
          %sub3A_530 = arith.subf %add3A_529, %mul3A_528 : vector<16xf32>
          %add3A_531 = arith.constant 1.000000e-07 : f32
          %add3A_532 = vector.broadcast %add3A_531 : f32 to vector<16xf32>
          %add3A_533 = arith.addf %sub3A_530, %add3A_532 : vector<16xf32>
          %div3A_534 = arith.divf %mul3A_528, %add3A_533 : vector<16xf32>
          %gt3A_535 = arith.constant 5.000000e-01 : f32
          %gt3A_536 = vector.broadcast %gt3A_535 : f32 to vector<16xf32>
          %gt3A_537 = arith.cmpf ogt, %div3A_534, %gt3A_536 : vector<16xf32>
          %sub3A_538 = arith.subf %add3A_486, %div3A_534 : vector<16xf32>
          %select_n3A_539 = arith.select %gt3A_537, %sub3A_538, %broadcast_in_dim3A_9 : vector<16xi1>, vector<16xf32>
          %min3A_540 = arith.minimumf %min3A_483, %select_n3A_539 : vector<16xf32>
          %add3A_541 = arith.constant 3.200000e+01 : f32
          %add3A_542 = vector.broadcast %add3A_541 : f32 to vector<16xf32>
          %add3A_543 = arith.addf %add3A_486, %add3A_542 : vector<16xf32>
          %add3A_544 = arith.constant 3 : i32
          %add3A_545 = arith.addi %mul3A_368, %add3A_544 : i32
          %mul3A_546 = arith.constant 16 : i32
          %mul3A_547 = arith.muli %add3A_545, %mul3A_546 : i32
          %add3A_548 = arith.constant 4096 : i32
          %add3A_549 = arith.addi %add3A_548, %mul3A_547 : i32
          %get3A_550 = arith.index_cast %add3A_549 : i32 to index
          %get3A_551 = tpu.vector_load %arg7[%get3A_550] {strides = array<i32>} : memref<25600xf32, #tpu.memory_space<vmem>>, vector<16xf32>,
          %get3A_552 = vector.shape_cast %get3A_551 : vector<16xf32> to vector<16xf32>
          %add3A_553 = arith.constant 5120 : i32
          %add3A_554 = arith.addi %add3A_553, %add3A_549 : i32
          %get3A_555 = arith.index_cast %add3A_554 : i32 to index
          %get3A_556 = tpu.vector_load %arg7[%get3A_555] {strides = array<i32>} : memref<25600xf32, #tpu.memory_space<vmem>>, vector<16xf32>,
          %get3A_557 = vector.shape_cast %get3A_556 : vector<16xf32> to vector<16xf32>
          %add3A_558 = arith.constant 10240 : i32
          %add3A_559 = arith.addi %add3A_558, %add3A_549 : i32
          %get3A_560 = arith.index_cast %add3A_559 : i32 to index
          %get3A_561 = tpu.vector_load %arg7[%get3A_560] {strides = array<i32>} : memref<25600xf32, #tpu.memory_space<vmem>>, vector<16xf32>,
          %get3A_562 = vector.shape_cast %get3A_561 : vector<16xf32> to vector<16xf32>
          %add3A_563 = arith.constant 15360 : i32
          %add3A_564 = arith.addi %add3A_563, %add3A_549 : i32
          %get3A_565 = arith.index_cast %add3A_564 : i32 to index
          %get3A_566 = tpu.vector_load %arg7[%get3A_565] {strides = array<i32>} : memref<25600xf32, #tpu.memory_space<vmem>>, vector<16xf32>,
          %get3A_567 = vector.shape_cast %get3A_566 : vector<16xf32> to vector<16xf32>
          %add3A_568 = arith.constant 20480 : i32
          %add3A_569 = arith.addi %add3A_568, %add3A_549 : i32
          %get3A_570 = arith.index_cast %add3A_569 : i32 to index
          %get3A_571 = tpu.vector_load %arg7[%get3A_570] {strides = array<i32>} : memref<25600xf32, #tpu.memory_space<vmem>>, vector<16xf32>,
          %get3A_572 = vector.shape_cast %get3A_571 : vector<16xf32> to vector<16xf32>
          %min3A_573 = arith.minimumf %broadcast_in_dim3A_138, %get3A_557 : vector<16xf32>
          %max3A_574 = arith.maximumf %broadcast_in_dim3A_137, %get3A_552 : vector<16xf32>
          %sub3A_575 = arith.subf %min3A_573, %max3A_574 : vector<16xf32>
          %max3A_576 = arith.constant 0.000000e+00 : f32
          %max3A_577 = vector.broadcast %max3A_576 : f32 to vector<16xf32>
          %max3A_578 = arith.maximumf %sub3A_575, %max3A_577 : vector<16xf32>
          %min3A_579 = arith.minimumf %broadcast_in_dim3A_140, %get3A_567 : vector<16xf32>
          %max3A_580 = arith.maximumf %broadcast_in_dim3A_139, %get3A_562 : vector<16xf32>
          %sub3A_581 = arith.subf %min3A_579, %max3A_580 : vector<16xf32>
          %max3A_582 = arith.constant 0.000000e+00 : f32
          %max3A_583 = vector.broadcast %max3A_582 : f32 to vector<16xf32>
          %max3A_584 = arith.maximumf %sub3A_581, %max3A_583 : vector<16xf32>
          %mul3A_585 = arith.mulf %max3A_578, %max3A_584 : vector<16xf32>
          %add3A_586 = arith.addf %broadcast_in_dim3A_141, %get3A_572 : vector<16xf32>
          %sub3A_587 = arith.subf %add3A_586, %mul3A_585 : vector<16xf32>
          %add3A_588 = arith.constant 1.000000e-07 : f32
          %add3A_589 = vector.broadcast %add3A_588 : f32 to vector<16xf32>
          %add3A_590 = arith.addf %sub3A_587, %add3A_589 : vector<16xf32>
          %div3A_591 = arith.divf %mul3A_585, %add3A_590 : vector<16xf32>
          %gt3A_592 = arith.constant 5.000000e-01 : f32
          %gt3A_593 = vector.broadcast %gt3A_592 : f32 to vector<16xf32>
          %gt3A_594 = arith.cmpf ogt, %div3A_591, %gt3A_593 : vector<16xf32>
          %sub3A_595 = arith.subf %add3A_543, %div3A_591 : vector<16xf32>
          %select_n3A_596 = arith.select %gt3A_594, %sub3A_595, %broadcast_in_dim3A_9 : vector<16xi1>, vector<16xf32>
          %min3A_597 = arith.minimumf %min3A_540, %select_n3A_596 : vector<16xf32>
          %add3A_598 = arith.constant 3.200000e+01 : f32
          %add3A_599 = vector.broadcast %add3A_598 : f32 to vector<16xf32>
          %add3A_600 = arith.addf %add3A_543, %add3A_599 : vector<16xf32>
          %add3A_601 = arith.constant 4 : i32
          %add3A_602 = arith.addi %mul3A_368, %add3A_601 : i32
          %mul3A_603 = arith.constant 16 : i32
          %mul3A_604 = arith.muli %add3A_602, %mul3A_603 : i32
          %add3A_605 = arith.constant 4096 : i32
          %add3A_606 = arith.addi %add3A_605, %mul3A_604 : i32
          %get3A_607 = arith.index_cast %add3A_606 : i32 to index
          %get3A_608 = tpu.vector_load %arg7[%get3A_607] {strides = array<i32>} : memref<25600xf32, #tpu.memory_space<vmem>>, vector<16xf32>,
          %get3A_609 = vector.shape_cast %get3A_608 : vector<16xf32> to vector<16xf32>
          %add3A_610 = arith.constant 5120 : i32
          %add3A_611 = arith.addi %add3A_610, %add3A_606 : i32
          %get3A_612 = arith.index_cast %add3A_611 : i32 to index
          %get3A_613 = tpu.vector_load %arg7[%get3A_612] {strides = array<i32>} : memref<25600xf32, #tpu.memory_space<vmem>>, vector<16xf32>,
          %get3A_614 = vector.shape_cast %get3A_613 : vector<16xf32> to vector<16xf32>
          %add3A_615 = arith.constant 10240 : i32
          %add3A_616 = arith.addi %add3A_615, %add3A_606 : i32
          %get3A_617 = arith.index_cast %add3A_616 : i32 to index
          %get3A_618 = tpu.vector_load %arg7[%get3A_617] {strides = array<i32>} : memref<25600xf32, #tpu.memory_space<vmem>>, vector<16xf32>,
          %get3A_619 = vector.shape_cast %get3A_618 : vector<16xf32> to vector<16xf32>
          %add3A_620 = arith.constant 15360 : i32
          %add3A_621 = arith.addi %add3A_620, %add3A_606 : i32
          %get3A_622 = arith.index_cast %add3A_621 : i32 to index
          %get3A_623 = tpu.vector_load %arg7[%get3A_622] {strides = array<i32>} : memref<25600xf32, #tpu.memory_space<vmem>>, vector<16xf32>,
          %get3A_624 = vector.shape_cast %get3A_623 : vector<16xf32> to vector<16xf32>
          %add3A_625 = arith.constant 20480 : i32
          %add3A_626 = arith.addi %add3A_625, %add3A_606 : i32
          %get3A_627 = arith.index_cast %add3A_626 : i32 to index
          %get3A_628 = tpu.vector_load %arg7[%get3A_627] {strides = array<i32>} : memref<25600xf32, #tpu.memory_space<vmem>>, vector<16xf32>,
          %get3A_629 = vector.shape_cast %get3A_628 : vector<16xf32> to vector<16xf32>
          %min3A_630 = arith.minimumf %broadcast_in_dim3A_138, %get3A_614 : vector<16xf32>
          %max3A_631 = arith.maximumf %broadcast_in_dim3A_137, %get3A_609 : vector<16xf32>
          %sub3A_632 = arith.subf %min3A_630, %max3A_631 : vector<16xf32>
          %max3A_633 = arith.constant 0.000000e+00 : f32
          %max3A_634 = vector.broadcast %max3A_633 : f32 to vector<16xf32>
          %max3A_635 = arith.maximumf %sub3A_632, %max3A_634 : vector<16xf32>
          %min3A_636 = arith.minimumf %broadcast_in_dim3A_140, %get3A_624 : vector<16xf32>
          %max3A_637 = arith.maximumf %broadcast_in_dim3A_139, %get3A_619 : vector<16xf32>
          %sub3A_638 = arith.subf %min3A_636, %max3A_637 : vector<16xf32>
          %max3A_639 = arith.constant 0.000000e+00 : f32
          %max3A_640 = vector.broadcast %max3A_639 : f32 to vector<16xf32>
          %max3A_641 = arith.maximumf %sub3A_638, %max3A_640 : vector<16xf32>
          %mul3A_642 = arith.mulf %max3A_635, %max3A_641 : vector<16xf32>
          %add3A_643 = arith.addf %broadcast_in_dim3A_141, %get3A_629 : vector<16xf32>
          %sub3A_644 = arith.subf %add3A_643, %mul3A_642 : vector<16xf32>
          %add3A_645 = arith.constant 1.000000e-07 : f32
          %add3A_646 = vector.broadcast %add3A_645 : f32 to vector<16xf32>
          %add3A_647 = arith.addf %sub3A_644, %add3A_646 : vector<16xf32>
          %div3A_648 = arith.divf %mul3A_642, %add3A_647 : vector<16xf32>
          %gt3A_649 = arith.constant 5.000000e-01 : f32
          %gt3A_650 = vector.broadcast %gt3A_649 : f32 to vector<16xf32>
          %gt3A_651 = arith.cmpf ogt, %div3A_648, %gt3A_650 : vector<16xf32>
          %sub3A_652 = arith.subf %add3A_600, %div3A_648 : vector<16xf32>
          %select_n3A_653 = arith.select %gt3A_651, %sub3A_652, %broadcast_in_dim3A_9 : vector<16xi1>, vector<16xf32>
          %min3A_654 = arith.minimumf %min3A_597, %select_n3A_653 : vector<16xf32>
          %add3A_655 = arith.constant 3.200000e+01 : f32
          %add3A_656 = vector.broadcast %add3A_655 : f32 to vector<16xf32>
          %add3A_657 = arith.addf %add3A_600, %add3A_656 : vector<16xf32>
          %add3A_658 = arith.constant 5 : i32
          %add3A_659 = arith.addi %mul3A_368, %add3A_658 : i32
          %mul3A_660 = arith.constant 16 : i32
          %mul3A_661 = arith.muli %add3A_659, %mul3A_660 : i32
          %add3A_662 = arith.constant 4096 : i32
          %add3A_663 = arith.addi %add3A_662, %mul3A_661 : i32
          %get3A_664 = arith.index_cast %add3A_663 : i32 to index
          %get3A_665 = tpu.vector_load %arg7[%get3A_664] {strides = array<i32>} : memref<25600xf32, #tpu.memory_space<vmem>>, vector<16xf32>,
          %get3A_666 = vector.shape_cast %get3A_665 : vector<16xf32> to vector<16xf32>
          %add3A_667 = arith.constant 5120 : i32
          %add3A_668 = arith.addi %add3A_667, %add3A_663 : i32
          %get3A_669 = arith.index_cast %add3A_668 : i32 to index
          %get3A_670 = tpu.vector_load %arg7[%get3A_669] {strides = array<i32>} : memref<25600xf32, #tpu.memory_space<vmem>>, vector<16xf32>,
          %get3A_671 = vector.shape_cast %get3A_670 : vector<16xf32> to vector<16xf32>
          %add3A_672 = arith.constant 10240 : i32
          %add3A_673 = arith.addi %add3A_672, %add3A_663 : i32
          %get3A_674 = arith.index_cast %add3A_673 : i32 to index
          %get3A_675 = tpu.vector_load %arg7[%get3A_674] {strides = array<i32>} : memref<25600xf32, #tpu.memory_space<vmem>>, vector<16xf32>,
          %get3A_676 = vector.shape_cast %get3A_675 : vector<16xf32> to vector<16xf32>
          %add3A_677 = arith.constant 15360 : i32
          %add3A_678 = arith.addi %add3A_677, %add3A_663 : i32
          %get3A_679 = arith.index_cast %add3A_678 : i32 to index
          %get3A_680 = tpu.vector_load %arg7[%get3A_679] {strides = array<i32>} : memref<25600xf32, #tpu.memory_space<vmem>>, vector<16xf32>,
          %get3A_681 = vector.shape_cast %get3A_680 : vector<16xf32> to vector<16xf32>
          %add3A_682 = arith.constant 20480 : i32
          %add3A_683 = arith.addi %add3A_682, %add3A_663 : i32
          %get3A_684 = arith.index_cast %add3A_683 : i32 to index
          %get3A_685 = tpu.vector_load %arg7[%get3A_684] {strides = array<i32>} : memref<25600xf32, #tpu.memory_space<vmem>>, vector<16xf32>,
          %get3A_686 = vector.shape_cast %get3A_685 : vector<16xf32> to vector<16xf32>
          %min3A_687 = arith.minimumf %broadcast_in_dim3A_138, %get3A_671 : vector<16xf32>
          %max3A_688 = arith.maximumf %broadcast_in_dim3A_137, %get3A_666 : vector<16xf32>
          %sub3A_689 = arith.subf %min3A_687, %max3A_688 : vector<16xf32>
          %max3A_690 = arith.constant 0.000000e+00 : f32
          %max3A_691 = vector.broadcast %max3A_690 : f32 to vector<16xf32>
          %max3A_692 = arith.maximumf %sub3A_689, %max3A_691 : vector<16xf32>
          %min3A_693 = arith.minimumf %broadcast_in_dim3A_140, %get3A_681 : vector<16xf32>
          %max3A_694 = arith.maximumf %broadcast_in_dim3A_139, %get3A_676 : vector<16xf32>
          %sub3A_695 = arith.subf %min3A_693, %max3A_694 : vector<16xf32>
          %max3A_696 = arith.constant 0.000000e+00 : f32
          %max3A_697 = vector.broadcast %max3A_696 : f32 to vector<16xf32>
          %max3A_698 = arith.maximumf %sub3A_695, %max3A_697 : vector<16xf32>
          %mul3A_699 = arith.mulf %max3A_692, %max3A_698 : vector<16xf32>
          %add3A_700 = arith.addf %broadcast_in_dim3A_141, %get3A_686 : vector<16xf32>
          %sub3A_701 = arith.subf %add3A_700, %mul3A_699 : vector<16xf32>
          %add3A_702 = arith.constant 1.000000e-07 : f32
          %add3A_703 = vector.broadcast %add3A_702 : f32 to vector<16xf32>
          %add3A_704 = arith.addf %sub3A_701, %add3A_703 : vector<16xf32>
          %div3A_705 = arith.divf %mul3A_699, %add3A_704 : vector<16xf32>
          %gt3A_706 = arith.constant 5.000000e-01 : f32
          %gt3A_707 = vector.broadcast %gt3A_706 : f32 to vector<16xf32>
          %gt3A_708 = arith.cmpf ogt, %div3A_705, %gt3A_707 : vector<16xf32>
          %sub3A_709 = arith.subf %add3A_657, %div3A_705 : vector<16xf32>
          %select_n3A_710 = arith.select %gt3A_708, %sub3A_709, %broadcast_in_dim3A_9 : vector<16xi1>, vector<16xf32>
          %min3A_711 = arith.minimumf %min3A_654, %select_n3A_710 : vector<16xf32>
          %add3A_712 = arith.constant 3.200000e+01 : f32
          %add3A_713 = vector.broadcast %add3A_712 : f32 to vector<16xf32>
          %add3A_714 = arith.addf %add3A_657, %add3A_713 : vector<16xf32>
          %add3A_715 = arith.constant 6 : i32
          %add3A_716 = arith.addi %mul3A_368, %add3A_715 : i32
          %mul3A_717 = arith.constant 16 : i32
          %mul3A_718 = arith.muli %add3A_716, %mul3A_717 : i32
          %add3A_719 = arith.constant 4096 : i32
          %add3A_720 = arith.addi %add3A_719, %mul3A_718 : i32
          %get3A_721 = arith.index_cast %add3A_720 : i32 to index
          %get3A_722 = tpu.vector_load %arg7[%get3A_721] {strides = array<i32>} : memref<25600xf32, #tpu.memory_space<vmem>>, vector<16xf32>,
          %get3A_723 = vector.shape_cast %get3A_722 : vector<16xf32> to vector<16xf32>
          %add3A_724 = arith.constant 5120 : i32
          %add3A_725 = arith.addi %add3A_724, %add3A_720 : i32
          %get3A_726 = arith.index_cast %add3A_725 : i32 to index
          %get3A_727 = tpu.vector_load %arg7[%get3A_726] {strides = array<i32>} : memref<25600xf32, #tpu.memory_space<vmem>>, vector<16xf32>,
          %get3A_728 = vector.shape_cast %get3A_727 : vector<16xf32> to vector<16xf32>
          %add3A_729 = arith.constant 10240 : i32
          %add3A_730 = arith.addi %add3A_729, %add3A_720 : i32
          %get3A_731 = arith.index_cast %add3A_730 : i32 to index
          %get3A_732 = tpu.vector_load %arg7[%get3A_731] {strides = array<i32>} : memref<25600xf32, #tpu.memory_space<vmem>>, vector<16xf32>,
          %get3A_733 = vector.shape_cast %get3A_732 : vector<16xf32> to vector<16xf32>
          %add3A_734 = arith.constant 15360 : i32
          %add3A_735 = arith.addi %add3A_734, %add3A_720 : i32
          %get3A_736 = arith.index_cast %add3A_735 : i32 to index
          %get3A_737 = tpu.vector_load %arg7[%get3A_736] {strides = array<i32>} : memref<25600xf32, #tpu.memory_space<vmem>>, vector<16xf32>,
          %get3A_738 = vector.shape_cast %get3A_737 : vector<16xf32> to vector<16xf32>
          %add3A_739 = arith.constant 20480 : i32
          %add3A_740 = arith.addi %add3A_739, %add3A_720 : i32
          %get3A_741 = arith.index_cast %add3A_740 : i32 to index
          %get3A_742 = tpu.vector_load %arg7[%get3A_741] {strides = array<i32>} : memref<25600xf32, #tpu.memory_space<vmem>>, vector<16xf32>,
          %get3A_743 = vector.shape_cast %get3A_742 : vector<16xf32> to vector<16xf32>
          %min3A_744 = arith.minimumf %broadcast_in_dim3A_138, %get3A_728 : vector<16xf32>
          %max3A_745 = arith.maximumf %broadcast_in_dim3A_137, %get3A_723 : vector<16xf32>
          %sub3A_746 = arith.subf %min3A_744, %max3A_745 : vector<16xf32>
          %max3A_747 = arith.constant 0.000000e+00 : f32
          %max3A_748 = vector.broadcast %max3A_747 : f32 to vector<16xf32>
          %max3A_749 = arith.maximumf %sub3A_746, %max3A_748 : vector<16xf32>
          %min3A_750 = arith.minimumf %broadcast_in_dim3A_140, %get3A_738 : vector<16xf32>
          %max3A_751 = arith.maximumf %broadcast_in_dim3A_139, %get3A_733 : vector<16xf32>
          %sub3A_752 = arith.subf %min3A_750, %max3A_751 : vector<16xf32>
          %max3A_753 = arith.constant 0.000000e+00 : f32
          %max3A_754 = vector.broadcast %max3A_753 : f32 to vector<16xf32>
          %max3A_755 = arith.maximumf %sub3A_752, %max3A_754 : vector<16xf32>
          %mul3A_756 = arith.mulf %max3A_749, %max3A_755 : vector<16xf32>
          %add3A_757 = arith.addf %broadcast_in_dim3A_141, %get3A_743 : vector<16xf32>
          %sub3A_758 = arith.subf %add3A_757, %mul3A_756 : vector<16xf32>
          %add3A_759 = arith.constant 1.000000e-07 : f32
          %add3A_760 = vector.broadcast %add3A_759 : f32 to vector<16xf32>
          %add3A_761 = arith.addf %sub3A_758, %add3A_760 : vector<16xf32>
          %div3A_762 = arith.divf %mul3A_756, %add3A_761 : vector<16xf32>
          %gt3A_763 = arith.constant 5.000000e-01 : f32
          %gt3A_764 = vector.broadcast %gt3A_763 : f32 to vector<16xf32>
          %gt3A_765 = arith.cmpf ogt, %div3A_762, %gt3A_764 : vector<16xf32>
          %sub3A_766 = arith.subf %add3A_714, %div3A_762 : vector<16xf32>
          %select_n3A_767 = arith.select %gt3A_765, %sub3A_766, %broadcast_in_dim3A_9 : vector<16xi1>, vector<16xf32>
          %min3A_768 = arith.minimumf %min3A_711, %select_n3A_767 : vector<16xf32>
          %add3A_769 = arith.constant 3.200000e+01 : f32
          %add3A_770 = vector.broadcast %add3A_769 : f32 to vector<16xf32>
          %add3A_771 = arith.addf %add3A_714, %add3A_770 : vector<16xf32>
          %add3A_772 = arith.constant 7 : i32
          %add3A_773 = arith.addi %mul3A_368, %add3A_772 : i32
          %mul3A_774 = arith.constant 16 : i32
          %mul3A_775 = arith.muli %add3A_773, %mul3A_774 : i32
          %add3A_776 = arith.constant 4096 : i32
          %add3A_777 = arith.addi %add3A_776, %mul3A_775 : i32
          %get3A_778 = arith.index_cast %add3A_777 : i32 to index
          %get3A_779 = tpu.vector_load %arg7[%get3A_778] {strides = array<i32>} : memref<25600xf32, #tpu.memory_space<vmem>>, vector<16xf32>,
          %get3A_780 = vector.shape_cast %get3A_779 : vector<16xf32> to vector<16xf32>
          %add3A_781 = arith.constant 5120 : i32
          %add3A_782 = arith.addi %add3A_781, %add3A_777 : i32
          %get3A_783 = arith.index_cast %add3A_782 : i32 to index
          %get3A_784 = tpu.vector_load %arg7[%get3A_783] {strides = array<i32>} : memref<25600xf32, #tpu.memory_space<vmem>>, vector<16xf32>,
          %get3A_785 = vector.shape_cast %get3A_784 : vector<16xf32> to vector<16xf32>
          %add3A_786 = arith.constant 10240 : i32
          %add3A_787 = arith.addi %add3A_786, %add3A_777 : i32
          %get3A_788 = arith.index_cast %add3A_787 : i32 to index
          %get3A_789 = tpu.vector_load %arg7[%get3A_788] {strides = array<i32>} : memref<25600xf32, #tpu.memory_space<vmem>>, vector<16xf32>,
          %get3A_790 = vector.shape_cast %get3A_789 : vector<16xf32> to vector<16xf32>
          %add3A_791 = arith.constant 15360 : i32
          %add3A_792 = arith.addi %add3A_791, %add3A_777 : i32
          %get3A_793 = arith.index_cast %add3A_792 : i32 to index
          %get3A_794 = tpu.vector_load %arg7[%get3A_793] {strides = array<i32>} : memref<25600xf32, #tpu.memory_space<vmem>>, vector<16xf32>,
          %get3A_795 = vector.shape_cast %get3A_794 : vector<16xf32> to vector<16xf32>
          %add3A_796 = arith.constant 20480 : i32
          %add3A_797 = arith.addi %add3A_796, %add3A_777 : i32
          %get3A_798 = arith.index_cast %add3A_797 : i32 to index
          %get3A_799 = tpu.vector_load %arg7[%get3A_798] {strides = array<i32>} : memref<25600xf32, #tpu.memory_space<vmem>>, vector<16xf32>,
          %get3A_800 = vector.shape_cast %get3A_799 : vector<16xf32> to vector<16xf32>
          %min3A_801 = arith.minimumf %broadcast_in_dim3A_138, %get3A_785 : vector<16xf32>
          %max3A_802 = arith.maximumf %broadcast_in_dim3A_137, %get3A_780 : vector<16xf32>
          %sub3A_803 = arith.subf %min3A_801, %max3A_802 : vector<16xf32>
          %max3A_804 = arith.constant 0.000000e+00 : f32
          %max3A_805 = vector.broadcast %max3A_804 : f32 to vector<16xf32>
          %max3A_806 = arith.maximumf %sub3A_803, %max3A_805 : vector<16xf32>
          %min3A_807 = arith.minimumf %broadcast_in_dim3A_140, %get3A_795 : vector<16xf32>
          %max3A_808 = arith.maximumf %broadcast_in_dim3A_139, %get3A_790 : vector<16xf32>
          %sub3A_809 = arith.subf %min3A_807, %max3A_808 : vector<16xf32>
          %max3A_810 = arith.constant 0.000000e+00 : f32
          %max3A_811 = vector.broadcast %max3A_810 : f32 to vector<16xf32>
          %max3A_812 = arith.maximumf %sub3A_809, %max3A_811 : vector<16xf32>
          %mul3A_813 = arith.mulf %max3A_806, %max3A_812 : vector<16xf32>
          %add3A_814 = arith.addf %broadcast_in_dim3A_141, %get3A_800 : vector<16xf32>
          %sub3A_815 = arith.subf %add3A_814, %mul3A_813 : vector<16xf32>
          %add3A_816 = arith.constant 1.000000e-07 : f32
          %add3A_817 = vector.broadcast %add3A_816 : f32 to vector<16xf32>
          %add3A_818 = arith.addf %sub3A_815, %add3A_817 : vector<16xf32>
          %div3A_819 = arith.divf %mul3A_813, %add3A_818 : vector<16xf32>
          %gt3A_820 = arith.constant 5.000000e-01 : f32
          %gt3A_821 = vector.broadcast %gt3A_820 : f32 to vector<16xf32>
          %gt3A_822 = arith.cmpf ogt, %div3A_819, %gt3A_821 : vector<16xf32>
          %sub3A_823 = arith.subf %add3A_771, %div3A_819 : vector<16xf32>
          %select_n3A_824 = arith.select %gt3A_822, %sub3A_823, %broadcast_in_dim3A_9 : vector<16xi1>, vector<16xf32>
          %min3A_825 = arith.minimumf %min3A_768, %select_n3A_824 : vector<16xf32>
          %lt3A_826 = arith.constant 0 : i32
          %lt3A_827 = vector.broadcast %lt3A_826 : i32 to vector<16xi32>
          %lt3A_828 = arith.cmpi slt, %select_n3A_27, %lt3A_827 : vector<16xi32>
          %add3A_829 = arith.constant 16 : i32
          %add3A_830 = vector.broadcast %add3A_829 : i32 to vector<16xi32>
          %add3A_831 = arith.addi %select_n3A_27, %add3A_830 : vector<16xi32>
          %select_n3A_832 = arith.select %lt3A_828, %add3A_831, %select_n3A_27 : vector<16xi1>, vector<16xi32>
          %broadcast_in_dim3A_833 = vector.shape_cast %select_n3A_832 : vector<16xi32> to vector<16x1xi32>
          %gather3A = vector.shape_cast %broadcast_in_dim3A_833 : vector<16x1xi32> to vector<16xi32>
          %gather3A_834 = tpu.dynamic_gather %min3A_825[%gather3A] in [0] : vector<16xf32>, vector<16xi32> -> vector<16xf32>
          %min3A_835 = arith.minimumf %min3A_825, %gather3A_834 : vector<16xf32>
          %lt3A_836 = arith.constant 0 : i32
          %lt3A_837 = vector.broadcast %lt3A_836 : i32 to vector<16xi32>
          %lt3A_838 = arith.cmpi slt, %select_n3A_52, %lt3A_837 : vector<16xi32>
          %add3A_839 = arith.constant 16 : i32
          %add3A_840 = vector.broadcast %add3A_839 : i32 to vector<16xi32>
          %add3A_841 = arith.addi %select_n3A_52, %add3A_840 : vector<16xi32>
          %select_n3A_842 = arith.select %lt3A_838, %add3A_841, %select_n3A_52 : vector<16xi1>, vector<16xi32>
          %broadcast_in_dim3A_843 = vector.shape_cast %select_n3A_842 : vector<16xi32> to vector<16x1xi32>
          %gather3A_844 = vector.shape_cast %broadcast_in_dim3A_843 : vector<16x1xi32> to vector<16xi32>
          %gather3A_845 = tpu.dynamic_gather %min3A_835[%gather3A_844] in [0] : vector<16xf32>, vector<16xi32> -> vector<16xf32>
          %min3A_846 = arith.minimumf %min3A_835, %gather3A_845 : vector<16xf32>
          %lt3A_847 = arith.constant 0 : i32
          %lt3A_848 = vector.broadcast %lt3A_847 : i32 to vector<16xi32>
          %lt3A_849 = arith.cmpi slt, %select_n3A_77, %lt3A_848 : vector<16xi32>
          %add3A_850 = arith.constant 16 : i32
          %add3A_851 = vector.broadcast %add3A_850 : i32 to vector<16xi32>
          %add3A_852 = arith.addi %select_n3A_77, %add3A_851 : vector<16xi32>
          %select_n3A_853 = arith.select %lt3A_849, %add3A_852, %select_n3A_77 : vector<16xi1>, vector<16xi32>
          %broadcast_in_dim3A_854 = vector.shape_cast %select_n3A_853 : vector<16xi32> to vector<16x1xi32>
          %gather3A_855 = vector.shape_cast %broadcast_in_dim3A_854 : vector<16x1xi32> to vector<16xi32>
          %gather3A_856 = tpu.dynamic_gather %min3A_846[%gather3A_855] in [0] : vector<16xf32>, vector<16xi32> -> vector<16xf32>
          %min3A_857 = arith.minimumf %min3A_846, %gather3A_856 : vector<16xf32>
          %lt3A_858 = arith.constant 0 : i32
          %lt3A_859 = vector.broadcast %lt3A_858 : i32 to vector<16xi32>
          %lt3A_860 = arith.cmpi slt, %select_n3A_102, %lt3A_859 : vector<16xi32>
          %add3A_861 = arith.constant 16 : i32
          %add3A_862 = vector.broadcast %add3A_861 : i32 to vector<16xi32>
          %add3A_863 = arith.addi %select_n3A_102, %add3A_862 : vector<16xi32>
          %select_n3A_864 = arith.select %lt3A_860, %add3A_863, %select_n3A_102 : vector<16xi1>, vector<16xi32>
          %broadcast_in_dim3A_865 = vector.shape_cast %select_n3A_864 : vector<16xi32> to vector<16x1xi32>
          %gather3A_866 = vector.shape_cast %broadcast_in_dim3A_865 : vector<16x1xi32> to vector<16xi32>
          %gather3A_867 = tpu.dynamic_gather %min3A_857[%gather3A_866] in [0] : vector<16xf32>, vector<16xi32> -> vector<16xf32>
          %min3A_868 = arith.minimumf %min3A_857, %gather3A_867 : vector<16xf32>
          %slice3A_869 = vector.extract_strided_slice %min3A_868 {offsets = [0], sizes = [1], strides = [1]} : vector<16xf32> to vector<1xf32>
          %squeeze3A_870 = vector.extract %slice3A_869[0] : f32 from vector<1xf32>
          %swap3A_871 = arith.constant 0 : i32
          %swap3A_872 = arith.index_cast %swap3A_871 : i32 to index
          %swap3A_873 = memref.load %arg9[%swap3A_872] : memref<1xf32, #tpu.memory_space<smem>>
          memref.store %squeeze3A_870, %arg9[%swap3A_872] : memref<1xf32, #tpu.memory_space<smem>>
        } else {
        }
      }
      %scan3A_295 = arith.constant 8 : i32
      %get3A_296 = arith.constant 0 : i32
      %get3A_297 = arith.index_cast %get3A_296 : i32 to index
      %get3A_298 = memref.load %arg9[%get3A_297] : memref<1xf32, #tpu.memory_space<smem>>
      %lt3A_299 = arith.constant 1.000000e+08 : f32
      %lt3A_300 = arith.cmpf olt, %get3A_298, %lt3A_299 : f32
      %gt3A_301 = arith.constant 0.000000e+00 : f32
      %gt3A_302 = arith.cmpf ogt, %get3A_298, %gt3A_301 : f32
      %and3A_303 = arith.andi %lt3A_300, %gt3A_302 : i1
      %sub3A_304 = arith.constant 1.000000e+00 : f32
      %sub3A_305 = arith.subf %get3A_298, %sub3A_304 : f32
      %mul3A_306 = arith.constant 5.000000e-01 : f32
      %mul3A_307 = arith.mulf %sub3A_305, %mul3A_306 : f32
      %convert_element_type3A_308 = arith.fptosi %mul3A_307 : f32 to i32
      %mul3A_309 = arith.constant 2 : i32
      %mul3A_310 = arith.muli %convert_element_type3A_308, %mul3A_309 : i32
      %add3A_311 = arith.constant 2 : i32
      %add3A_312 = arith.addi %mul3A_310, %add3A_311 : i32
      %convert_element_type3A_313 = arith.sitofp %add3A_312 : i32 to f32
      %sub3A_314 = arith.subf %convert_element_type3A_313, %get3A_298 : f32
      %jit3A_315 = arith.constant 0.000000e+00 : f32
      %select_n3A_316 = arith.select %and3A_303, %sub3A_314, %jit3A_315 : f32
      %add3A_317 = arith.addf %add3A_282, %select_n3A_316 : f32
      %jit3A_318 = arith.constant 1.000000e+00 : f32
      %jit3A_319 = arith.constant 0.000000e+00 : f32
      %select_n3A_320 = arith.select %and3A_303, %jit3A_318, %jit3A_319 : f32
      %add3A_321 = arith.addf %add3A_286, %select_n3A_320 : f32
      %lt3A_322 = arith.constant 1.500000e+00 : f32
      %lt3A_323 = arith.cmpf olt, %add3A_321, %lt3A_322 : f32
      %lt3A_324 = arith.constant 2.500000e+00 : f32
      %lt3A_325 = arith.cmpf olt, %add3A_321, %lt3A_324 : f32
      %lt3A_326 = arith.constant 3.500000e+00 : f32
      %lt3A_327 = arith.cmpf olt, %add3A_321, %lt3A_326 : f32
      %lt3A_328 = arith.constant 4.500000e+00 : f32
      %lt3A_329 = arith.cmpf olt, %add3A_321, %lt3A_328 : f32
      %jit3A_330 = arith.constant 2.500000e-01 : f32
      %jit3A_331 = arith.constant 2.000000e-01 : f32
      %select_n3A_332 = arith.select %lt3A_329, %jit3A_330, %jit3A_331 : f32
      %jit3A_333 = arith.constant 0.333333343 : f32
      %select_n3A_334 = arith.select %lt3A_327, %jit3A_333, %select_n3A_332 : f32
      %jit3A_335 = arith.constant 5.000000e-01 : f32
      %select_n3A_336 = arith.select %lt3A_325, %jit3A_335, %select_n3A_334 : f32
      %jit3A_337 = arith.constant 1.000000e+00 : f32
      %select_n3A_338 = arith.select %lt3A_323, %jit3A_337, %select_n3A_336 : f32
      %gt3A_339 = arith.constant 0.000000e+00 : f32
      %gt3A_340 = arith.cmpf ogt, %add3A_321, %gt3A_339 : f32
      %mul3A_341 = arith.mulf %add3A_317, %select_n3A_338 : f32
      %jit3A_342 = arith.constant 0.000000e+00 : f32
      %select_n3A_343 = arith.select %gt3A_340, %mul3A_341, %jit3A_342 : f32
      %sub3A_344 = arith.constant 5.000000e-01 : f32
      %sub3A_345 = arith.subf %select_n3A_343, %sub3A_344 : f32
      %mul3A_346 = arith.constant 2.000000e+00 : f32
      %mul3A_347 = arith.mulf %sub3A_345, %mul3A_346 : f32
      %rem3A_348 = arith.constant 16 : i32
      %rem3A_349 = arith.remsi %scan3A_111, %rem3A_348 : i32
      %eq3A_350 = vector.broadcast %rem3A_349 : i32 to vector<16xi32>
      %eq3A_351 = arith.cmpi eq, %iota3A, %eq3A_350 : vector<16xi32>
      %broadcast_in_dim3A_352 = vector.broadcast %mul3A_347 : f32 to vector<16xf32>
      %select_n3A_353 = arith.select %eq3A_351, %broadcast_in_dim3A_352, %scan3A_112 : vector<16xi1>, vector<16xf32>
      %eq3A_354 = arith.constant 15 : i32
      %eq3A_355 = arith.cmpi eq, %rem3A_349, %eq3A_354 : i32
      %convert_element_type3A_356 = arith.extui %eq3A_355 : i1 to i32
      %cond3A = arith.constant 0 : i32
      %cond3A_357 = arith.cmpi ne, %convert_element_type3A_356, %cond3A : i32
      scf.if %cond3A_357 {
        %sub3A_358 = arith.constant 15 : i32
        %sub3A_359 = arith.subi %scan3A_111, %sub3A_358 : i32
        %swap3A_360 = arith.index_cast %sub3A_359 : i32 to index
        %swap3A_361 = tpu.vector_load %arg8[%swap3A_360] {strides = array<i32>} : memref<160xf32, #tpu.memory_space<vmem>>, vector<16xf32>,
        %swap3A_362 = vector.shape_cast %swap3A_361 : vector<16xf32> to vector<16xf32>
        %swap3A_363 = vector.shape_cast %select_n3A_353 : vector<16xf32> to vector<16xf32>
        tpu.vector_store %arg8[%swap3A_360], %swap3A_363 {strides = array<i32>} : memref<160xf32, #tpu.memory_space<vmem>>, vector<16xf32>,
      } else {
      }
      scf.yield %select_n3A_353 : vector<16xf32>
    }
    %scan3A_110 = arith.constant 160 : i32
    "tpu.region"() ({
      %run_scoped3A = tpu.sem_alloc : memref<!tpu.dma_semaphore, #tpu.memory_space<semaphore_mem>>
      %dma_start3A = arith.constant 0 : i32
      %dma_start3A_111 = tpu.memref_slice %arg4[%add3A, %dma_start3A] : memref<32x160xf32, #tpu.memory_space<hbm>> -> memref<1x160xf32, #tpu.memory_space<hbm>>
      %dma_start3A_112 = tpu.memref_squeeze %dma_start3A_111 : memref<1x160xf32, #tpu.memory_space<hbm>> -> memref<160xf32, #tpu.memory_space<hbm>>
      %dma_start3A_113 = arith.constant 0 : i32
      %dma_start3A_114 = tpu.memref_slice %arg4[%add3A, %dma_start3A_113] : memref<32x160xf32, #tpu.memory_space<hbm>> -> memref<1x160xf32, #tpu.memory_space<hbm>>
      %dma_start3A_115 = tpu.memref_squeeze %dma_start3A_114 : memref<1x160xf32, #tpu.memory_space<hbm>> -> memref<160xf32, #tpu.memory_space<hbm>>
      tpu.enqueue_dma source(%arg8 : memref<160xf32, #tpu.memory_space<vmem>>) target(%dma_start3A_115 : memref<160xf32, #tpu.memory_space<hbm>>) target_semaphore(%run_scoped3A : memref<!tpu.dma_semaphore, #tpu.memory_space<semaphore_mem>>)
      %dma_wait3A = arith.constant 0 : i32
      %dma_wait3A_116 = tpu.memref_slice %arg4[%add3A, %dma_wait3A] : memref<32x160xf32, #tpu.memory_space<hbm>> -> memref<1x160xf32, #tpu.memory_space<hbm>>
      %dma_wait3A_117 = tpu.memref_squeeze %dma_wait3A_116 : memref<1x160xf32, #tpu.memory_space<hbm>> -> memref<160xf32, #tpu.memory_space<hbm>>
      %dma_wait3A_118 = arith.constant 0 : i32
      %dma_wait3A_119 = tpu.memref_slice %arg4[%add3A, %dma_wait3A_118] : memref<32x160xf32, #tpu.memory_space<hbm>> -> memref<1x160xf32, #tpu.memory_space<hbm>>
      %dma_wait3A_120 = tpu.memref_squeeze %dma_wait3A_119 : memref<1x160xf32, #tpu.memory_space<hbm>> -> memref<160xf32, #tpu.memory_space<hbm>>
      tpu.wait_dma2 semaphore(%run_scoped3A : memref<!tpu.dma_semaphore, #tpu.memory_space<semaphore_mem>>) src(%arg8 : memref<160xf32, #tpu.memory_space<vmem>>) dst(%dma_wait3A_120 : memref<160xf32, #tpu.memory_space<hbm>>)
      tpu.yield
    }) : () -> ()
    return
  }
}

</mosaic_0001>

<sc_bundles>
// kernel: _run.3.cloned.1.call-start
scs
__scs_entry_jumppad:
0x0: {  	(pc) =	sbr.rel $0x88, $3  }
0x1: {  	(tag) =	ssettag $0x0;
	lr =	simm.s32 $0x1  }
0x2: {  	[smem:$0x3F9F] =	sst lr;
	_ =	strace $0xD0000000  }
0x3: {  	_ = 	snop  }
0x4: {  	_ = 	snop  }
0x5: {  	_ = 	snop  }
0x6: {  	_ = 	snop  }
0x7: {  	_ = 	snop  }
__scs_overlays_trampoline_lowered:
0x8: {  	[smem:$0x3FAE] =	sst s0  }
0x9: {  	[smem:$0x3FAF] =	sst s1  }
0xa: {  	[smem:$0x3FB0] =	sst s2  }
0xb: {  	[smem:$0x3FB1] =	sst s3  }
0xc: {  	[smem:$0x3FB2] =	sst s4  }
0xd: {  	[smem:$0x3FB3] =	sst s5  }
0xe: {  	[smem:$0x3FB4] =	sst s6  }
0xf: {  	[smem:$0x3FB5] =	sst s7  }
0x10: {  	[smem:$0x3FB6] =	sst s8  }
0x11: {  	[smem:$0x3FB7] =	sst s9;
	s0 =	simm.s32 @!p0 $0x0  }
0x12: {  	s1 =	sld [smem:$0x3F9D];
	s0 =	simm.s32 @p0 $0x1  }
0x13: {  	[smem:$0x3FB8] =	sst s0;
	s0 =	simm.s32 @!p1 $0x0  }
0x14: {  	s2 =	sld [smem:$0x3F9C];
	s0 =	simm.s32 @p1 $0x1  }
0x15: {  	[smem:$0x3FB9] =	sst s0;
	s0 =	simm.s32 @!p2 $0x0  }
0x16: {  	s3 =	sld [smem:$0x3FDB];
	s0 =	simm.s32 @p2 $0x1  }
0x17: {  	s4 =	simm.s32 $0x1BF5;
	[smem:$0x3FBB] =	sst s0  }
0x18: {  	s0 =	sld [smem:$0x3F9E];
	_ =	swait.ge [sflag:s4], $0x0  }
0x19: {  	s7 =	sld [smem:$0x3F9F]  }
0x1a: {  	s8 =	sadd.s32 $0xFFFFE003, lr  }
0x1b: {  	s9 =	sadd.s32 $0xFFFFFEF7, lr;
	s5 =	simm.s32 $0xFFFFFFFF;
	p2 =	slt.u32 s8, $0xFFFFF086  }
0x1c: {  	p1 =	slt.u32 s9, $0xF7A;
	s5 =	simm.s32 @!p2 $0x0  }
0x1d: {  	s5 =	simm.s32 @p1 $0x1;
	p0 =	seq.s32 s7, s2  }
0x1e: {  	s7 =	smul.u32 @!p0 $0xF7A, s2;
	p2 =	seq.s32 @!p0 s5, $0x0  }
0x1f: {  	s9 =	smul.u32 $0xF7A, s1;
	s8 =	simm.s32 @!p0 $0x1BF5;
	p2 =	por !p2, p0  }
0x20: {  	[sflag:s8] =	ssyncset.s32 @!p0 $0xFFFFF086;
	s6 =	sadd.s32 @!p0 s3, s7;
	s7 =	simm.s32 @!p0 $0x108  }
0x21: {  	s3 =	sadd.s32 s3, s9;
	s6 =	sadd.s32 @!p0 $0x88, s6;
	s7 =	simm.s32 @p2 $0x1082  }
0x22: {  	[simem:s7], [sflag:s8] =	dma.local @!p0 [hbm:s6], $0xF7A  }
0x23: {  	s9 =	sor.u32 $0xD0000000, s2;
	s6 =	simm.s32 $0x108;
	_ =	swait.ge @!p0 [sflag:s8], $0x0  }
0x24: {  	s3 =	sadd.s32 $0x88, s3;
	s6 =	simm.s32 @!p1 $0x1082;
	[sflag:s4] =	ssyncset.s32 $0xFFFFF086  }
0x25: {  	[simem:s6], [sflag:s4] =	dma.local [hbm:s3], $0xF7A  }
0x26: {  	[smem:$0x3F9F] =	sst s1;
	(tag) =	ssettag s2;
	_ =	strace s9  }
0x27: {  	s1 =	sld [smem:$0x3FAF]  }
0x28: {  	s2 =	sld [smem:$0x3FB0]  }
0x29: {  	s4 =	sld [smem:$0x3FB2]  }
0x2a: {  	p0 =	seq.s32 s5, $0x0;
	s5 =	sld [smem:$0x3FB3]  }
0x2b: {  	s6 =	sld [smem:$0x3FB4]  }
0x2c: {  	s7 =	sld [smem:$0x3FB5]  }
0x2d: {  	s3 =	simm.s32 $0x108;
	s8 =	sld [smem:$0x3FB6]  }
0x2e: {  	s3 =	simm.s32 @!p0 $0x1082;
	s9 =	sld [smem:$0x3FB7]  }
0x2f: {  	lr =	sadd.s32 s0, s3;
	s0 =	sld [smem:$0x3FAE]  }
0x30: {  	s3 =	sld [smem:$0x3FB1]  }
0x31: {  	[smem:$0x3FBA] =	sst s10  }
0x32: {  	s10 =	sld [smem:$0x3FB8];
	_ =	sdelay $0x3  }
0x33: {  	p0 =	seq.s32 s10, $0x1;
	s10 =	sld [smem:$0x3FBA];
	_ =	sdelay $0x3  }
0x34: {  	[smem:$0x3FBA] =	sst s10  }
0x35: {  	s10 =	sld [smem:$0x3FB9];
	_ =	sdelay $0x3  }
0x36: {  	p1 =	seq.s32 s10, $0x1;
	s10 =	sld [smem:$0x3FBA];
	_ =	sdelay $0x3  }
0x37: {  	[smem:$0x3FBA] =	sst s10  }
0x38: {  	s10 =	sld [smem:$0x3FBB]  }
0x39: {  	_ = 	snop;
	(pc) =	sbr.ind lr, $3  }
0x3a: {  	_ = 	snop  }
0x3b: {  	_ = 	snop  }
0x3c: {  	p2 =	seq.s32 s10, $0x1;
	s10 =	sld [smem:$0x3FBA]  }
0x3d: {  	_ =	shalt  }
0x3e: {  	_ =	shalt  }
0x3f: {  	_ =	shalt  }
0x40: {  	_ =	shalt  }
0x41: {  	_ =	shalt  }
0x42: {  	_ =	shalt  }
0x43: {  	_ =	shalt  }
0x44: {  	_ =	shalt  }
0x45: {  	_ =	shalt  }
0x46: {  	_ =	shalt  }
0x47: {  	_ =	shalt  }
0x48: {  	_ =	shalt  }
0x49: {  	_ =	shalt  }
0x4a: {  	_ =	shalt  }
0x4b: {  	_ =	shalt  }
0x4c: {  	_ =	shalt  }
0x4d: {  	_ =	shalt  }
0x4e: {  	_ =	shalt  }
0x4f: {  	_ =	shalt  }
0x50: {  	_ =	shalt  }
0x51: {  	_ =	shalt  }
0x52: {  	_ =	shalt  }
0x53: {  	_ =	shalt  }
0x54: {  	_ =	shalt  }
0x55: {  	_ =	shalt  }
0x56: {  	_ =	shalt  }
0x57: {  	_ =	shalt  }
0x58: {  	_ =	shalt  }
0x59: {  	_ =	shalt  }
0x5a: {  	_ =	shalt  }
0x5b: {  	_ =	shalt  }
0x5c: {  	_ =	shalt  }
0x5d: {  	_ =	shalt  }
0x5e: {  	_ =	shalt  }
0x5f: {  	_ =	shalt  }
0x60: {  	_ =	shalt  }
0x61: {  	_ =	shalt  }
0x62: {  	_ =	shalt  }
0x63: {  	_ =	shalt  }
0x64: {  	_ =	shalt  }
0x65: {  	_ =	shalt  }
0x66: {  	_ =	shalt  }
0x67: {  	_ =	shalt  }
0x68: {  	_ =	shalt  }
0x69: {  	_ =	shalt  }
0x6a: {  	_ =	shalt  }
0x6b: {  	_ =	shalt  }
0x6c: {  	_ =	shalt  }
0x6d: {  	_ =	shalt  }
0x6e: {  	_ =	shalt  }
0x6f: {  	_ =	shalt  }
0x70: {  	_ =	shalt  }
0x71: {  	_ =	shalt  }
0x72: {  	_ =	shalt  }
0x73: {  	_ =	shalt  }
0x74: {  	_ =	shalt  }
0x75: {  	_ =	shalt  }
0x76: {  	_ =	shalt  }
0x77: {  	_ =	shalt  }
0x78: {  	_ =	shalt  }
0x79: {  	_ =	shalt  }
0x7a: {  	_ =	shalt  }
0x7b: {  	_ =	shalt  }
0x7c: {  	_ =	shalt  }
0x7d: {  	_ =	shalt  }
0x7e: {  	_ =	shalt  }
0x7f: {  	_ =	shalt  }
0x80: {  	_ =	shalt  }
0x81: {  	_ =	shalt  }
0x82: {  	_ =	shalt  }
0x83: {  	_ =	shalt  }
0x84: {  	_ =	shalt  }
0x85: {  	_ =	shalt  }
0x86: {  	_ =	shalt  }
0x87: {  	_ =	shalt  }
.Lfunc_end0:
.L_simem_size_0:
called_computation_lowered:
.L_overlay_start_0:
0x88: {  	s2 =	sld [smem:$0x3FD9]  }
0x89: {  	s3 =	sld [smem:$0x3FFE];
	_ =	sdelay $0x1  }
0x8a: {  	s1 =	srdreg.scid  }
0x8b: {  	s0 =	sand.u32 $0x1, s1  }
0x8c: {  	s18 =	sshll.u32 s0, $0xA;
	s2 =	sadd.s32 s3, s2  }
0x8d: {  	s2 =	sadd.s32 s2, s18  }
0x8e: {  	[smem:$0x3FC6] =	sst s2  }
0x8f: {  	_ = 	snop  }
0x90: {  	s2 =	sld [smem:$0x3FC9]  }
0x91: {  	s19 =	sld [smem:$0x3FC8]  }
0x92: {  	s4 =	sld [smem:$0x3FD0];
	(tm) =	ssettm $0x1  }
0x93: {  	s5 =	sld [smem:$0x3FFB];
	_ =	sdelay $0x3  }
0x94: {  	_ =	strace s5  }
0x95: {  	s5 =	sld [smem:$0x3FFC];
	_ =	sdelay $0x3  }
0x96: {  	_ =	strace s5  }
0x97: {  	s5 =	sld [smem:$0x3FFD];
	_ =	sdelay $0x3  }
0x98: {  	_ =	strace s5  }
0x99: {  	_ =	strace $0x8FFFFFFF  }
0x9a: {  	s20 =	sld [smem:$0x3FDB];
	_ =	sdelay $0x1  }
0x9b: {  	s6 =	simm.s32 $_scs_section_size  }
0x9c: {  	s7 =	simm.s32 $_size__tile_overlayer_lowered;
	s8 =	simm.s32 $_tile_overlayer_lowered  }
0x9d: {  	s23 =	simm.s32 $0x1BFF;
	s22 =	sshll.u32 s8, $0x1;
	s5 =	sadd.s32 s6, s20  }
0x9e: {  	s9 =	simm.s32 $0x0;
	s21 =	sshll.u32 s7, $0x1;
	s7 =	sadd.s32 s22, s5  }
0x9f: {  	[timem:s9], [sflag:s23] =	dma.local [hbm:s7], s21  }
0xa0: {  	_ =	swait.ge [sflag:s23], s21  }
0xa1: {  	s6 =	ssub.s32 $0x0, s21;
	[sflag:s23] =	ssyncset.done $0x0  }
0xa2: {  	[sflag:s23] =	ssyncadd.s32 s6;
	_ =	sdelay $0x1  }
0xa3: {  	s24 =	simm.s32 $0x1B8B  }
0xa4: {  	_ =	swait.ge [sflag:s24], $0x1  }
0xa5: {  	[sflag:s24] =	ssyncset.done $0x0  }
0xa6: {  	s25 =	simm.s32 $0x1B8E;
	[sflag:s24] =	ssyncadd.s32 $0xFFFFFFFF  }
0xa7: {  	s26 =	simm.s32 $execute0_lowered;
	[smem:$0x3FD2] =	sst s25  }
0xa8: {  	s6 =	sshll.u32 s26, $0x1;
	_ =	strace $0x80000046;
	[dreg:$0x1] =	wrdreg $0xFFFFFFFF  }
0xa9: {  	s28 =	simm.s32 $_size_execute0_lowered;
	s5 =	sadd.s32 s5, s6;
	[dreg:$0x0] =	wrdreg $0x0  }
0xaa: {  	s6 =	sshll.u32 s28, $0x1;
	[dreg:$0x2] =	wrdreg s5  }
0xab: {  	[dreg:$0x3] =	wrdreg s6  }
0xac: {  	[dreg:$0x4] =	wrdreg $0xC0  }
0xad: {  	_ =	task [dreg:s9], $0x5FFFF  }
0xae: {  	[dreg:$0x1] =	wrdreg $0xFFFFFFFF  }
0xaf: {  	[dreg:$0x0] =	wrdreg $0x60  }
0xb0: {  	[dreg:$0x2] =	wrdreg s2  }
0xb1: {  	[dreg:$0x3] =	wrdreg s19  }
0xb2: {  	[dreg:$0x4] =	wrdreg s4  }
0xb3: {  	[dreg:$0x5] =	wrdreg $0x9  }
0xb4: {  	_ =	task.clear_ibuf [dreg:s9], $0x6FFFF;
	_ =	strace $0x90000046  }
0xb5: {  	s29 =	simm.s32 $0x9;
	_ =	strace $0x80000048  }
0xb6: {  	_ =	swait.ge [sflag:s29], $0x1  }
0xb7: {  	[sflag:s29] =	ssyncadd.s32 $0xFFFFFFFF  }
0xb8: {  	_ =	strace $0x90000048  }
0xb9: {  	_ =	sfence  }
0xba: {  	s30 =	sld [smem:$0x0];
	_ =	sdelay $0x2  }
0xbb: {  	s31 =	sshll.u32 s1, $0xD;
	s1 =	sshrl.u32 s1, $0x2  }
0xbc: {  	s3 =	sand.u32 $0x4000, s31;
	s1 =	sadd.s32 s1, s30  }
0xbd: {  	s0 =	sor.u32 s3, s0;
	s1 =	sshll.u32 s1, $0x11  }
0xbe: {  	s0 =	sor.u32 s1, s0  }
0xbf: {  	s0 =	sadd.s32 $0x8F2B, s0  }
0xc0: {  	[sflag:s0] =	ssyncadd.remote.s32 $0x1  }
0xc1: {  	_ =	sfence.sel $0xFFFF  }
0xc2: {  	[dreg:$0x0] =	wrdreg $0xFFFFFFFF;
	(pc) =	sbr.abs _section_cstart, $3  }
0xc3: {  	[dreg:$0x1] =	wrdreg $0xFFFFFFFF  }
0xc4: {  	_ =	task.clear_ibuf [dreg:s9], $0x2FFFF;
	_ =	strace $0x9FFFFFFF  }
0xc5: {  	(tm) =	ssettm $0x7FFFFFFF  }
tec
execute0_lowered:
.L_overlay_start_1:
0x0: {  	(tag) =	ssettag $0x1  }
0x1: {  	v0 =	vimm.f32 $3.000000000e+01  }
0x2: {  	vm0 =	vcmask $0x300;
	vm14 =	vcmask $0x704;
	vm15 =	vcmask $0xB08  }
0x3: {  	vm4 =	vcmask $0xF0C;
	vm5 =	vcmask $0x1310;
	v0 =	vsel vm0, $0x0, v0  }
0x4: {  	vm6 =	vcmask $0x1714;
	vm7 =	vcmask $0x1B18;
	v0 =	vsel vm14, $0x40000000, v0  }
0x5: {  	vm8 =	vcmask $0x1F1C;
	vm9 =	vcmask $0x2320;
	v0 =	vsel vm15, $0x40800000, v0  }
0x6: {  	vm10 =	vcmask $0x2724;
	v1 =	vimm.s32 $0xFEDCBA98;
	v0 =	vsel vm4, $0x40C00000, v0  }
0x7: {  	vm11 =	vcmask $0x2B28;
	v2 =	vimm.s32 $0x76543210;
	v0 =	vsel vm5, $0x41000000, v0  }
0x8: {  	s4 =	rddreg [dreg:$0x0];
	v3 =	vimm.s32 $0x3210FEDC;
	v4 =	vimm.s32 $0xBA987654;
	v0 =	vsel vm6, $0x41200000, v0  }
0x9: {  	s0 =	rddreg [dreg:$0x1];
	vm12 =	vcmask $0x2F2C;
	v1 =	vunpack.c.l.s4.s8 v1;
	v0 =	vsel vm7, $0x41400000, v0  }
0xa: {  	s5 =	rddreg [dreg:$0x2];
	v2 =	vunpack.c.l.s4.s8 v2;
	v3 =	vunpack.c.l.s4.s8 v3;
	v0 =	vsel vm8, $0x41600000, v0  }
0xb: {  	s1 =	rddreg [dreg:$0x3];
	v4 =	vunpack.c.l.s4.s8 v4;
	v1 =	vunpack.c.0.s8.s32 v1;
	v0 =	vsel vm9, $0x41800000, v0  }
0xc: {  	s2 =	simm.s32 $0x0;
	s6 =	srdreg.scid;
	s3 =	stileid.u32;
	v2 =	vunpack.c.0.s8.s32 v2;
	v3 =	vunpack.c.0.s8.s32 v3;
	v0 =	vsel vm10, $0x41900000, v0  }
0xd: {  	s11 =	simm.s32 $0xBE00;
	s12 =	simm.s32 $0x0;
	[smem:$0x7FF] =	sst s2;
	v4 =	vunpack.c.0.s8.s32 v4;
	v1 =	vand.u32 $0xF, v1;
	v0 =	vsel vm11, $0x41A00000, v0  }
0xe: {  	v6 =	vimm.s32 $0x87654321;
	s6 =	sand.u32 $0x1, s6;
	s8 =	sshll.u32 s3, $0x8;
	_ =	strace $0x80000047;
	v5 =	vsel vm12, $0x41B00000, v0;
	v0 =	vcombine.low v1, v2  }
0xf: {  	s7 =	sshrl.u32 s3, $0x2;
	s9 =	sshll.u32 s6, $0x7;
	s8 =	sand.u32 $0x300, s8;
	v2 =	vimm.s32 $0x10FEDCBA;
	v1 =	vcombine.low v4, v3;
	v3 =	vimm.s32 $0x98765432  }
0x10: {  	s10 =	smul.u32 $0x5000, s7;
	s6 =	ssub.s32 $0x2, s6;
	s7 =	sshll.u32 s7, $0xB;
	v4 =	vimm.s32 $0xFEDCBA9;
	v2 =	vunpack.c.l.s4.s8 v2;
	v3 =	vunpack.c.l.s4.s8 v3  }
.Ltmp0:
0x11: {  	vm13 =	vcmask $0x3330;
	v6 =	vunpack.c.l.s4.s8 v6;
	s8 =	sor.u32 s9, s8;
	s30 =	sshrl.u32 s6, $0x1;
	v4 =	vunpack.c.l.s4.s8 v4;
	(pc) =	sbr.rel .LBB2_1-.Ltmp0, $4  }
0x12: {  	vm14 =	vcmask $0x3734;
	s9 =	simm.s32 $0x1;
	s10 =	sor.u32 s10, s8;
	s7 =	sor.u32 s7, s8;
	v2 =	vunpack.c.0.s8.s32 v2;
	v3 =	vunpack.c.0.s8.s32 v3  }
0x13: {  	v6 =	vunpack.c.0.s8.s32 v6;
	s6 =	ssub.s32 s6, s30;
	s8 =	simm.s32 $0x400;
	s31 =	sshrl.u32 s10, $0x3;
	v5 =	vsel vm13, $0x41C00000, v5;
	v4 =	vunpack.c.0.s8.s32 v4  }
0x14: {  	vm15 =	vcmask $0x3B38;
	s7 =	sshrl.u32 s7, $0x3;
	s6 =	smax.u32 s6, $0x1;
	s10 =	simm.s32 $0xA00;
	v2 =	vcombine.low v3, v2;
	v3 =	vsel vm14, $0x41D00000, v5  }
0x15: {  	s4 =	sadd.s32 s4, s31;
	s5 =	sadd.s32 s5, s7;
	s7 =	simm.s32 $0x80;
	v4 =	vcombine.low v6, v4;
	v5 =	vlaneseq.u32;
	v3 =	vsel vm15, $0x41E00000, v3  }
.LBB2_25:
0x16: {  	s12 =	sadd.s32 $0x1, s12  }
0x17: {  	p0 =	sne.s32 s12, s6  }
.Ltmp1:
0x18: {  	_ = 	snop;
	(pc) =	sbr.rel @!p0 .LBB2_26-.Ltmp1, $4  }
0x19: {  	[hbm4b:s5+s7] =	stream.strided.scatter [tilespmem:s11], [sflag:$0x1], $0x100, s8, s7, $0x38;
	[tilespmem:$0xBF00] =	vst v63  }
0x1a: {  	_ =	swait.ge [sflag:s9], $0x100  }
0x1b: {  	[sflag:s9] =	ssyncset.done $0x0  }
0x1c: {  	[sflag:s9] =	ssyncadd.s32 $0xFFFFFF00  }
.LBB2_1:
0x1d: {  	[tilespmem:s2], [sflag:$0x1] =	stream.strided.gather [hbm4b:s4+s7], $0xA00, s8, s7, $0x38;
	[tilespmem:$0xBF00] =	vst v63  }
0x1e: {  	_ =	swait.ge [sflag:s9], $0xA00  }
0x1f: {  	[sflag:s9] =	ssyncset.done $0x0  }
0x20: {  	s13 =	simm.s32 $0x0;
	[sflag:s9] =	ssyncadd.s32 $0xFFFFF600  }
0x21: {  	[tilespmem:s10], [sflag:$0x1] =	stream.linear.gather [hbm4b:s0+s2], $0x5000, $0x38;
	[tilespmem:$0xBF00] =	vst v63  }
0x22: {  	s14 =	sand.u32 $0x380, s2;
	s13 =	sand.u32 $0x3FFFF000, s13;
	_ =	swait.ge [sflag:s9], $0x5000  }
0x23: {  	s15 =	sand.u32 $0x70, s2;
	s13 =	sor.u32 s14, s13;
	[sflag:s9] =	ssyncset.done $0x0  }
0x24: {  	s13 =	sor.u32 s15, s13;
	[sflag:s9] =	ssyncadd.s32 $0xFFFFB000  }
0x25: {  	v6 =	vld [tilespmem:s13+$0x1200]  }
0x26: {  	v7 =	vld [tilespmem:s13+$0x1600]  }
0x27: {  	v8 =	vld [tilespmem:s13+$0xA00]  }
0x28: {  	v9 =	vld [tilespmem:s13+$0xE00];
	_ =	sdelay $0x1  }
0x29: {  	s30 =	simm.s32 $0x0;
	v6 =	vmul.f32 $5.000000000e-01, v6  }
0x2a: {  	s13 =	sand.u32 $0x3FFFFC00, s30;
	v7 =	vmul.f32 $5.000000000e-01, v7  }
0x2b: {  	s13 =	sor.u32 s14, s13;
	v10 =	vsub.f32 v8, v6  }
0x2c: {  	s17 =	sor.u32 s15, s13;
	v11 =	vsub.f32 v9, v7  }
0x2d: {  	s31 =	simm.s32 $0x10;
	s16 =	simm.s32 $0x40;
	v6 =	vadd.f32 v6, v8;
	v9 =	vadd.f32 v7, v9;
	[tilespmem:s17+$0x5A00] =	vst v10  }
0x2e: {  	s18 =	simm.s32 $0x2;
	s19 =	sand.u32 $0x3FFFF000, s16;
	s16 =	simm.s32 $0x20;
	[tilespmem:s17+$0x8200] =	vst v11  }
0x2f: {  	s14 =	simm.s32 $0x1;
	s13 =	sand.u32 $0x70, s31;
	s15 =	sand.u32 $0x380, s31;
	v7 =	vsub.f32 v6, v10;
	v8 =	vsub.f32 v9, v11;
	[tilespmem:s17+$0x9600] =	vst v9  }
.LBB2_2:
0x30: {  	s20 =	sand.u32 $0x70, s16  }
0x31: {  	s19 =	sor.u32 s15, s19;
	v7 =	vmul.f32 v8, v7;
	[tilespmem:s17+$0x6E00] =	vst v6;
	s21 =	smov.u32 s18;
	s22 =	sadd.s32 $0x1, s18  }
0x32: {  	p0 =	sne.s32 s18, $0x13F;
	s18 =	sor.u32 s13, s19  }
0x33: {  	[tilespmem:s17+$0xAA00] =	vst v7  }
0x34: {  	v6 =	vld [tilespmem:s18+$0x1200]  }
0x35: {  	v7 =	vld [tilespmem:s18+$0x1600]  }
0x36: {  	v8 =	vld [tilespmem:s18+$0xA00]  }
0x37: {  	v9 =	vld [tilespmem:s18+$0xE00];
	_ =	sdelay $0x1  }
0x38: {  	s17 =	sshll.u32 s14, $0x4;
	s14 =	smov.u32 s21;
	v6 =	vmul.f32 $5.000000000e-01, v6  }
0x39: {  	s17 =	sand.u32 $0x3FFFFC00, s17;
	v7 =	vmul.f32 $5.000000000e-01, v7  }
.Ltmp2:
0x3a: {  	s15 =	sor.u32 s15, s17;
	v10 =	vsub.f32 v8, v6;
	v6 =	vadd.f32 v6, v8;
	(pc) =	sbr.rel @p0 .LBB2_2-.Ltmp2, $4  }
0x3b: {  	s17 =	sor.u32 s13, s15;
	s13 =	smov.u32 s20;
	v11 =	vsub.f32 v9, v7;
	v9 =	vadd.f32 v7, v9  }
0x3c: {  	v7 =	vsub.f32 v6, v10;
	[tilespmem:s17+$0x5A00] =	vst v10  }
0x3d: {  	s15 =	sand.u32 $0x380, s16;
	s18 =	sshll.u32 s14, $0x6;
	v8 =	vsub.f32 v9, v11;
	[tilespmem:s17+$0x8200] =	vst v11  }
0x3e: {  	s16 =	sadd.s32 $0x10, s16;
	s19 =	sand.u32 $0x3FFFF000, s18;
	s18 =	smov.u32 s22;
	[tilespmem:s17+$0x9600] =	vst v9  }
0x3f: {  	v7 =	vmul.f32 v8, v7  }
0x40: {  	s16 =	sor.u32 s15, s19;
	[tilespmem:s17+$0x6E00] =	vst v6  }
0x41: {  	s16 =	sor.u32 s13, s16;
	[tilespmem:s17+$0xAA00] =	vst v7  }
0x42: {  	v6 =	vld [tilespmem:s16+$0x1200]  }
0x43: {  	v7 =	vld [tilespmem:s16+$0x1600]  }
0x44: {  	v8 =	vld [tilespmem:s16+$0xA00]  }
0x45: {  	v9 =	vld [tilespmem:s16+$0xE00];
	_ =	sdelay $0x1  }
0x46: {  	v6 =	vmul.f32 $5.000000000e-01, v6  }
0x47: {  	s14 =	sshll.u32 s14, $0x4;
	v7 =	vmul.f32 $5.000000000e-01, v7  }
0x48: {  	s14 =	sand.u32 $0x3FFFFC00, s14;
	v10 =	vsub.f32 v8, v6;
	v6 =	vadd.f32 v6, v8  }
0x49: {  	s14 =	sor.u32 s15, s14;
	v8 =	vsub.f32 v9, v7;
	v7 =	vadd.f32 v7, v9  }
0x4a: {  	s31 =	sor.u32 s13, s14  }
.Ltmp3:
0x4b: {  	v62 =	vsub.f32 v6, v10;
	[tilespmem:s31+$0x5A00] =	vst v10;
	v63 =	vsub.f32 v7, v8;
	(pc) =	sbr.rel .LBB2_4-.Ltmp3, $4  }
0x4c: {  	[tilespmem:s31+$0x8200] =	vst v8  }
0x4d: {  	[tilespmem:s31+$0x9600] =	vst v7;
	v7 =	vmul.f32 v63, v62  }
0x4e: {  	[tilespmem:s31+$0x6E00] =	vst v6  }
0x4f: {  	s13 =	simm.s32 $0x0;
	v6 =	vimm.f32 $0.0e+00;
	[tilespmem:s31+$0xAA00] =	vst v7  }
.LBB2_24:
0x50: {  	s19 =	sadd.f32 $-1.000000000e+00, s15  }
0x51: {  	s20 =	sadd.f32 $-1.000000000e+00, s16;
	p0 =	slt.f32 s15, $1.000000000e+08  }
0x52: {  	s21 =	sadd.f32 $-1.000000000e+00, s17;
	p1 =	sgt.f32 s15, $0.0e+00  }
0x53: {  	p2 =	slt.f32 s16, $1.000000000e+08;
	p3 =	sgt.f32 s16, $0.0e+00  }
0x54: {  	p5 =	slt.f32 s17, $1.000000000e+08;
	p6 =	sgt.f32 s17, $0.0e+00  }
0x55: {  	s26 =	sadd.f32 $-1.000000000e+00, s18;
	s19 =	smul.f32 $5.000000000e-01, s19  }
0x56: {  	s29 =	sadd.f32 $-1.000000000e+00, s14;
	s20 =	smul.f32 $5.000000000e-01, s20  }
0x57: {  	s21 =	smul.f32 $5.000000000e-01, s21;
	s19 =	scvt.f32.s32 s19  }
0x58: {  	p0 =	por !p0, !p1;
	p4 =	por !p2, !p3;
	s20 =	scvt.f32.s32 s20  }
0x59: {  	p2 =	por !p5, !p6;
	p3 =	slt.f32 s18, $1.000000000e+08;
	s19 =	sshll.u32 s19, $0x1  }
0x5a: {  	p5 =	slt.f32 s14, $1.000000000e+08;
	s20 =	sshll.u32 s20, $0x1;
	s19 =	sadd.s32 $0x2, s19  }
0x5b: {  	p6 =	sgt.f32 s14, $0.0e+00;
	s20 =	sadd.s32 $0x2, s20;
	s19 =	scvt.s32.f32 s19  }
0x5c: {  	p0 =	por !p0, !p0;
	s24 =	scvt.f32.s32 s21;
	s20 =	scvt.s32.f32 s20  }
0x5d: {  	p1 =	por !p4, !p4;
	p4 =	sgt.f32 s18, $0.0e+00;
	s15 =	ssub.f32 s19, s15  }
0x5e: {  	s16 =	ssub.f32 s20, s16;
	s19 =	sshll.u32 s24, $0x1;
	s20 =	simm.f32 $1.000000000e+00  }
0x5f: {  	s19 =	sadd.s32 $0x2, s19;
	s20 =	simm.s32 @!p1 $0x0;
	s15 =	simm.s32 @!p0 $0x0  }
0x60: {  	s16 =	simm.s32 @!p1 $0x0;
	s25 =	scvt.s32.f32 s19;
	s19 =	simm.f32 $1.000000000e+00  }
0x61: {  	p1 =	por !p5, !p6;
	s15 =	sadd.f32 s16, s15;
	s19 =	simm.s32 @!p0 $0x0  }
0x62: {  	p0 =	por !p2, !p2;
	s16 =	ssub.f32 s25, s17;
	s17 =	smul.f32 $5.000000000e-01, s26  }
0x63: {  	p1 =	por !p1, !p1;
	s19 =	sadd.f32 s20, s19;
	s20 =	simm.f32 $1.000000000e+00  }
0x64: {  	s20 =	simm.s32 @!p0 $0x0;
	s28 =	scvt.f32.s32 s17;
	s17 =	smul.f32 $5.000000000e-01, s29  }
0x65: {  	s16 =	simm.s32 @!p0 $0x0;
	s19 =	sadd.f32 s20, s19;
	p0 =	por !p3, !p4  }
0x66: {  	s15 =	sadd.f32 s16, s15;
	s16 =	sshll.u32 s28, $0x1;
	s17 =	scvt.f32.s32 s17  }
0x67: {  	s20 =	simm.f32 $1.000000000e+00;
	p0 =	por !p0, !p0;
	s16 =	sadd.s32 $0x2, s16  }
0x68: {  	s20 =	simm.s32 @!p0 $0x0;
	s16 =	scvt.s32.f32 s16;
	s17 =	sshll.u32 s17, $0x1  }
0x69: {  	s30 =	sadd.f32 s20, s19;
	s19 =	simm.f32 $1.000000000e+00;
	s17 =	sadd.s32 $0x2, s17  }
0x6a: {  	s19 =	simm.s32 @!p1 $0x0;
	s16 =	ssub.f32 s16, s18;
	s17 =	scvt.s32.f32 s17  }
0x6b: {  	s18 =	sadd.f32 s19, s30  }
0x6c: {  	s16 =	simm.s32 @!p0 $0x0;
	s14 =	ssub.f32 s17, s14  }
0x6d: {  	p0 =	slt.f32 s18, $4.500000000e+00;
	s15 =	sadd.f32 s16, s15  }
0x6e: {  	s16 =	simm.f32 $2.500000000e-01;
	s14 =	simm.s32 @!p1 $0x0;
	p1 =	slt.f32 s18, $3.500000000e+00  }
0x6f: {  	p2 =	slt.f32 s18, $2.500000000e+00;
	s16 =	simm.s32 @!p0 $0x3E4CCCCD  }
0x70: {  	p0 =	slt.f32 s18, $1.500000000e+00;
	s16 =	simm.s32 @p1 $0x3EAAAAAB  }
0x71: {  	s14 =	sadd.f32 s14, s15;
	s16 =	simm.s32 @p2 $0x3F000000  }
0x72: {  	s16 =	simm.s32 @p0 $0x3F800000  }
0x73: {  	s14 =	smul.f32 s16, s14;
	_ =	sdelay $0x1  }
0x74: {  	s14 =	sadd.f32 $-5.000000000e-01, s14;
	_ =	sdelay $0x1  }
0x75: {  	s31 =	sand.u32 $0xF, s13;
	p0 =	sgt.f32 s18, $0.0e+00;
	s14 =	sadd.f32 s14, s14  }
0x76: {  	v7 =	vmov s31  }
0x77: {  	vm0 =	veq.s32 v7, v5;
	s14 =	simm.s32 @!p0 $0xBF800000  }
0x78: {  	p0 =	sne.s32 s31, $0xF;
	v6 =	vsel vm0, s14, v6  }
0x79: {  	[tilespmem:s13+$0xBDF1] =	vst @!p0 v6;
	s13 =	sadd.s32 $0x1, s13  }
0x7a: {  	p0 =	sne.s32 s13, $0xA0  }
.Ltmp4:
0x7b: {  	_ = 	snop;
	(pc) =	sbr.rel @!p0 .LBB2_25-.Ltmp4, $1  }
0x7c: {  	_ =	sdelay $0x3  }
.LBB2_4:
0x7d: {  	s14 =	sshll.u32 s13, $0x4  }
0x7e: {  	s14 =	sand.u32 $0x3FFFFFF0, s14  }
0x7f: {  	v7 =	vld [tilespmem:s14+$0x0];
	_ =	sdelay $0x4  }
0x80: {  	(v2sf) =	vpush v7, $0x0  }
0x81: {  	(v2sf) =	vpush v7, $0x1  }
0x82: {  	(v2sf) =	vpush v7, $0x2;
	_ =	sdelay $0x1  }
0x83: {  	(v2sf) =	vpush v7, $0x3;
	_ =	sdelay $0xa  }
0x84: {  	s31 =	spop (v2sf)  }
0x85: {  	s15 =	spop (v2sf)  }
0x86: {  	s16 =	spop (v2sf)  }
0x87: {  	s16 =	smul.f32 $5.000000000e-01, s16  }
0x88: {  	s17 =	spop (v2sf)  }
0x89: {  	s17 =	smul.f32 $5.000000000e-01, s17;
	s18 =	ssub.f32 s31, s16  }
0x8a: {  	s16 =	sadd.f32 s16, s31  }
0x8b: {  	s19 =	ssub.f32 s15, s17  }
0x8c: {  	s15 =	sadd.f32 s17, s15  }
0x8d: {  	s14 =	ssub.f32 s16, s18  }
0x8e: {  	s17 =	ssub.f32 s15, s19;
	_ =	sdelay $0x1  }
0x8f: {  	s17 =	smul.f32 s17, s14  }
.Ltmp5:
0x90: {  	_ = 	snop;
	(pc) =	sbr.rel .LBB2_5-.Ltmp5, $4  }
0x91: {  	p0 =	sgt.f32 s17, $0.0e+00  }
0x92: {  	s14 =	simm.f32 $1.000000000e+09  }
0x93: {  	v7 =	vmov s18;
	v8 =	vmov s16;
	s16 =	simm.s32 $0x2;
	s14 =	simm.s32 @!p0 $0x0  }
0x94: {  	v9 =	vmov s19;
	v10 =	vmov s15;
	v11 =	vmov s17;
	s17 =	simm.s32 $0x0;
	[smem:$0x0] =	sst s14;
	s15 =	smov.u32 s14  }
.LBB2_7:
0x95: {  	s17 =	sadd.s32 $0x200, s17  }
0x96: {  	p0 =	sne.s32 s17, $0x1000  }
.Ltmp6:
0x97: {  	_ = 	snop;
	(pc) =	sbr.rel @!p0 .LBB2_8-.Ltmp6, $2  }
0x98: {  	_ =	sdelay $0x2  }
0x99: {  	s16 =	sadd.s32 $0x100, s16  }
.LBB2_5:
0x9a: {  	p0 =	sgt.f32 s15, $1.000000000e+08  }
.Ltmp7:
0x9b: {  	_ = 	snop;
	(pc) =	sbr.rel @!p0 .LBB2_7-.Ltmp7, $1  }
0x9c: {  	_ =	sdelay $0x3  }
0x9d: {  	s15 =	sshra.s32 s17, $0x2  }
0x9e: {  	v12 =	vld [tilespmem:s15+$0x5A00]  }
0x9f: {  	v13 =	vld [tilespmem:s15+$0x6E00]  }
0xa0: {  	v14 =	vld [tilespmem:s15+$0x8200]  }
0xa1: {  	v15 =	vld [tilespmem:s15+$0x9600]  }
0xa2: {  	v16 =	vld [tilespmem:s15+$0xAA00]  }
0xa3: {  	v17 =	vld [tilespmem:s15+$0x5A10]  }
0xa4: {  	v18 =	vld [tilespmem:s15+$0x6E10]  }
0xa5: {  	v19 =	vld [tilespmem:s15+$0x8210]  }
0xa6: {  	v20 =	vld [tilespmem:s15+$0x9610]  }
0xa7: {  	v21 =	vld [tilespmem:s15+$0xAA10]  }
0xa8: {  	v22 =	vld [tilespmem:s15+$0x5A20]  }
0xa9: {  	v23 =	vld [tilespmem:s15+$0x6E20]  }
0xaa: {  	v24 =	vld [tilespmem:s15+$0x8220]  }
0xab: {  	v63 =	vld [tilespmem:s15+$0x9620]  }
0xac: {  	v29 =	vld [tilespmem:s15+$0x5A30]  }
0xad: {  	v31 =	vld [tilespmem:s15+$0x6E30]  }
0xae: {  	v32 =	vld [tilespmem:s15+$0x8230]  }
0xaf: {  	v25 =	vld [tilespmem:s15+$0xAA20]  }
0xb0: {  	v36 =	vld [tilespmem:s15+$0xAA30]  }
0xb1: {  	v38 =	vld [tilespmem:s15+$0x5A40]  }
0xb2: {  	v26 =	vld [tilespmem:s15+$0x8240]  }
0xb3: {  	v44 =	vld [tilespmem:s15+$0x5A50];
	v13 =	vmin.f32 v8, v13;
	v12 =	vmax.f32 v7, v12  }
0xb4: {  	v27 =	vld [tilespmem:s15+$0x8250];
	v62 =	vmin.f32 v10, v15;
	v14 =	vmax.f32 v9, v14;
	v28 =	vmin.f32 v8, v18  }
0xb5: {  	v52 =	vld [tilespmem:s15+$0x8260];
	v17 =	vmax.f32 v7, v17;
	v30 =	vmin.f32 v10, v20;
	v19 =	vmax.f32 v9, v19  }
0xb6: {  	v57 =	vld [tilespmem:s15+$0x6E70];
	v23 =	vmin.f32 v8, v23;
	v22 =	vmax.f32 v7, v22;
	v16 =	vadd.f32 v16, v11  }
0xb7: {  	v59 =	vld [tilespmem:s15+$0x8270];
	v21 =	vadd.f32 v21, v11;
	v15 =	vmin.f32 v10, v63;
	v37 =	vmax.f32 v9, v24  }
0xb8: {  	v39 =	vld [tilespmem:s15+$0x6E40];
	v20 =	vmin.f32 v8, v31;
	v18 =	vmax.f32 v7, v29;
	v43 =	vadd.f32 v25, v11  }
0xb9: {  	v46 =	vld [tilespmem:s15+$0x6E50];
	v45 =	vadd.f32 v36, v11;
	v24 =	vmax.f32 v7, v38;
	v51 =	vmax.f32 v9, v26  }
0xba: {  	v56 =	vmax.f32 v7, v44;
	v58 =	vmax.f32 v9, v27;
	v26 =	vmax.f32 v9, v52  }
0xbb: {  	v25 =	vmin.f32 v8, v57;
	v12 =	vsub.f32 v13, v12;
	v13 =	vsub.f32 v62, v14  }
0xbc: {  	v34 =	vld [tilespmem:s15+$0x9630];
	v31 =	vmax.f32 v9, v59;
	v14 =	vsub.f32 v28, v17;
	v17 =	vsub.f32 v30, v19  }
0xbd: {  	v35 =	vsub.f32 v23, v22;
	v15 =	vsub.f32 v15, v37;
	v19 =	vmax.f32 v9, v32  }
0xbe: {  	v40 =	vld [tilespmem:s15+$0x9640];
	v18 =	vsub.f32 v20, v18;
	v23 =	vmin.f32 v8, v39;
	v22 =	vmin.f32 v8, v46  }
0xbf: {  	v55 =	vld [tilespmem:s15+$0x5A70];
	v23 =	vsub.f32 v23, v24;
	v22 =	vsub.f32 v22, v56;
	v12 =	vmax.f32 v12, $0.0e+00  }
0xc0: {  	s31 =	scvt.s32.f32 s16;
	v42 =	vld [tilespmem:s15+$0xAA40];
	v13 =	vmax.f32 v13, $0.0e+00;
	v33 =	vmax.f32 v14, $0.0e+00;
	v17 =	vmax.f32 v17, $0.0e+00  }
0xc1: {  	v63 =	vld [tilespmem:s15+$0xAA60];
	v14 =	vmin.f32 v10, v34;
	v15 =	vmax.f32 v15, $0.0e+00;
	v18 =	vmax.f32 v18, $0.0e+00  }
0xc2: {  	v62 =	vld [tilespmem:s15+$0xAA50];
	v34 =	vadd.f32 s31, v3;
	v12 =	vmul.f32 v13, v12;
	v13 =	vmul.f32 v17, v33  }
0xc3: {  	v30 =	vld [tilespmem:s15+$0xAA70];
	v17 =	vmax.f32 v35, $0.0e+00;
	v14 =	vsub.f32 v14, v19;
	v19 =	vmin.f32 v10, v40  }
0xc4: {  	v48 =	vld [tilespmem:s15+$0x9650];
	v54 =	vmax.f32 v23, $0.0e+00;
	v23 =	vmax.f32 v7, v55;
	v19 =	vsub.f32 v19, v51  }
0xc5: {  	v28 =	vld [tilespmem:s15+$0x6E60];
	v15 =	vmul.f32 v15, v17;
	v17 =	vadd.f32 v42, v11;
	v29 =	vsub.f32 v25, v23  }
0xc6: {  	v22 =	vmax.f32 v22, $0.0e+00;
	v24 =	vadd.f32 v63, v11;
	v37 =	vadd.f32 $3.200000000e+01, v34  }
0xc7: {  	v50 =	vld [tilespmem:s15+$0x5A60];
	v16 =	vsub.f32 v16, v12;
	v41 =	vsub.f32 v21, v13;
	v14 =	vmax.f32 v14, $0.0e+00  }
0xc8: {  	v53 =	vld [tilespmem:s15+$0x9660];
	v32 =	vadd.f32 v62, v11;
	v33 =	vadd.f32 v30, v11;
	v14 =	vmul.f32 v14, v18  }
0xc9: {  	v21 =	vsub.f32 v43, v15;
	v18 =	vmin.f32 v10, v48;
	v16 =	vadd.f32 $1.000000010e-07, v16  }
0xca: {  	v60 =	vld [tilespmem:s15+$0x9670];
	v61 =	vmin.f32 v8, v28;
	v20 =	vadd.f32 $1.000000010e-07, v41;
	v18 =	vsub.f32 v18, v58  }
0xcb: {  	v19 =	vmax.f32 v19, $0.0e+00;
	v47 =	vsub.f32 v45, v14;
	v49 =	vadd.f32 $1.000000010e-07, v21  }
0xcc: {  	v21 =	vmax.f32 v7, v50;
	(erf) = vrcp.f32 v16;
	v18 =	vmax.f32 v18, $0.0e+00  }
0xcd: {  	(erf) = vrcp.f32 v20;
	v16 =	vadd.f32 $1.000000010e-07, v47;
	v20 =	vmin.f32 v10, v53  }
0xce: {  	v21 =	vsub.f32 v61, v21;
	(erf) = vrcp.f32 v49;
	v20 =	vsub.f32 v20, v26  }
0xcf: {  	(erf) = vrcp.f32 v16;
	v16 =	vmul.f32 v19, v54;
	v19 =	vmin.f32 v10, v60  }
0xd0: {  	v40 =	vadd.f32 $3.200000000e+01, v37;
	v18 =	vmul.f32 v18, v22;
	v19 =	vsub.f32 v19, v31  }
0xd1: {  	v22 =	vmax.f32 v29, $0.0e+00;
	v21 =	vmax.f32 v21, $0.0e+00;
	v20 =	vmax.f32 v20, $0.0e+00  }
0xd2: {  	v17 =	vsub.f32 v17, v16;
	v20 =	vmul.f32 v20, v21;
	v19 =	vmax.f32 v19, $0.0e+00  }
0xd3: {  	v44 =	vadd.f32 $3.200000000e+01, v40;
	v21 =	vsub.f32 v32, v18;
	v19 =	vmul.f32 v19, v22  }
0xd4: {  	v17 =	vadd.f32 $1.000000010e-07, v17;
	v35 =	vsub.f32 v24, v20  }
0xd5: {  	v21 =	vadd.f32 $1.000000010e-07, v21;
	v22 =	vsub.f32 v33, v19  }
0xd6: {  	v47 =	vadd.f32 $3.200000000e+01, v44;
	(erf) = vrcp.f32 v17;
	v17 =	vadd.f32 $1.000000010e-07, v35  }
0xd7: {  	v36 =	vpop (erf);
	(erf) = vrcp.f32 v21;
	v22 =	vadd.f32 $1.000000010e-07, v22  }
0xd8: {  	v50 =	vadd.f32 $3.200000000e+01, v47;
	v38 =	vpop (erf);
	(erf) = vrcp.f32 v17  }
0xd9: {  	v12 =	vmul.f32 v36, v12;
	(erf) = vrcp.f32 v22  }
0xda: {  	v55 =	vadd.f32 $3.200000000e+01, v50;
	v13 =	vmul.f32 v38, v13;
	v41 =	vpop (erf)  }
0xdb: {  	v39 =	vsub.f32 v34, v12;
	vm0 =	vgt.f32 v12, $5.000000000e-01;
	v43 =	vpop (erf);
	v15 =	vmul.f32 v41, v15  }
0xdc: {  	vm1 =	vgt.f32 v13, $5.000000000e-01;
	v42 =	vsub.f32 v37, v13;
	v13 =	vmul.f32 v43, v14  }
0xdd: {  	v17 =	vmin.f32 v39, $1.000000000e+09;
	v46 =	vsub.f32 v40, v15;
	vm10 =	vgt.f32 v15, $5.000000000e-01  }
0xde: {  	v17 =	vnsel vm0, $0x4E6E6B28, v17;
	v12 =	vnsel vm1, $0x4E6E6B28, v42;
	v48 =	vsub.f32 v44, v13  }
0xdf: {  	vm11 =	vgt.f32 v13, $5.000000000e-01;
	v12 =	vmin.f32 v17, v12;
	v49 =	vnsel vm10, $0x4E6E6B28, v46;
	v45 =	vpop (erf)  }
0xe0: {  	v12 =	vmin.f32 v12, v49;
	v15 =	vnsel vm11, $0x4E6E6B28, v48;
	v14 =	vmul.f32 v45, v16;
	v51 =	vpop (erf)  }
0xe1: {  	v59 =	vadd.f32 $3.200000000e+01, v55;
	v12 =	vmin.f32 v12, v15;
	v53 =	vpop (erf);
	v54 =	vmul.f32 v51, v18  }
0xe2: {  	v52 =	vsub.f32 v47, v14;
	vm12 =	vgt.f32 v14, $5.000000000e-01;
	v57 =	vmul.f32 v53, v20;
	v58 =	vpop (erf)  }
0xe3: {  	v13 =	vsub.f32 v50, v54;
	vm13 =	vgt.f32 v54, $5.000000000e-01;
	v18 =	vmul.f32 v58, v19  }
0xe4: {  	v56 =	vnsel vm12, $0x4E6E6B28, v52;
	v60 =	vsub.f32 v55, v57;
	vm14 =	vgt.f32 v57, $5.000000000e-01  }
0xe5: {  	v12 =	vmin.f32 v12, v56;
	v13 =	vnsel vm13, $0x4E6E6B28, v13;
	v61 =	vsub.f32 v59, v18  }
0xe6: {  	v12 =	vmin.f32 v12, v13;
	v62 =	vnsel vm14, $0x4E6E6B28, v60;
	vm15 =	vgt.f32 v18, $5.000000000e-01  }
0xe7: {  	v12 =	vmin.f32 v12, v62;
	v63 =	vnsel vm15, $0x4E6E6B28, v61  }
0xe8: {  	v12 =	vmin.f32 v12, v63  }
0xe9: {  	v13 =	vperm.xlane v12, v0;
	_ =	sdelay $0x1  }
0xea: {  	v12 =	vmin.f32 v12, v13  }
0xeb: {  	v13 =	vperm.xlane v12, v1;
	_ =	sdelay $0x1  }
0xec: {  	v12 =	vmin.f32 v12, v13  }
0xed: {  	v13 =	vperm.xlane v12, v2;
	_ =	sdelay $0x1  }
0xee: {  	v12 =	vmin.f32 v12, v13  }
0xef: {  	v13 =	vperm.xlane v12, v4;
	_ =	sdelay $0x1  }
0xf0: {  	v12 =	vmin.f32 v12, v13  }
0xf1: {  	(v2sf) =	vpush v12, $0x0;
	_ =	sdelay $0xb  }
.Ltmp8:
0xf2: {  	_ = 	snop;
	(pc) =	sbr.rel .LBB2_7-.Ltmp8, $3  }
0xf3: {  	_ =	sdelay $0x1  }
0xf4: {  	s15 =	spop (v2sf)  }
0xf5: {  	[smem:$0x0] =	sst s15  }
.LBB2_8:
.Ltmp9:
0xf6: {  	(pc) =	sbr.rel .LBB2_9-.Ltmp9, $2  }
0xf7: {  	_ =	sdelay $0x2  }
0xf8: {  	s17 =	simm.s32 $0x0;
	s18 =	simm.s32 $0x2;
	s16 =	smov.u32 s14  }
.LBB2_11:
0xf9: {  	s17 =	sadd.s32 $0x200, s17  }
0xfa: {  	p0 =	sne.s32 s17, $0x1000  }
.Ltmp10:
0xfb: {  	_ = 	snop;
	(pc) =	sbr.rel @!p0 .LBB2_12-.Ltmp10, $2  }
0xfc: {  	_ =	sdelay $0x2  }
0xfd: {  	s18 =	sadd.s32 $0x100, s18  }
.LBB2_9:
0xfe: {  	p0 =	sgt.f32 s16, $1.000000000e+08  }
.Ltmp11:
0xff: {  	_ = 	snop;
	(pc) =	sbr.rel @!p0 .LBB2_11-.Ltmp11, $1  }
0x100: {  	_ =	sdelay $0x3  }
0x101: {  	s16 =	sshra.s32 s17, $0x2  }
0x102: {  	v12 =	vld [tilespmem:s16+$0x5E00]  }
0x103: {  	v13 =	vld [tilespmem:s16+$0x7200]  }
0x104: {  	v14 =	vld [tilespmem:s16+$0x8600]  }
0x105: {  	v15 =	vld [tilespmem:s16+$0x9A00]  }
0x106: {  	v16 =	vld [tilespmem:s16+$0xAE00]  }
0x107: {  	v17 =	vld [tilespmem:s16+$0x5E10]  }
0x108: {  	v18 =	vld [tilespmem:s16+$0x7210]  }
0x109: {  	v19 =	vld [tilespmem:s16+$0x8610]  }
0x10a: {  	v20 =	vld [tilespmem:s16+$0x9A10]  }
0x10b: {  	v21 =	vld [tilespmem:s16+$0xAE10]  }
0x10c: {  	v22 =	vld [tilespmem:s16+$0x5E20]  }
0x10d: {  	v23 =	vld [tilespmem:s16+$0x7220]  }
0x10e: {  	v24 =	vld [tilespmem:s16+$0x8620]  }
0x10f: {  	v63 =	vld [tilespmem:s16+$0x9A20]  }
0x110: {  	v29 =	vld [tilespmem:s16+$0x5E30]  }
0x111: {  	v31 =	vld [tilespmem:s16+$0x7230]  }
0x112: {  	v32 =	vld [tilespmem:s16+$0x8630]  }
0x113: {  	v25 =	vld [tilespmem:s16+$0xAE20]  }
0x114: {  	v36 =	vld [tilespmem:s16+$0xAE30]  }
0x115: {  	v38 =	vld [tilespmem:s16+$0x5E40]  }
0x116: {  	v26 =	vld [tilespmem:s16+$0x8640]  }
0x117: {  	v44 =	vld [tilespmem:s16+$0x5E50];
	v13 =	vmin.f32 v8, v13;
	v12 =	vmax.f32 v7, v12  }
0x118: {  	v27 =	vld [tilespmem:s16+$0x8650];
	v62 =	vmin.f32 v10, v15;
	v14 =	vmax.f32 v9, v14;
	v28 =	vmin.f32 v8, v18  }
0x119: {  	v52 =	vld [tilespmem:s16+$0x8660];
	v17 =	vmax.f32 v7, v17;
	v30 =	vmin.f32 v10, v20;
	v19 =	vmax.f32 v9, v19  }
0x11a: {  	v57 =	vld [tilespmem:s16+$0x7270];
	v23 =	vmin.f32 v8, v23;
	v22 =	vmax.f32 v7, v22;
	v16 =	vadd.f32 v16, v11  }
0x11b: {  	v59 =	vld [tilespmem:s16+$0x8670];
	v21 =	vadd.f32 v21, v11;
	v15 =	vmin.f32 v10, v63;
	v37 =	vmax.f32 v9, v24  }
0x11c: {  	v39 =	vld [tilespmem:s16+$0x7240];
	v20 =	vmin.f32 v8, v31;
	v18 =	vmax.f32 v7, v29;
	v43 =	vadd.f32 v25, v11  }
0x11d: {  	v46 =	vld [tilespmem:s16+$0x7250];
	v45 =	vadd.f32 v36, v11;
	v24 =	vmax.f32 v7, v38;
	v51 =	vmax.f32 v9, v26  }
0x11e: {  	v56 =	vmax.f32 v7, v44;
	v58 =	vmax.f32 v9, v27;
	v26 =	vmax.f32 v9, v52  }
0x11f: {  	v25 =	vmin.f32 v8, v57;
	v12 =	vsub.f32 v13, v12;
	v13 =	vsub.f32 v62, v14  }
0x120: {  	v34 =	vld [tilespmem:s16+$0x9A30];
	v31 =	vmax.f32 v9, v59;
	v14 =	vsub.f32 v28, v17;
	v17 =	vsub.f32 v30, v19  }
0x121: {  	v35 =	vsub.f32 v23, v22;
	v15 =	vsub.f32 v15, v37;
	v19 =	vmax.f32 v9, v32  }
0x122: {  	v40 =	vld [tilespmem:s16+$0x9A40];
	v18 =	vsub.f32 v20, v18;
	v23 =	vmin.f32 v8, v39;
	v22 =	vmin.f32 v8, v46  }
0x123: {  	v55 =	vld [tilespmem:s16+$0x5E70];
	v23 =	vsub.f32 v23, v24;
	v22 =	vsub.f32 v22, v56;
	v12 =	vmax.f32 v12, $0.0e+00  }
0x124: {  	s31 =	scvt.s32.f32 s18;
	v42 =	vld [tilespmem:s16+$0xAE40];
	v13 =	vmax.f32 v13, $0.0e+00;
	v33 =	vmax.f32 v14, $0.0e+00;
	v17 =	vmax.f32 v17, $0.0e+00  }
0x125: {  	v63 =	vld [tilespmem:s16+$0xAE60];
	v14 =	vmin.f32 v10, v34;
	v15 =	vmax.f32 v15, $0.0e+00;
	v18 =	vmax.f32 v18, $0.0e+00  }
0x126: {  	v62 =	vld [tilespmem:s16+$0xAE50];
	v34 =	vadd.f32 s31, v3;
	v12 =	vmul.f32 v13, v12;
	v13 =	vmul.f32 v17, v33  }
0x127: {  	v30 =	vld [tilespmem:s16+$0xAE70];
	v17 =	vmax.f32 v35, $0.0e+00;
	v14 =	vsub.f32 v14, v19;
	v19 =	vmin.f32 v10, v40  }
0x128: {  	v48 =	vld [tilespmem:s16+$0x9A50];
	v54 =	vmax.f32 v23, $0.0e+00;
	v23 =	vmax.f32 v7, v55;
	v19 =	vsub.f32 v19, v51  }
0x129: {  	v28 =	vld [tilespmem:s16+$0x7260];
	v15 =	vmul.f32 v15, v17;
	v17 =	vadd.f32 v42, v11;
	v29 =	vsub.f32 v25, v23  }
0x12a: {  	v22 =	vmax.f32 v22, $0.0e+00;
	v24 =	vadd.f32 v63, v11;
	v37 =	vadd.f32 $3.200000000e+01, v34  }
0x12b: {  	v50 =	vld [tilespmem:s16+$0x5E60];
	v16 =	vsub.f32 v16, v12;
	v41 =	vsub.f32 v21, v13;
	v14 =	vmax.f32 v14, $0.0e+00  }
0x12c: {  	v53 =	vld [tilespmem:s16+$0x9A60];
	v32 =	vadd.f32 v62, v11;
	v33 =	vadd.f32 v30, v11;
	v14 =	vmul.f32 v14, v18  }
0x12d: {  	v21 =	vsub.f32 v43, v15;
	v18 =	vmin.f32 v10, v48;
	v16 =	vadd.f32 $1.000000010e-07, v16  }
0x12e: {  	v60 =	vld [tilespmem:s16+$0x9A70];
	v61 =	vmin.f32 v8, v28;
	v20 =	vadd.f32 $1.000000010e-07, v41;
	v18 =	vsub.f32 v18, v58  }
0x12f: {  	v19 =	vmax.f32 v19, $0.0e+00;
	v47 =	vsub.f32 v45, v14;
	v49 =	vadd.f32 $1.000000010e-07, v21  }
0x130: {  	v21 =	vmax.f32 v7, v50;
	(erf) = vrcp.f32 v16;
	v18 =	vmax.f32 v18, $0.0e+00  }
0x131: {  	(erf) = vrcp.f32 v20;
	v16 =	vadd.f32 $1.000000010e-07, v47;
	v20 =	vmin.f32 v10, v53  }
0x132: {  	v21 =	vsub.f32 v61, v21;
	(erf) = vrcp.f32 v49;
	v20 =	vsub.f32 v20, v26  }
0x133: {  	(erf) = vrcp.f32 v16;
	v16 =	vmul.f32 v19, v54;
	v19 =	vmin.f32 v10, v60  }
0x134: {  	v40 =	vadd.f32 $3.200000000e+01, v37;
	v18 =	vmul.f32 v18, v22;
	v19 =	vsub.f32 v19, v31  }
0x135: {  	v22 =	vmax.f32 v29, $0.0e+00;
	v21 =	vmax.f32 v21, $0.0e+00;
	v20 =	vmax.f32 v20, $0.0e+00  }
0x136: {  	v17 =	vsub.f32 v17, v16;
	v20 =	vmul.f32 v20, v21;
	v19 =	vmax.f32 v19, $0.0e+00  }
0x137: {  	v44 =	vadd.f32 $3.200000000e+01, v40;
	v21 =	vsub.f32 v32, v18;
	v19 =	vmul.f32 v19, v22  }
0x138: {  	v17 =	vadd.f32 $1.000000010e-07, v17;
	v35 =	vsub.f32 v24, v20  }
0x139: {  	v21 =	vadd.f32 $1.000000010e-07, v21;
	v22 =	vsub.f32 v33, v19  }
0x13a: {  	v47 =	vadd.f32 $3.200000000e+01, v44;
	(erf) = vrcp.f32 v17;
	v17 =	vadd.f32 $1.000000010e-07, v35  }
0x13b: {  	v36 =	vpop (erf);
	(erf) = vrcp.f32 v21;
	v22 =	vadd.f32 $1.000000010e-07, v22  }
0x13c: {  	v50 =	vadd.f32 $3.200000000e+01, v47;
	v38 =	vpop (erf);
	(erf) = vrcp.f32 v17  }
0x13d: {  	v12 =	vmul.f32 v36, v12;
	(erf) = vrcp.f32 v22  }
0x13e: {  	v55 =	vadd.f32 $3.200000000e+01, v50;
	v13 =	vmul.f32 v38, v13;
	v41 =	vpop (erf)  }
0x13f: {  	v39 =	vsub.f32 v34, v12;
	vm0 =	vgt.f32 v12, $5.000000000e-01;
	v43 =	vpop (erf);
	v15 =	vmul.f32 v41, v15  }
0x140: {  	vm1 =	vgt.f32 v13, $5.000000000e-01;
	v42 =	vsub.f32 v37, v13;
	v13 =	vmul.f32 v43, v14  }
0x141: {  	v17 =	vmin.f32 v39, $1.000000000e+09;
	v46 =	vsub.f32 v40, v15;
	vm10 =	vgt.f32 v15, $5.000000000e-01  }
0x142: {  	v17 =	vnsel vm0, $0x4E6E6B28, v17;
	v12 =	vnsel vm1, $0x4E6E6B28, v42;
	v48 =	vsub.f32 v44, v13  }
0x143: {  	vm11 =	vgt.f32 v13, $5.000000000e-01;
	v12 =	vmin.f32 v17, v12;
	v49 =	vnsel vm10, $0x4E6E6B28, v46;
	v45 =	vpop (erf)  }
0x144: {  	v12 =	vmin.f32 v12, v49;
	v15 =	vnsel vm11, $0x4E6E6B28, v48;
	v14 =	vmul.f32 v45, v16;
	v51 =	vpop (erf)  }
0x145: {  	v59 =	vadd.f32 $3.200000000e+01, v55;
	v12 =	vmin.f32 v12, v15;
	v53 =	vpop (erf);
	v54 =	vmul.f32 v51, v18  }
0x146: {  	v52 =	vsub.f32 v47, v14;
	vm12 =	vgt.f32 v14, $5.000000000e-01;
	v57 =	vmul.f32 v53, v20;
	v58 =	vpop (erf)  }
0x147: {  	v13 =	vsub.f32 v50, v54;
	vm13 =	vgt.f32 v54, $5.000000000e-01;
	v18 =	vmul.f32 v58, v19  }
0x148: {  	v56 =	vnsel vm12, $0x4E6E6B28, v52;
	v60 =	vsub.f32 v55, v57;
	vm14 =	vgt.f32 v57, $5.000000000e-01  }
0x149: {  	v12 =	vmin.f32 v12, v56;
	v13 =	vnsel vm13, $0x4E6E6B28, v13;
	v61 =	vsub.f32 v59, v18  }
0x14a: {  	v12 =	vmin.f32 v12, v13;
	v62 =	vnsel vm14, $0x4E6E6B28, v60;
	vm15 =	vgt.f32 v18, $5.000000000e-01  }
0x14b: {  	v12 =	vmin.f32 v12, v62;
	v63 =	vnsel vm15, $0x4E6E6B28, v61  }
0x14c: {  	v12 =	vmin.f32 v12, v63  }
0x14d: {  	v13 =	vperm.xlane v12, v0;
	_ =	sdelay $0x1  }
0x14e: {  	v12 =	vmin.f32 v12, v13  }
0x14f: {  	v13 =	vperm.xlane v12, v1;
	_ =	sdelay $0x1  }
0x150: {  	v12 =	vmin.f32 v12, v13  }
0x151: {  	v13 =	vperm.xlane v12, v2;
	_ =	sdelay $0x1  }
0x152: {  	v12 =	vmin.f32 v12, v13  }
0x153: {  	v13 =	vperm.xlane v12, v4;
	_ =	sdelay $0x1  }
0x154: {  	v12 =	vmin.f32 v12, v13  }
0x155: {  	(v2sf) =	vpush v12, $0x0;
	_ =	sdelay $0xb  }
.Ltmp12:
0x156: {  	_ = 	snop;
	(pc) =	sbr.rel .LBB2_11-.Ltmp12, $3  }
0x157: {  	_ =	sdelay $0x1  }
0x158: {  	s16 =	spop (v2sf)  }
0x159: {  	[smem:$0x0] =	sst s16  }
.LBB2_12:
.Ltmp13:
0x15a: {  	(pc) =	sbr.rel .LBB2_13-.Ltmp13, $2  }
0x15b: {  	_ =	sdelay $0x2  }
0x15c: {  	s18 =	simm.s32 $0x0;
	s19 =	simm.s32 $0x2;
	s17 =	smov.u32 s14  }
.LBB2_15:
0x15d: {  	s18 =	sadd.s32 $0x200, s18  }
0x15e: {  	p0 =	sne.s32 s18, $0x1000  }
.Ltmp14:
0x15f: {  	_ = 	snop;
	(pc) =	sbr.rel @!p0 .LBB2_16-.Ltmp14, $2  }
0x160: {  	_ =	sdelay $0x2  }
0x161: {  	s19 =	sadd.s32 $0x100, s19  }
.LBB2_13:
0x162: {  	p0 =	sgt.f32 s17, $1.000000000e+08  }
.Ltmp15:
0x163: {  	_ = 	snop;
	(pc) =	sbr.rel @!p0 .LBB2_15-.Ltmp15, $1  }
0x164: {  	_ =	sdelay $0x3  }
0x165: {  	s17 =	sshra.s32 s18, $0x2  }
0x166: {  	v12 =	vld [tilespmem:s17+$0x6200]  }
0x167: {  	v13 =	vld [tilespmem:s17+$0x7600]  }
0x168: {  	v14 =	vld [tilespmem:s17+$0x8A00]  }
0x169: {  	v15 =	vld [tilespmem:s17+$0x9E00]  }
0x16a: {  	v16 =	vld [tilespmem:s17+$0xB200]  }
0x16b: {  	v17 =	vld [tilespmem:s17+$0x6210]  }
0x16c: {  	v18 =	vld [tilespmem:s17+$0x7610]  }
0x16d: {  	v19 =	vld [tilespmem:s17+$0x8A10]  }
0x16e: {  	v20 =	vld [tilespmem:s17+$0x9E10]  }
0x16f: {  	v21 =	vld [tilespmem:s17+$0xB210]  }
0x170: {  	v22 =	vld [tilespmem:s17+$0x6220]  }
0x171: {  	v23 =	vld [tilespmem:s17+$0x7620]  }
0x172: {  	v24 =	vld [tilespmem:s17+$0x8A20]  }
0x173: {  	v63 =	vld [tilespmem:s17+$0x9E20]  }
0x174: {  	v29 =	vld [tilespmem:s17+$0x6230]  }
0x175: {  	v31 =	vld [tilespmem:s17+$0x7630]  }
0x176: {  	v32 =	vld [tilespmem:s17+$0x8A30]  }
0x177: {  	v25 =	vld [tilespmem:s17+$0xB220]  }
0x178: {  	v36 =	vld [tilespmem:s17+$0xB230]  }
0x179: {  	v38 =	vld [tilespmem:s17+$0x6240]  }
0x17a: {  	v26 =	vld [tilespmem:s17+$0x8A40]  }
0x17b: {  	v44 =	vld [tilespmem:s17+$0x6250];
	v13 =	vmin.f32 v8, v13;
	v12 =	vmax.f32 v7, v12  }
0x17c: {  	v27 =	vld [tilespmem:s17+$0x8A50];
	v62 =	vmin.f32 v10, v15;
	v14 =	vmax.f32 v9, v14;
	v28 =	vmin.f32 v8, v18  }
0x17d: {  	v52 =	vld [tilespmem:s17+$0x8A60];
	v17 =	vmax.f32 v7, v17;
	v30 =	vmin.f32 v10, v20;
	v19 =	vmax.f32 v9, v19  }
0x17e: {  	v57 =	vld [tilespmem:s17+$0x7670];
	v23 =	vmin.f32 v8, v23;
	v22 =	vmax.f32 v7, v22;
	v16 =	vadd.f32 v16, v11  }
0x17f: {  	v59 =	vld [tilespmem:s17+$0x8A70];
	v21 =	vadd.f32 v21, v11;
	v15 =	vmin.f32 v10, v63;
	v37 =	vmax.f32 v9, v24  }
0x180: {  	v39 =	vld [tilespmem:s17+$0x7640];
	v20 =	vmin.f32 v8, v31;
	v18 =	vmax.f32 v7, v29;
	v43 =	vadd.f32 v25, v11  }
0x181: {  	v46 =	vld [tilespmem:s17+$0x7650];
	v45 =	vadd.f32 v36, v11;
	v24 =	vmax.f32 v7, v38;
	v51 =	vmax.f32 v9, v26  }
0x182: {  	v56 =	vmax.f32 v7, v44;
	v58 =	vmax.f32 v9, v27;
	v26 =	vmax.f32 v9, v52  }
0x183: {  	v25 =	vmin.f32 v8, v57;
	v12 =	vsub.f32 v13, v12;
	v13 =	vsub.f32 v62, v14  }
0x184: {  	v34 =	vld [tilespmem:s17+$0x9E30];
	v31 =	vmax.f32 v9, v59;
	v14 =	vsub.f32 v28, v17;
	v17 =	vsub.f32 v30, v19  }
0x185: {  	v35 =	vsub.f32 v23, v22;
	v15 =	vsub.f32 v15, v37;
	v19 =	vmax.f32 v9, v32  }
0x186: {  	v40 =	vld [tilespmem:s17+$0x9E40];
	v18 =	vsub.f32 v20, v18;
	v23 =	vmin.f32 v8, v39;
	v22 =	vmin.f32 v8, v46  }
0x187: {  	v55 =	vld [tilespmem:s17+$0x6270];
	v23 =	vsub.f32 v23, v24;
	v22 =	vsub.f32 v22, v56;
	v12 =	vmax.f32 v12, $0.0e+00  }
0x188: {  	s31 =	scvt.s32.f32 s19;
	v42 =	vld [tilespmem:s17+$0xB240];
	v13 =	vmax.f32 v13, $0.0e+00;
	v33 =	vmax.f32 v14, $0.0e+00;
	v17 =	vmax.f32 v17, $0.0e+00  }
0x189: {  	v63 =	vld [tilespmem:s17+$0xB260];
	v14 =	vmin.f32 v10, v34;
	v15 =	vmax.f32 v15, $0.0e+00;
	v18 =	vmax.f32 v18, $0.0e+00  }
0x18a: {  	v62 =	vld [tilespmem:s17+$0xB250];
	v34 =	vadd.f32 s31, v3;
	v12 =	vmul.f32 v13, v12;
	v13 =	vmul.f32 v17, v33  }
0x18b: {  	v30 =	vld [tilespmem:s17+$0xB270];
	v17 =	vmax.f32 v35, $0.0e+00;
	v14 =	vsub.f32 v14, v19;
	v19 =	vmin.f32 v10, v40  }
0x18c: {  	v48 =	vld [tilespmem:s17+$0x9E50];
	v54 =	vmax.f32 v23, $0.0e+00;
	v23 =	vmax.f32 v7, v55;
	v19 =	vsub.f32 v19, v51  }
0x18d: {  	v28 =	vld [tilespmem:s17+$0x7660];
	v15 =	vmul.f32 v15, v17;
	v17 =	vadd.f32 v42, v11;
	v29 =	vsub.f32 v25, v23  }
0x18e: {  	v22 =	vmax.f32 v22, $0.0e+00;
	v24 =	vadd.f32 v63, v11;
	v37 =	vadd.f32 $3.200000000e+01, v34  }
0x18f: {  	v50 =	vld [tilespmem:s17+$0x6260];
	v16 =	vsub.f32 v16, v12;
	v41 =	vsub.f32 v21, v13;
	v14 =	vmax.f32 v14, $0.0e+00  }
0x190: {  	v53 =	vld [tilespmem:s17+$0x9E60];
	v32 =	vadd.f32 v62, v11;
	v33 =	vadd.f32 v30, v11;
	v14 =	vmul.f32 v14, v18  }
0x191: {  	v21 =	vsub.f32 v43, v15;
	v18 =	vmin.f32 v10, v48;
	v16 =	vadd.f32 $1.000000010e-07, v16  }
0x192: {  	v60 =	vld [tilespmem:s17+$0x9E70];
	v61 =	vmin.f32 v8, v28;
	v20 =	vadd.f32 $1.000000010e-07, v41;
	v18 =	vsub.f32 v18, v58  }
0x193: {  	v19 =	vmax.f32 v19, $0.0e+00;
	v47 =	vsub.f32 v45, v14;
	v49 =	vadd.f32 $1.000000010e-07, v21  }
0x194: {  	v21 =	vmax.f32 v7, v50;
	(erf) = vrcp.f32 v16;
	v18 =	vmax.f32 v18, $0.0e+00  }
0x195: {  	(erf) = vrcp.f32 v20;
	v16 =	vadd.f32 $1.000000010e-07, v47;
	v20 =	vmin.f32 v10, v53  }
0x196: {  	v21 =	vsub.f32 v61, v21;
	(erf) = vrcp.f32 v49;
	v20 =	vsub.f32 v20, v26  }
0x197: {  	(erf) = vrcp.f32 v16;
	v16 =	vmul.f32 v19, v54;
	v19 =	vmin.f32 v10, v60  }
0x198: {  	v40 =	vadd.f32 $3.200000000e+01, v37;
	v18 =	vmul.f32 v18, v22;
	v19 =	vsub.f32 v19, v31  }
0x199: {  	v22 =	vmax.f32 v29, $0.0e+00;
	v21 =	vmax.f32 v21, $0.0e+00;
	v20 =	vmax.f32 v20, $0.0e+00  }
0x19a: {  	v17 =	vsub.f32 v17, v16;
	v20 =	vmul.f32 v20, v21;
	v19 =	vmax.f32 v19, $0.0e+00  }
0x19b: {  	v44 =	vadd.f32 $3.200000000e+01, v40;
	v21 =	vsub.f32 v32, v18;
	v19 =	vmul.f32 v19, v22  }
0x19c: {  	v17 =	vadd.f32 $1.000000010e-07, v17;
	v35 =	vsub.f32 v24, v20  }
0x19d: {  	v21 =	vadd.f32 $1.000000010e-07, v21;
	v22 =	vsub.f32 v33, v19  }
0x19e: {  	v47 =	vadd.f32 $3.200000000e+01, v44;
	(erf) = vrcp.f32 v17;
	v17 =	vadd.f32 $1.000000010e-07, v35  }
0x19f: {  	v36 =	vpop (erf);
	(erf) = vrcp.f32 v21;
	v22 =	vadd.f32 $1.000000010e-07, v22  }
0x1a0: {  	v50 =	vadd.f32 $3.200000000e+01, v47;
	v38 =	vpop (erf);
	(erf) = vrcp.f32 v17  }
0x1a1: {  	v12 =	vmul.f32 v36, v12;
	(erf) = vrcp.f32 v22  }
0x1a2: {  	v55 =	vadd.f32 $3.200000000e+01, v50;
	v13 =	vmul.f32 v38, v13;
	v41 =	vpop (erf)  }
0x1a3: {  	v39 =	vsub.f32 v34, v12;
	vm0 =	vgt.f32 v12, $5.000000000e-01;
	v43 =	vpop (erf);
	v15 =	vmul.f32 v41, v15  }
0x1a4: {  	vm1 =	vgt.f32 v13, $5.000000000e-01;
	v42 =	vsub.f32 v37, v13;
	v13 =	vmul.f32 v43, v14  }
0x1a5: {  	v17 =	vmin.f32 v39, $1.000000000e+09;
	v46 =	vsub.f32 v40, v15;
	vm10 =	vgt.f32 v15, $5.000000000e-01  }
0x1a6: {  	v17 =	vnsel vm0, $0x4E6E6B28, v17;
	v12 =	vnsel vm1, $0x4E6E6B28, v42;
	v48 =	vsub.f32 v44, v13  }
0x1a7: {  	vm11 =	vgt.f32 v13, $5.000000000e-01;
	v12 =	vmin.f32 v17, v12;
	v49 =	vnsel vm10, $0x4E6E6B28, v46;
	v45 =	vpop (erf)  }
0x1a8: {  	v12 =	vmin.f32 v12, v49;
	v15 =	vnsel vm11, $0x4E6E6B28, v48;
	v14 =	vmul.f32 v45, v16;
	v51 =	vpop (erf)  }
0x1a9: {  	v59 =	vadd.f32 $3.200000000e+01, v55;
	v12 =	vmin.f32 v12, v15;
	v53 =	vpop (erf);
	v54 =	vmul.f32 v51, v18  }
0x1aa: {  	v52 =	vsub.f32 v47, v14;
	vm12 =	vgt.f32 v14, $5.000000000e-01;
	v57 =	vmul.f32 v53, v20;
	v58 =	vpop (erf)  }
0x1ab: {  	v13 =	vsub.f32 v50, v54;
	vm13 =	vgt.f32 v54, $5.000000000e-01;
	v18 =	vmul.f32 v58, v19  }
0x1ac: {  	v56 =	vnsel vm12, $0x4E6E6B28, v52;
	v60 =	vsub.f32 v55, v57;
	vm14 =	vgt.f32 v57, $5.000000000e-01  }
0x1ad: {  	v12 =	vmin.f32 v12, v56;
	v13 =	vnsel vm13, $0x4E6E6B28, v13;
	v61 =	vsub.f32 v59, v18  }
0x1ae: {  	v12 =	vmin.f32 v12, v13;
	v62 =	vnsel vm14, $0x4E6E6B28, v60;
	vm15 =	vgt.f32 v18, $5.000000000e-01  }
0x1af: {  	v12 =	vmin.f32 v12, v62;
	v63 =	vnsel vm15, $0x4E6E6B28, v61  }
0x1b0: {  	v12 =	vmin.f32 v12, v63  }
0x1b1: {  	v13 =	vperm.xlane v12, v0;
	_ =	sdelay $0x1  }
0x1b2: {  	v12 =	vmin.f32 v12, v13  }
0x1b3: {  	v13 =	vperm.xlane v12, v1;
	_ =	sdelay $0x1  }
0x1b4: {  	v12 =	vmin.f32 v12, v13  }
0x1b5: {  	v13 =	vperm.xlane v12, v2;
	_ =	sdelay $0x1  }
0x1b6: {  	v12 =	vmin.f32 v12, v13  }
0x1b7: {  	v13 =	vperm.xlane v12, v4;
	_ =	sdelay $0x1  }
0x1b8: {  	v12 =	vmin.f32 v12, v13  }
0x1b9: {  	(v2sf) =	vpush v12, $0x0;
	_ =	sdelay $0xb  }
.Ltmp16:
0x1ba: {  	_ = 	snop;
	(pc) =	sbr.rel .LBB2_15-.Ltmp16, $3  }
0x1bb: {  	_ =	sdelay $0x1  }
0x1bc: {  	s17 =	spop (v2sf)  }
0x1bd: {  	[smem:$0x0] =	sst s17  }
.LBB2_16:
.Ltmp17:
0x1be: {  	(pc) =	sbr.rel .LBB2_17-.Ltmp17, $2  }
0x1bf: {  	_ =	sdelay $0x2  }
0x1c0: {  	s19 =	simm.s32 $0x0;
	s20 =	simm.s32 $0x2;
	s18 =	smov.u32 s14  }
.LBB2_19:
0x1c1: {  	s19 =	sadd.s32 $0x200, s19  }
0x1c2: {  	p0 =	sne.s32 s19, $0x1000  }
.Ltmp18:
0x1c3: {  	_ = 	snop;
	(pc) =	sbr.rel @!p0 .LBB2_20-.Ltmp18, $2  }
0x1c4: {  	_ =	sdelay $0x2  }
0x1c5: {  	s20 =	sadd.s32 $0x100, s20  }
.LBB2_17:
0x1c6: {  	p0 =	sgt.f32 s18, $1.000000000e+08  }
.Ltmp19:
0x1c7: {  	_ = 	snop;
	(pc) =	sbr.rel @!p0 .LBB2_19-.Ltmp19, $1  }
0x1c8: {  	_ =	sdelay $0x3  }
0x1c9: {  	s18 =	sshra.s32 s19, $0x2  }
0x1ca: {  	v12 =	vld [tilespmem:s18+$0x6600]  }
0x1cb: {  	v13 =	vld [tilespmem:s18+$0x7A00]  }
0x1cc: {  	v14 =	vld [tilespmem:s18+$0x8E00]  }
0x1cd: {  	v15 =	vld [tilespmem:s18+$0xA200]  }
0x1ce: {  	v16 =	vld [tilespmem:s18+$0xB600]  }
0x1cf: {  	v17 =	vld [tilespmem:s18+$0x6610]  }
0x1d0: {  	v18 =	vld [tilespmem:s18+$0x7A10]  }
0x1d1: {  	v19 =	vld [tilespmem:s18+$0x8E10]  }
0x1d2: {  	v20 =	vld [tilespmem:s18+$0xA210]  }
0x1d3: {  	v21 =	vld [tilespmem:s18+$0xB610]  }
0x1d4: {  	v22 =	vld [tilespmem:s18+$0x6620]  }
0x1d5: {  	v23 =	vld [tilespmem:s18+$0x7A20]  }
0x1d6: {  	v24 =	vld [tilespmem:s18+$0x8E20]  }
0x1d7: {  	v63 =	vld [tilespmem:s18+$0xA220]  }
0x1d8: {  	v29 =	vld [tilespmem:s18+$0x6630]  }
0x1d9: {  	v31 =	vld [tilespmem:s18+$0x7A30]  }
0x1da: {  	v32 =	vld [tilespmem:s18+$0x8E30]  }
0x1db: {  	v25 =	vld [tilespmem:s18+$0xB620]  }
0x1dc: {  	v36 =	vld [tilespmem:s18+$0xB630]  }
0x1dd: {  	v38 =	vld [tilespmem:s18+$0x6640]  }
0x1de: {  	v26 =	vld [tilespmem:s18+$0x8E40]  }
0x1df: {  	v44 =	vld [tilespmem:s18+$0x6650];
	v13 =	vmin.f32 v8, v13;
	v12 =	vmax.f32 v7, v12  }
0x1e0: {  	v27 =	vld [tilespmem:s18+$0x8E50];
	v62 =	vmin.f32 v10, v15;
	v14 =	vmax.f32 v9, v14;
	v28 =	vmin.f32 v8, v18  }
0x1e1: {  	v52 =	vld [tilespmem:s18+$0x8E60];
	v17 =	vmax.f32 v7, v17;
	v30 =	vmin.f32 v10, v20;
	v19 =	vmax.f32 v9, v19  }
0x1e2: {  	v57 =	vld [tilespmem:s18+$0x7A70];
	v23 =	vmin.f32 v8, v23;
	v22 =	vmax.f32 v7, v22;
	v16 =	vadd.f32 v16, v11  }
0x1e3: {  	v59 =	vld [tilespmem:s18+$0x8E70];
	v21 =	vadd.f32 v21, v11;
	v15 =	vmin.f32 v10, v63;
	v37 =	vmax.f32 v9, v24  }
0x1e4: {  	v39 =	vld [tilespmem:s18+$0x7A40];
	v20 =	vmin.f32 v8, v31;
	v18 =	vmax.f32 v7, v29;
	v43 =	vadd.f32 v25, v11  }
0x1e5: {  	v46 =	vld [tilespmem:s18+$0x7A50];
	v45 =	vadd.f32 v36, v11;
	v24 =	vmax.f32 v7, v38;
	v51 =	vmax.f32 v9, v26  }
0x1e6: {  	v56 =	vmax.f32 v7, v44;
	v58 =	vmax.f32 v9, v27;
	v26 =	vmax.f32 v9, v52  }
0x1e7: {  	v25 =	vmin.f32 v8, v57;
	v12 =	vsub.f32 v13, v12;
	v13 =	vsub.f32 v62, v14  }
0x1e8: {  	v34 =	vld [tilespmem:s18+$0xA230];
	v31 =	vmax.f32 v9, v59;
	v14 =	vsub.f32 v28, v17;
	v17 =	vsub.f32 v30, v19  }
0x1e9: {  	v35 =	vsub.f32 v23, v22;
	v15 =	vsub.f32 v15, v37;
	v19 =	vmax.f32 v9, v32  }
0x1ea: {  	v40 =	vld [tilespmem:s18+$0xA240];
	v18 =	vsub.f32 v20, v18;
	v23 =	vmin.f32 v8, v39;
	v22 =	vmin.f32 v8, v46  }
0x1eb: {  	v55 =	vld [tilespmem:s18+$0x6670];
	v23 =	vsub.f32 v23, v24;
	v22 =	vsub.f32 v22, v56;
	v12 =	vmax.f32 v12, $0.0e+00  }
0x1ec: {  	s31 =	scvt.s32.f32 s20;
	v42 =	vld [tilespmem:s18+$0xB640];
	v13 =	vmax.f32 v13, $0.0e+00;
	v33 =	vmax.f32 v14, $0.0e+00;
	v17 =	vmax.f32 v17, $0.0e+00  }
0x1ed: {  	v63 =	vld [tilespmem:s18+$0xB660];
	v14 =	vmin.f32 v10, v34;
	v15 =	vmax.f32 v15, $0.0e+00;
	v18 =	vmax.f32 v18, $0.0e+00  }
0x1ee: {  	v62 =	vld [tilespmem:s18+$0xB650];
	v34 =	vadd.f32 s31, v3;
	v12 =	vmul.f32 v13, v12;
	v13 =	vmul.f32 v17, v33  }
0x1ef: {  	v30 =	vld [tilespmem:s18+$0xB670];
	v17 =	vmax.f32 v35, $0.0e+00;
	v14 =	vsub.f32 v14, v19;
	v19 =	vmin.f32 v10, v40  }
0x1f0: {  	v48 =	vld [tilespmem:s18+$0xA250];
	v54 =	vmax.f32 v23, $0.0e+00;
	v23 =	vmax.f32 v7, v55;
	v19 =	vsub.f32 v19, v51  }
0x1f1: {  	v28 =	vld [tilespmem:s18+$0x7A60];
	v15 =	vmul.f32 v15, v17;
	v17 =	vadd.f32 v42, v11;
	v29 =	vsub.f32 v25, v23  }
0x1f2: {  	v22 =	vmax.f32 v22, $0.0e+00;
	v24 =	vadd.f32 v63, v11;
	v37 =	vadd.f32 $3.200000000e+01, v34  }
0x1f3: {  	v50 =	vld [tilespmem:s18+$0x6660];
	v16 =	vsub.f32 v16, v12;
	v41 =	vsub.f32 v21, v13;
	v14 =	vmax.f32 v14, $0.0e+00  }
0x1f4: {  	v53 =	vld [tilespmem:s18+$0xA260];
	v32 =	vadd.f32 v62, v11;
	v33 =	vadd.f32 v30, v11;
	v14 =	vmul.f32 v14, v18  }
0x1f5: {  	v21 =	vsub.f32 v43, v15;
	v18 =	vmin.f32 v10, v48;
	v16 =	vadd.f32 $1.000000010e-07, v16  }
0x1f6: {  	v60 =	vld [tilespmem:s18+$0xA270];
	v61 =	vmin.f32 v8, v28;
	v20 =	vadd.f32 $1.000000010e-07, v41;
	v18 =	vsub.f32 v18, v58  }
0x1f7: {  	v19 =	vmax.f32 v19, $0.0e+00;
	v47 =	vsub.f32 v45, v14;
	v49 =	vadd.f32 $1.000000010e-07, v21  }
0x1f8: {  	v21 =	vmax.f32 v7, v50;
	(erf) = vrcp.f32 v16;
	v18 =	vmax.f32 v18, $0.0e+00  }
0x1f9: {  	(erf) = vrcp.f32 v20;
	v16 =	vadd.f32 $1.000000010e-07, v47;
	v20 =	vmin.f32 v10, v53  }
0x1fa: {  	v21 =	vsub.f32 v61, v21;
	(erf) = vrcp.f32 v49;
	v20 =	vsub.f32 v20, v26  }
0x1fb: {  	(erf) = vrcp.f32 v16;
	v16 =	vmul.f32 v19, v54;
	v19 =	vmin.f32 v10, v60  }
0x1fc: {  	v40 =	vadd.f32 $3.200000000e+01, v37;
	v18 =	vmul.f32 v18, v22;
	v19 =	vsub.f32 v19, v31  }
0x1fd: {  	v22 =	vmax.f32 v29, $0.0e+00;
	v21 =	vmax.f32 v21, $0.0e+00;
	v20 =	vmax.f32 v20, $0.0e+00  }
0x1fe: {  	v17 =	vsub.f32 v17, v16;
	v20 =	vmul.f32 v20, v21;
	v19 =	vmax.f32 v19, $0.0e+00  }
0x1ff: {  	v44 =	vadd.f32 $3.200000000e+01, v40;
	v21 =	vsub.f32 v32, v18;
	v19 =	vmul.f32 v19, v22  }
0x200: {  	v17 =	vadd.f32 $1.000000010e-07, v17;
	v35 =	vsub.f32 v24, v20  }
0x201: {  	v21 =	vadd.f32 $1.000000010e-07, v21;
	v22 =	vsub.f32 v33, v19  }
0x202: {  	v47 =	vadd.f32 $3.200000000e+01, v44;
	(erf) = vrcp.f32 v17;
	v17 =	vadd.f32 $1.000000010e-07, v35  }
0x203: {  	v36 =	vpop (erf);
	(erf) = vrcp.f32 v21;
	v22 =	vadd.f32 $1.000000010e-07, v22  }
0x204: {  	v50 =	vadd.f32 $3.200000000e+01, v47;
	v38 =	vpop (erf);
	(erf) = vrcp.f32 v17  }
0x205: {  	v12 =	vmul.f32 v36, v12;
	(erf) = vrcp.f32 v22  }
0x206: {  	v55 =	vadd.f32 $3.200000000e+01, v50;
	v13 =	vmul.f32 v38, v13;
	v41 =	vpop (erf)  }
0x207: {  	v39 =	vsub.f32 v34, v12;
	vm0 =	vgt.f32 v12, $5.000000000e-01;
	v43 =	vpop (erf);
	v15 =	vmul.f32 v41, v15  }
0x208: {  	vm1 =	vgt.f32 v13, $5.000000000e-01;
	v42 =	vsub.f32 v37, v13;
	v13 =	vmul.f32 v43, v14  }
0x209: {  	v17 =	vmin.f32 v39, $1.000000000e+09;
	v46 =	vsub.f32 v40, v15;
	vm10 =	vgt.f32 v15, $5.000000000e-01  }
0x20a: {  	v17 =	vnsel vm0, $0x4E6E6B28, v17;
	v12 =	vnsel vm1, $0x4E6E6B28, v42;
	v48 =	vsub.f32 v44, v13  }
0x20b: {  	vm11 =	vgt.f32 v13, $5.000000000e-01;
	v12 =	vmin.f32 v17, v12;
	v49 =	vnsel vm10, $0x4E6E6B28, v46;
	v45 =	vpop (erf)  }
0x20c: {  	v12 =	vmin.f32 v12, v49;
	v15 =	vnsel vm11, $0x4E6E6B28, v48;
	v14 =	vmul.f32 v45, v16;
	v51 =	vpop (erf)  }
0x20d: {  	v59 =	vadd.f32 $3.200000000e+01, v55;
	v12 =	vmin.f32 v12, v15;
	v53 =	vpop (erf);
	v54 =	vmul.f32 v51, v18  }
0x20e: {  	v52 =	vsub.f32 v47, v14;
	vm12 =	vgt.f32 v14, $5.000000000e-01;
	v57 =	vmul.f32 v53, v20;
	v58 =	vpop (erf)  }
0x20f: {  	v13 =	vsub.f32 v50, v54;
	vm13 =	vgt.f32 v54, $5.000000000e-01;
	v18 =	vmul.f32 v58, v19  }
0x210: {  	v56 =	vnsel vm12, $0x4E6E6B28, v52;
	v60 =	vsub.f32 v55, v57;
	vm14 =	vgt.f32 v57, $5.000000000e-01  }
0x211: {  	v12 =	vmin.f32 v12, v56;
	v13 =	vnsel vm13, $0x4E6E6B28, v13;
	v61 =	vsub.f32 v59, v18  }
0x212: {  	v12 =	vmin.f32 v12, v13;
	v62 =	vnsel vm14, $0x4E6E6B28, v60;
	vm15 =	vgt.f32 v18, $5.000000000e-01  }
0x213: {  	v12 =	vmin.f32 v12, v62;
	v63 =	vnsel vm15, $0x4E6E6B28, v61  }
0x214: {  	v12 =	vmin.f32 v12, v63  }
0x215: {  	v13 =	vperm.xlane v12, v0;
	_ =	sdelay $0x1  }
0x216: {  	v12 =	vmin.f32 v12, v13  }
0x217: {  	v13 =	vperm.xlane v12, v1;
	_ =	sdelay $0x1  }
0x218: {  	v12 =	vmin.f32 v12, v13  }
0x219: {  	v13 =	vperm.xlane v12, v2;
	_ =	sdelay $0x1  }
0x21a: {  	v12 =	vmin.f32 v12, v13  }
0x21b: {  	v13 =	vperm.xlane v12, v4;
	_ =	sdelay $0x1  }
0x21c: {  	v12 =	vmin.f32 v12, v13  }
0x21d: {  	(v2sf) =	vpush v12, $0x0;
	_ =	sdelay $0xa  }
.Ltmp20:
0x21e: {  	_ = 	snop;
	(pc) =	sbr.rel .LBB2_19-.Ltmp20, $2  }
0x21f: {  	_ =	sdelay $0x2  }
0x220: {  	s18 =	spop (v2sf)  }
.LBB2_20:
.Ltmp21:
0x221: {  	(pc) =	sbr.rel .LBB2_21-.Ltmp21, $2  }
0x222: {  	_ =	sdelay $0x2  }
0x223: {  	[smem:$0x0] =	sst s14;
	s19 =	simm.s32 $0x0;
	s20 =	simm.s32 $0x2  }
.LBB2_23:
0x224: {  	s19 =	sadd.s32 $0x200, s19  }
0x225: {  	p0 =	sne.s32 s19, $0x1000  }
.Ltmp22:
0x226: {  	_ = 	snop;
	(pc) =	sbr.rel @!p0 .LBB2_24-.Ltmp22, $2  }
0x227: {  	_ =	sdelay $0x2  }
0x228: {  	s20 =	sadd.s32 $0x100, s20  }
.LBB2_21:
0x229: {  	p0 =	sgt.f32 s14, $1.000000000e+08  }
.Ltmp23:
0x22a: {  	_ = 	snop;
	(pc) =	sbr.rel @!p0 .LBB2_23-.Ltmp23, $1  }
0x22b: {  	_ =	sdelay $0x3  }
0x22c: {  	s14 =	sshra.s32 s19, $0x2  }
0x22d: {  	v12 =	vld [tilespmem:s14+$0x6A00]  }
0x22e: {  	v13 =	vld [tilespmem:s14+$0x7E00]  }
0x22f: {  	v14 =	vld [tilespmem:s14+$0x9200]  }
0x230: {  	v15 =	vld [tilespmem:s14+$0xA600]  }
0x231: {  	v16 =	vld [tilespmem:s14+$0xBA00]  }
0x232: {  	v17 =	vld [tilespmem:s14+$0x6A10]  }
0x233: {  	v18 =	vld [tilespmem:s14+$0x7E10]  }
0x234: {  	v19 =	vld [tilespmem:s14+$0x9210]  }
0x235: {  	v20 =	vld [tilespmem:s14+$0xA610]  }
0x236: {  	v21 =	vld [tilespmem:s14+$0xBA10]  }
0x237: {  	v22 =	vld [tilespmem:s14+$0x6A20]  }
0x238: {  	v23 =	vld [tilespmem:s14+$0x7E20]  }
0x239: {  	v24 =	vld [tilespmem:s14+$0x9220]  }
0x23a: {  	v63 =	vld [tilespmem:s14+$0xA620]  }
0x23b: {  	v29 =	vld [tilespmem:s14+$0x6A30]  }
0x23c: {  	v31 =	vld [tilespmem:s14+$0x7E30]  }
0x23d: {  	v32 =	vld [tilespmem:s14+$0x9230]  }
0x23e: {  	v25 =	vld [tilespmem:s14+$0xBA20]  }
0x23f: {  	v36 =	vld [tilespmem:s14+$0xBA30]  }
0x240: {  	v38 =	vld [tilespmem:s14+$0x6A40]  }
0x241: {  	v26 =	vld [tilespmem:s14+$0x9240]  }
0x242: {  	v44 =	vld [tilespmem:s14+$0x6A50];
	v13 =	vmin.f32 v8, v13;
	v12 =	vmax.f32 v7, v12  }
0x243: {  	v27 =	vld [tilespmem:s14+$0x9250];
	v62 =	vmin.f32 v10, v15;
	v14 =	vmax.f32 v9, v14;
	v28 =	vmin.f32 v8, v18  }
0x244: {  	v52 =	vld [tilespmem:s14+$0x9260];
	v17 =	vmax.f32 v7, v17;
	v30 =	vmin.f32 v10, v20;
	v19 =	vmax.f32 v9, v19  }
0x245: {  	v57 =	vld [tilespmem:s14+$0x7E70];
	v23 =	vmin.f32 v8, v23;
	v22 =	vmax.f32 v7, v22;
	v16 =	vadd.f32 v16, v11  }
0x246: {  	v59 =	vld [tilespmem:s14+$0x9270];
	v21 =	vadd.f32 v21, v11;
	v15 =	vmin.f32 v10, v63;
	v37 =	vmax.f32 v9, v24  }
0x247: {  	v39 =	vld [tilespmem:s14+$0x7E40];
	v20 =	vmin.f32 v8, v31;
	v18 =	vmax.f32 v7, v29;
	v43 =	vadd.f32 v25, v11  }
0x248: {  	v46 =	vld [tilespmem:s14+$0x7E50];
	v45 =	vadd.f32 v36, v11;
	v24 =	vmax.f32 v7, v38;
	v51 =	vmax.f32 v9, v26  }
0x249: {  	v56 =	vmax.f32 v7, v44;
	v58 =	vmax.f32 v9, v27;
	v26 =	vmax.f32 v9, v52  }
0x24a: {  	v25 =	vmin.f32 v8, v57;
	v12 =	vsub.f32 v13, v12;
	v13 =	vsub.f32 v62, v14  }
0x24b: {  	v34 =	vld [tilespmem:s14+$0xA630];
	v31 =	vmax.f32 v9, v59;
	v14 =	vsub.f32 v28, v17;
	v17 =	vsub.f32 v30, v19  }
0x24c: {  	v35 =	vsub.f32 v23, v22;
	v15 =	vsub.f32 v15, v37;
	v19 =	vmax.f32 v9, v32  }
0x24d: {  	v40 =	vld [tilespmem:s14+$0xA640];
	v18 =	vsub.f32 v20, v18;
	v23 =	vmin.f32 v8, v39;
	v22 =	vmin.f32 v8, v46  }
0x24e: {  	v55 =	vld [tilespmem:s14+$0x6A70];
	v23 =	vsub.f32 v23, v24;
	v22 =	vsub.f32 v22, v56;
	v12 =	vmax.f32 v12, $0.0e+00  }
0x24f: {  	s31 =	scvt.s32.f32 s20;
	v42 =	vld [tilespmem:s14+$0xBA40];
	v13 =	vmax.f32 v13, $0.0e+00;
	v33 =	vmax.f32 v14, $0.0e+00;
	v17 =	vmax.f32 v17, $0.0e+00  }
0x250: {  	v63 =	vld [tilespmem:s14+$0xBA60];
	v14 =	vmin.f32 v10, v34;
	v15 =	vmax.f32 v15, $0.0e+00;
	v18 =	vmax.f32 v18, $0.0e+00  }
0x251: {  	v62 =	vld [tilespmem:s14+$0xBA50];
	v34 =	vadd.f32 s31, v3;
	v12 =	vmul.f32 v13, v12;
	v13 =	vmul.f32 v17, v33  }
0x252: {  	v30 =	vld [tilespmem:s14+$0xBA70];
	v17 =	vmax.f32 v35, $0.0e+00;
	v14 =	vsub.f32 v14, v19;
	v19 =	vmin.f32 v10, v40  }
0x253: {  	v48 =	vld [tilespmem:s14+$0xA650];
	v54 =	vmax.f32 v23, $0.0e+00;
	v23 =	vmax.f32 v7, v55;
	v19 =	vsub.f32 v19, v51  }
0x254: {  	v28 =	vld [tilespmem:s14+$0x7E60];
	v15 =	vmul.f32 v15, v17;
	v17 =	vadd.f32 v42, v11;
	v29 =	vsub.f32 v25, v23  }
0x255: {  	v22 =	vmax.f32 v22, $0.0e+00;
	v24 =	vadd.f32 v63, v11;
	v37 =	vadd.f32 $3.200000000e+01, v34  }
0x256: {  	v50 =	vld [tilespmem:s14+$0x6A60];
	v16 =	vsub.f32 v16, v12;
	v41 =	vsub.f32 v21, v13;
	v14 =	vmax.f32 v14, $0.0e+00  }
0x257: {  	v53 =	vld [tilespmem:s14+$0xA660];
	v32 =	vadd.f32 v62, v11;
	v33 =	vadd.f32 v30, v11;
	v14 =	vmul.f32 v14, v18  }
0x258: {  	v21 =	vsub.f32 v43, v15;
	v18 =	vmin.f32 v10, v48;
	v16 =	vadd.f32 $1.000000010e-07, v16  }
0x259: {  	v60 =	vld [tilespmem:s14+$0xA670];
	v61 =	vmin.f32 v8, v28;
	v20 =	vadd.f32 $1.000000010e-07, v41;
	v18 =	vsub.f32 v18, v58  }
0x25a: {  	v19 =	vmax.f32 v19, $0.0e+00;
	v47 =	vsub.f32 v45, v14;
	v49 =	vadd.f32 $1.000000010e-07, v21  }
0x25b: {  	v21 =	vmax.f32 v7, v50;
	(erf) = vrcp.f32 v16;
	v18 =	vmax.f32 v18, $0.0e+00  }
0x25c: {  	(erf) = vrcp.f32 v20;
	v16 =	vadd.f32 $1.000000010e-07, v47;
	v20 =	vmin.f32 v10, v53  }
0x25d: {  	v21 =	vsub.f32 v61, v21;
	(erf) = vrcp.f32 v49;
	v20 =	vsub.f32 v20, v26  }
0x25e: {  	(erf) = vrcp.f32 v16;
	v16 =	vmul.f32 v19, v54;
	v19 =	vmin.f32 v10, v60  }
0x25f: {  	v40 =	vadd.f32 $3.200000000e+01, v37;
	v18 =	vmul.f32 v18, v22;
	v19 =	vsub.f32 v19, v31  }
0x260: {  	v22 =	vmax.f32 v29, $0.0e+00;
	v21 =	vmax.f32 v21, $0.0e+00;
	v20 =	vmax.f32 v20, $0.0e+00  }
0x261: {  	v17 =	vsub.f32 v17, v16;
	v20 =	vmul.f32 v20, v21;
	v19 =	vmax.f32 v19, $0.0e+00  }
0x262: {  	v44 =	vadd.f32 $3.200000000e+01, v40;
	v21 =	vsub.f32 v32, v18;
	v19 =	vmul.f32 v19, v22  }
0x263: {  	v17 =	vadd.f32 $1.000000010e-07, v17;
	v35 =	vsub.f32 v24, v20  }
0x264: {  	v21 =	vadd.f32 $1.000000010e-07, v21;
	v22 =	vsub.f32 v33, v19  }
0x265: {  	v47 =	vadd.f32 $3.200000000e+01, v44;
	(erf) = vrcp.f32 v17;
	v17 =	vadd.f32 $1.000000010e-07, v35  }
0x266: {  	v36 =	vpop (erf);
	(erf) = vrcp.f32 v21;
	v22 =	vadd.f32 $1.000000010e-07, v22  }
0x267: {  	v50 =	vadd.f32 $3.200000000e+01, v47;
	v38 =	vpop (erf);
	(erf) = vrcp.f32 v17  }
0x268: {  	v12 =	vmul.f32 v36, v12;
	(erf) = vrcp.f32 v22  }
0x269: {  	v55 =	vadd.f32 $3.200000000e+01, v50;
	v13 =	vmul.f32 v38, v13;
	v41 =	vpop (erf)  }
0x26a: {  	v39 =	vsub.f32 v34, v12;
	vm0 =	vgt.f32 v12, $5.000000000e-01;
	v43 =	vpop (erf);
	v15 =	vmul.f32 v41, v15  }
0x26b: {  	vm1 =	vgt.f32 v13, $5.000000000e-01;
	v42 =	vsub.f32 v37, v13;
	v13 =	vmul.f32 v43, v14  }
0x26c: {  	v17 =	vmin.f32 v39, $1.000000000e+09;
	v46 =	vsub.f32 v40, v15;
	vm10 =	vgt.f32 v15, $5.000000000e-01  }
0x26d: {  	v17 =	vnsel vm0, $0x4E6E6B28, v17;
	v12 =	vnsel vm1, $0x4E6E6B28, v42;
	v48 =	vsub.f32 v44, v13  }
0x26e: {  	vm11 =	vgt.f32 v13, $5.000000000e-01;
	v12 =	vmin.f32 v17, v12;
	v49 =	vnsel vm10, $0x4E6E6B28, v46;
	v45 =	vpop (erf)  }
0x26f: {  	v12 =	vmin.f32 v12, v49;
	v15 =	vnsel vm11, $0x4E6E6B28, v48;
	v14 =	vmul.f32 v45, v16;
	v51 =	vpop (erf)  }
0x270: {  	v59 =	vadd.f32 $3.200000000e+01, v55;
	v12 =	vmin.f32 v12, v15;
	v53 =	vpop (erf);
	v54 =	vmul.f32 v51, v18  }
0x271: {  	v52 =	vsub.f32 v47, v14;
	vm12 =	vgt.f32 v14, $5.000000000e-01;
	v57 =	vmul.f32 v53, v20;
	v58 =	vpop (erf)  }
0x272: {  	v13 =	vsub.f32 v50, v54;
	vm13 =	vgt.f32 v54, $5.000000000e-01;
	v18 =	vmul.f32 v58, v19  }
0x273: {  	v56 =	vnsel vm12, $0x4E6E6B28, v52;
	v60 =	vsub.f32 v55, v57;
	vm14 =	vgt.f32 v57, $5.000000000e-01  }
0x274: {  	v12 =	vmin.f32 v12, v56;
	v13 =	vnsel vm13, $0x4E6E6B28, v13;
	v61 =	vsub.f32 v59, v18  }
0x275: {  	v12 =	vmin.f32 v12, v13;
	v62 =	vnsel vm14, $0x4E6E6B28, v60;
	vm15 =	vgt.f32 v18, $5.000000000e-01  }
0x276: {  	v12 =	vmin.f32 v12, v62;
	v63 =	vnsel vm15, $0x4E6E6B28, v61  }
0x277: {  	v12 =	vmin.f32 v12, v63  }
0x278: {  	v13 =	vperm.xlane v12, v0;
	_ =	sdelay $0x1  }
0x279: {  	v12 =	vmin.f32 v12, v13  }
0x27a: {  	v13 =	vperm.xlane v12, v1;
	_ =	sdelay $0x1  }
0x27b: {  	v12 =	vmin.f32 v12, v13  }
0x27c: {  	v13 =	vperm.xlane v12, v2;
	_ =	sdelay $0x1  }
0x27d: {  	v12 =	vmin.f32 v12, v13  }
0x27e: {  	v13 =	vperm.xlane v12, v4;
	_ =	sdelay $0x1  }
0x27f: {  	v12 =	vmin.f32 v12, v13  }
0x280: {  	(v2sf) =	vpush v12, $0x0;
	_ =	sdelay $0xb  }
.Ltmp24:
0x281: {  	_ = 	snop;
	(pc) =	sbr.rel .LBB2_23-.Ltmp24, $3  }
0x282: {  	_ =	sdelay $0x1  }
0x283: {  	s14 =	spop (v2sf)  }
0x284: {  	[smem:$0x0] =	sst s14  }
.LBB2_26:
0x285: {  	_ =	sfence.sel $0x180000  }
0x286: {  	[bflag:$0x0] =	sbarrier.arrive $0xFFFF  }
0x287: {  	p0 =	sne.s32 s3, $0x0;
	_ =	strace $0x90000047  }
0x288: {  	s0 =	sadd.s32 @!p0 $0x100000, s1;
	[bflag:$0x2] =	sbarrier.arrive $0xFFFF  }
0x289: {  	[sflag:s0] =	ssyncadd.tile.s32 @!p0 $0x1;
	_ =	shalt  }
.Lfunc_end2:
_tile_overlayer_lowered:
.L_overlay_start_2:
0x28a: {  	(tag) =	ssettag $0x2  }
0x28b: {  	s0 =	rddreg [dreg:$0x0];
	s2 =	stileid.u32  }
0x28c: {  	s1 =	rddreg [dreg:$0x1];
	p0 =	sne.s32 s2, $0x0  }
0x28d: {  	s3 =	rddreg [dreg:$0x2];
	[bflag:$0x3] =	sbarrier.arrive $0xFFFF;
	s2 =	simm.s32 @!p0 $0x1C01  }
0x28e: {  	[timem:s3], [sflag:s2] =	dma.local @!p0 [hbm:s0], s1  }
0x28f: {  	s0 =	simm.s32 @!p0 $0x1  }
0x290: {  	_ =	swait.ge @!p0 [sflag:s0], s1  }
0x291: {  	s1 =	ssub.s32 @!p0 $0x0, s1;
	[sflag:s0] =	ssyncset.done @!p0 $0x0  }
0x292: {  	[sflag:s0] =	ssyncadd.s32 @!p0 s1  }
0x293: {  	[bflag:$0x3] =	sbarrier.arrive $0xFFFF  }
0x294: {  	_ =	shalt  }

</sc_bundles>
